<compile_context>
chip_gen: v7x
topology: tpu7x:2x2x1
jax: 0.10.2.dev20260603
libtpu: 0.0.44.dev20260713+nightly
codegen_flags: <defaults>
</compile_context>

<pallas_src>
import functools

import jax
import jax.numpy as jnp
from jax import lax
from jax.experimental import pallas as pl
from jax.experimental.pallas import tpu as pltpu
from jax.experimental.pallas import tpu_sc as plsc

NUM_VIEW = 2
N = 10000
E = 320000
FT = 128
HID = 128
CDIM = 64
PDIM = 64

NTILE = 16
CHUNK = 125
IB = 8
NCH = 160
NIB = NCH // IB
EPT = NCH * CHUNK
EPAD = EPT * NTILE
TPB = 632
NP = TPB * NTILE
SCB = 96

ROWB = 400
NROWB = N // ROWB


def _sc_agg_body(x2, srcp, dstp, z128, ones128, out, src_v, dst_v, rows_a,
                 rows_b, acc_sh, sem_a, sem_b, ssem_a, ssem_b):
    c = lax.axis_index("c")
    s = lax.axis_index("s")
    base = s * TPB
    rows = (rows_a, rows_b)
    sems = (sem_a, sem_b)
    ssems = (ssem_a, ssem_b)

    def zero_acc():
        pltpu.sync_copy(z128, rows_a)
        for k in range(0, TPB, SCB):
            w = min(SCB, TPB - k)
            pltpu.sync_copy(rows_a.at[pl.ds(0, w)],
                            acc_sh.at[pl.ds(base + k, w)])

    def copy_out(phase):
        for k in range(0, TPB, SCB):
            w = min(SCB, TPB - k)
            pltpu.sync_copy(acc_sh.at[pl.ds(base + k, w)],
                            rows_a.at[pl.ds(0, w)])
            pltpu.sync_copy(rows_a.at[pl.ds(0, w)],
                            out.at[c, phase, pl.ds(base + k, w)])

    zero_acc()
    plsc.subcore_barrier()

    def step1(ib, carry):
        pltpu.sync_copy(srcp.at[c, s, ib], src_v)
        pltpu.sync_copy(dstp.at[c, s, ib], dst_v)
        pend = pltpu.async_copy(x2.at[src_v.at[0]], rows[0], sems[0])
        scs = [None, None]
        for j in range(IB):
            pend.wait()
            sc = pltpu.async_copy(rows[j % 2], acc_sh.at[dst_v.at[j]],
                                  ssems[j % 2], add=True)
            if j + 1 < IB:
                if scs[(j + 1) % 2] is not None:
                    scs[(j + 1) % 2].wait()
                pend = pltpu.async_copy(x2.at[src_v.at[j + 1]],
                                        rows[(j + 1) % 2], sems[(j + 1) % 2])
            scs[j % 2] = sc
        scs[(IB - 1) % 2].wait()
        scs[IB % 2].wait()
        return carry

    lax.fori_loop(0, NIB, step1, 0)
    plsc.subcore_barrier()
    copy_out(0)
    pltpu.sync_copy(ones128, rows_b)
    plsc.subcore_barrier()


    def step2(ib, carry):
        pltpu.sync_copy(dstp.at[c, s, ib], dst_v)
        descs = [pltpu.async_copy(rows_b, acc_sh.at[dst_v.at[j]], ssem_a,
                                  add=True) for j in range(IB)]
        for d in descs:
            d.wait()
        return carry

    lax.fori_loop(0, NIB, step2, 0)
    plsc.subcore_barrier()
    copy_out(1)


@functools.cache
def _sc_agg():
    return pl.kernel(
        _sc_agg_body,
        out_type=jax.ShapeDtypeStruct((NUM_VIEW, 2, NP, FT), jnp.float32),
        mesh=plsc.VectorSubcoreMesh(core_axis_name="c", subcore_axis_name="s"),
        scratch_types=[
            pltpu.VMEM((IB, CHUNK), jnp.int32),
            pltpu.VMEM((IB, CHUNK), jnp.int32),
            pltpu.VMEM((CHUNK, FT), jnp.float32),
            pltpu.VMEM((CHUNK, FT), jnp.float32),
            pltpu.VMEM_SHARED((NP, FT), jnp.float32),
            pltpu.SemaphoreType.DMA,
            pltpu.SemaphoreType.DMA,
            pltpu.SemaphoreType.DMA,
            pltpu.SemaphoreType.DMA,
        ],
    )


def _dense_body(acc, wg, bg, ws, bs, wp, bp, wa, wb, bd1, wd2, bd2,
                wo, bo, com, priv, rec):
    f32 = jnp.float32
    dg = jnp.maximum(acc[0, 1, :, 0:1] - acc[0, 0, :, 0:1], 1.0)
    a = acc[0, 0] / dg
    h = jnp.maximum(jnp.dot(a, wg[0], preferred_element_type=f32) + bg[0], 0.0)
    cc = jnp.dot(h, ws[0], preferred_element_type=f32) + bs[0]
    pp = jnp.dot(h, wp[0], preferred_element_type=f32) + bp[0]
    d1 = jnp.maximum(jnp.dot(cc, wa[0], preferred_element_type=f32)
                     + jnp.dot(pp, wb[0], preferred_element_type=f32)
                     + bd1[0], 0.0)
    d2 = jnp.dot(d1, wd2[0], preferred_element_type=f32) + bd2[0]
    r = jnp.dot(jnp.maximum(d2, 0.0), wo[0], preferred_element_type=f32) + bo[0]
    com[0] = cc
    priv[0] = pp
    rec[0] = r


def _row_spec(d):
    return pl.BlockSpec((1, ROWB, d), lambda v, i: (v, i, 0))


def _w_spec(r, c):
    return pl.BlockSpec((1, r, c), lambda v, i: (v, 0, 0))


_dense = pl.pallas_call(
    _dense_body,
    grid=(NUM_VIEW, NROWB),
    in_specs=[
        pl.BlockSpec((1, 2, ROWB, FT), lambda v, i: (v, 0, i, 0)),
        _w_spec(FT, HID),
        _w_spec(1, HID),
        _w_spec(HID, CDIM),
        _w_spec(1, CDIM),
        _w_spec(HID, PDIM),
        _w_spec(1, PDIM),
        _w_spec(CDIM, HID),
        _w_spec(PDIM, HID),
        _w_spec(1, HID),
        _w_spec(HID, FT),
        _w_spec(1, FT),
        _w_spec(FT, FT),
        _w_spec(1, FT),
    ],
    out_specs=[_row_spec(CDIM), _row_spec(PDIM), _row_spec(FT)],
    out_shape=[
        jax.ShapeDtypeStruct((NUM_VIEW, N, CDIM), jnp.float32),
        jax.ShapeDtypeStruct((NUM_VIEW, N, PDIM), jnp.float32),
        jax.ShapeDtypeStruct((NUM_VIEW, N, FT), jnp.float32),
    ],
)


def kernel(x, adj, W_gcn, b_gcn, W_s, b_s, W_p, b_p, W_d1, b_d1, W_d2, b_d2,
           W_out, b_out):
    x2 = x.reshape(NUM_VIEW * N, FT)
    voff = (jnp.arange(NUM_VIEW, dtype=jnp.int32) * N)[:, None]
    pad = EPAD - E
    src = adj[:, 0, :] + voff
    dst = adj[:, 1, :]
    if pad:
        pad_src = jnp.broadcast_to((jnp.arange(pad, dtype=jnp.int32) * 31) % N,
                                   (NUM_VIEW, pad)) + voff
        pad_dst = jnp.broadcast_to(
            N + (jnp.arange(pad, dtype=jnp.int32) % (NP - N)), (NUM_VIEW, pad))
        src = jnp.concatenate([src, pad_src], axis=1)
        dst = jnp.concatenate([dst, pad_dst], axis=1)
    srcp = src.reshape(NUM_VIEW, NTILE, NIB, IB, CHUNK)
    dstp = dst.reshape(NUM_VIEW, NTILE, NIB, IB, CHUNK)
    z128 = jnp.zeros((CHUNK, FT), jnp.float32)
    ones128 = jnp.ones((CHUNK, FT), jnp.float32)

    out = _sc_agg()(x2, srcp, dstp, z128, ones128)

    com, priv, rec = _dense(
        out, W_gcn, b_gcn.reshape(NUM_VIEW, 1, HID),
        W_s, b_s.reshape(NUM_VIEW, 1, CDIM),
        W_p, b_p.reshape(NUM_VIEW, 1, PDIM),
        W_d1[:, :CDIM], W_d1[:, CDIM:], b_d1.reshape(NUM_VIEW, 1, HID),
        W_d2, b_d2.reshape(NUM_VIEW, 1, FT),
        W_out, b_out.reshape(NUM_VIEW, 1, FT))
    return (com, priv, rec)

# --- scband reference (transcript-rebuilt; emitter-appended) ---
"""Pipeline reference for scband-gnndae-6975026889101 (READ-ONLY COPY).

The authoritative reference and input builder live on the scoring server;
editing this copy changes nothing except your own understanding.
"""

import jax, jax.numpy as jnp
import numpy as np

NUM_VIEW = 2
N = 10000
E = 320000
FT = 128
HID = 128
CDIM = 64
PDIM = 64


def setup_inputs(seed: int = 0) -> dict:
    key = jax.random.key(seed)
    ks = jax.random.split(key, 16)
    x = jax.random.normal(ks[0], (NUM_VIEW, N, FT), dtype=jnp.float32)
    adj = jax.random.randint(ks[1], (NUM_VIEW, 2, E), 0, N, dtype=jnp.int32)
    s = 0.05
    W_gcn = jax.random.normal(ks[2], (NUM_VIEW, FT, HID), dtype=jnp.float32) * s
    b_gcn = jnp.zeros((NUM_VIEW, HID), dtype=jnp.float32)
    W_s = jax.random.normal(ks[3], (NUM_VIEW, HID, CDIM), dtype=jnp.float32) * s
    b_s = jnp.zeros((NUM_VIEW, CDIM), dtype=jnp.float32)
    W_p = jax.random.normal(ks[4], (NUM_VIEW, HID, PDIM), dtype=jnp.float32) * s
    b_p = jnp.zeros((NUM_VIEW, PDIM), dtype=jnp.float32)
    W_d1 = jax.random.normal(ks[5], (NUM_VIEW, CDIM + PDIM, HID), dtype=jnp.float32) * s
    b_d1 = jnp.zeros((NUM_VIEW, HID), dtype=jnp.float32)
    W_d2 = jax.random.normal(ks[6], (NUM_VIEW, HID, FT), dtype=jnp.float32) * s
    b_d2 = jnp.zeros((NUM_VIEW, FT), dtype=jnp.float32)
    W_out = jax.random.normal(ks[7], (NUM_VIEW, FT, FT), dtype=jnp.float32) * s
    b_out = jnp.zeros((NUM_VIEW, FT), dtype=jnp.float32)
    return {"x": x, "adj": adj, "W_gcn": W_gcn, "b_gcn": b_gcn, "W_s": W_s, "b_s": b_s,
            "W_p": W_p, "b_p": b_p, "W_d1": W_d1, "b_d1": b_d1, "W_d2": W_d2,
            "b_d2": b_d2, "W_out": W_out, "b_out": b_out}


def _gcn(xv, ei, W, b):
    src = ei[0]
    dst = ei[1]
    msg = jnp.take(xv, src, axis=0)
    agg = jax.ops.segment_sum(msg, dst, num_segments=N)
    deg = jax.ops.segment_sum(jnp.ones((E, 1), xv.dtype), dst, num_segments=N)
    h = agg / jnp.clip(deg, 1.0)
    return jax.nn.relu(h @ W + b)


def reference(x, adj, W_gcn, b_gcn, W_s, b_s, W_p, b_p, W_d1, b_d1, W_d2, b_d2, W_out, b_out):
    commons, privates, recons = [], [], []
    for i in range(NUM_VIEW):
        h = _gcn(x[i], adj[i], W_gcn[i], b_gcn[i])
        c = h @ W_s[i] + b_s[i]
        p = h @ W_p[i] + b_p[i]
        commons.append(c)
        privates.append(p)
        z = jnp.concatenate([c, p], axis=1)
        d = jax.nn.relu(z @ W_d1[i] + b_d1[i])
        d = d @ W_d2[i] + b_d2[i]
        r = jax.nn.relu(d) @ W_out[i] + b_out[i]
        recons.append(r)
    return (jnp.stack(commons), jnp.stack(privates), jnp.stack(recons))

if __name__ == "__main__":
    import jax
    _d = setup_inputs()
    print(jax.jit(kernel)(*tuple(_d.values())))

</pallas_src>

<mosaic_0001>
#map = affine_map<(d0, d1) -> (0, 0)>
#map1 = affine_map<(d0, d1) -> (0, 0, 0, 0, 0)>
#map2 = affine_map<(d0, d1) -> (0, 0, 0, 0)>
module attributes {stable_mosaic.version = 14 : i64} {
  func.func @_sc_agg_body(%arg0: i32, %arg1: i32, %arg2: memref<20000x128xf32, #tpu.memory_space<hbm>>, %arg3: memref<2x16x20x8x125xi32, #tpu.memory_space<hbm>>, %arg4: memref<2x16x20x8x125xi32, #tpu.memory_space<hbm>>, %arg5: memref<125x128xf32, #tpu.memory_space<hbm>>, %arg6: memref<125x128xf32, #tpu.memory_space<hbm>>, %arg7: memref<2x2x10112x128xf32, #tpu.memory_space<hbm>>, %arg8: memref<8x125xi32, #tpu.memory_space<vmem>>, %arg9: memref<8x125xi32, #tpu.memory_space<vmem>>, %arg10: memref<125x128xf32, #tpu.memory_space<vmem>>, %arg11: memref<125x128xf32, #tpu.memory_space<vmem>>, %arg12: memref<10112x128xf32, #tpu.memory_space<vmem_shared>>, %arg13: memref<!tpu.dma_semaphore, #tpu.memory_space<semaphore_mem>>, %arg14: memref<!tpu.dma_semaphore, #tpu.memory_space<semaphore_mem>>, %arg15: memref<!tpu.dma_semaphore, #tpu.memory_space<semaphore_mem>>, %arg16: memref<!tpu.dma_semaphore, #tpu.memory_space<semaphore_mem>>) attributes {dimension_semantics = [#tpu.dimension_semantics<core_parallel>, #tpu.dimension_semantics<subcore_parallel>], iteration_bounds = array<i64: 2, 16>, scalar_prefetch = 0 : i64, scratch_operands = 9 : i64, tpu.core_type = #tpu.core_type<sc_vector_subcore>, window_params = [{transform_indices = #map}, {transform_indices = #map1}, {transform_indices = #map1}, {transform_indices = #map}, {transform_indices = #map}, {transform_indices = #map2}]} {
    %mul3A = arith.constant 632 : i32
    %mul3A_0 = arith.muli %arg1, %mul3A : i32
    "tpu.region"() ({
      %run_scoped3A_97 = tpu.sem_alloc : memref<!tpu.dma_semaphore, #tpu.memory_space<semaphore_mem>>
      tpu.enqueue_dma source(%arg5 : memref<125x128xf32, #tpu.memory_space<hbm>>) target(%arg10 : memref<125x128xf32, #tpu.memory_space<vmem>>) target_semaphore(%run_scoped3A_97 : memref<!tpu.dma_semaphore, #tpu.memory_space<semaphore_mem>>)
      tpu.wait_dma2 semaphore(%run_scoped3A_97 : memref<!tpu.dma_semaphore, #tpu.memory_space<semaphore_mem>>) src(%arg5 : memref<125x128xf32, #tpu.memory_space<hbm>>) dst(%arg10 : memref<125x128xf32, #tpu.memory_space<vmem>>)
      tpu.yield
    }) : () -> ()
    %add3A = arith.constant 0 : i32
    %add3A_1 = arith.addi %mul3A_0, %add3A : i32
    "tpu.region"() ({
      %run_scoped3A_97 = tpu.sem_alloc : memref<!tpu.dma_semaphore, #tpu.memory_space<semaphore_mem>>
      %dma_start3A = arith.constant 0 : i32
      %dma_start3A_98 = arith.constant 0 : i32
      %dma_start3A_99 = tpu.memref_slice %arg10[%dma_start3A, %dma_start3A_98] : memref<125x128xf32, #tpu.memory_space<vmem>> -> memref<96x128xf32, #tpu.memory_space<vmem>>
      %dma_start3A_100 = arith.constant 0 : i32
      %dma_start3A_101 = tpu.memref_slice %arg12[%add3A_1, %dma_start3A_100] : memref<10112x128xf32, #tpu.memory_space<vmem_shared>> -> memref<96x128xf32, #tpu.memory_space<vmem_shared>>
      %dma_start3A_102 = arith.constant 0 : i32
      %dma_start3A_103 = tpu.memref_slice %arg12[%add3A_1, %dma_start3A_102] : memref<10112x128xf32, #tpu.memory_space<vmem_shared>> -> memref<96x128xf32, #tpu.memory_space<vmem_shared>>
      %dma_start3A_104 = arith.constant 0 : i32
      %dma_start3A_105 = arith.constant 0 : i32
      %dma_start3A_106 = tpu.memref_slice %arg10[%dma_start3A_104, %dma_start3A_105] : memref<125x128xf32, #tpu.memory_space<vmem>> -> memref<96x128xf32, #tpu.memory_space<vmem>>
      tpu.enqueue_dma source(%dma_start3A_106 : memref<96x128xf32, #tpu.memory_space<vmem>>) target(%dma_start3A_103 : memref<96x128xf32, #tpu.memory_space<vmem_shared>>) target_semaphore(%run_scoped3A_97 : memref<!tpu.dma_semaphore, #tpu.memory_space<semaphore_mem>>)
      %dma_wait3A = arith.constant 0 : i32
      %dma_wait3A_107 = arith.constant 0 : i32
      %dma_wait3A_108 = tpu.memref_slice %arg10[%dma_wait3A, %dma_wait3A_107] : memref<125x128xf32, #tpu.memory_space<vmem>> -> memref<96x128xf32, #tpu.memory_space<vmem>>
      %dma_wait3A_109 = arith.constant 0 : i32
      %dma_wait3A_110 = tpu.memref_slice %arg12[%add3A_1, %dma_wait3A_109] : memref<10112x128xf32, #tpu.memory_space<vmem_shared>> -> memref<96x128xf32, #tpu.memory_space<vmem_shared>>
      %dma_wait3A_111 = arith.constant 0 : i32
      %dma_wait3A_112 = tpu.memref_slice %arg12[%add3A_1, %dma_wait3A_111] : memref<10112x128xf32, #tpu.memory_space<vmem_shared>> -> memref<96x128xf32, #tpu.memory_space<vmem_shared>>
      %dma_wait3A_113 = arith.constant 0 : i32
      %dma_wait3A_114 = arith.constant 0 : i32
      %dma_wait3A_115 = tpu.memref_slice %arg10[%dma_wait3A_113, %dma_wait3A_114] : memref<125x128xf32, #tpu.memory_space<vmem>> -> memref<96x128xf32, #tpu.memory_space<vmem>>
      tpu.wait_dma2 semaphore(%run_scoped3A_97 : memref<!tpu.dma_semaphore, #tpu.memory_space<semaphore_mem>>) src(%dma_wait3A_115 : memref<96x128xf32, #tpu.memory_space<vmem>>) dst(%dma_wait3A_112 : memref<96x128xf32, #tpu.memory_space<vmem_shared>>)
      tpu.yield
    }) : () -> ()
    %add3A_2 = arith.constant 96 : i32
    %add3A_3 = arith.addi %mul3A_0, %add3A_2 : i32
    "tpu.region"() ({
      %run_scoped3A_97 = tpu.sem_alloc : memref<!tpu.dma_semaphore, #tpu.memory_space<semaphore_mem>>
      %dma_start3A = arith.constant 0 : i32
      %dma_start3A_98 = arith.constant 0 : i32
      %dma_start3A_99 = tpu.memref_slice %arg10[%dma_start3A, %dma_start3A_98] : memref<125x128xf32, #tpu.memory_space<vmem>> -> memref<96x128xf32, #tpu.memory_space<vmem>>
      %dma_start3A_100 = arith.constant 0 : i32
      %dma_start3A_101 = tpu.memref_slice %arg12[%add3A_3, %dma_start3A_100] : memref<10112x128xf32, #tpu.memory_space<vmem_shared>> -> memref<96x128xf32, #tpu.memory_space<vmem_shared>>
      %dma_start3A_102 = arith.constant 0 : i32
      %dma_start3A_103 = tpu.memref_slice %arg12[%add3A_3, %dma_start3A_102] : memref<10112x128xf32, #tpu.memory_space<vmem_shared>> -> memref<96x128xf32, #tpu.memory_space<vmem_shared>>
      %dma_start3A_104 = arith.constant 0 : i32
      %dma_start3A_105 = arith.constant 0 : i32
      %dma_start3A_106 = tpu.memref_slice %arg10[%dma_start3A_104, %dma_start3A_105] : memref<125x128xf32, #tpu.memory_space<vmem>> -> memref<96x128xf32, #tpu.memory_space<vmem>>
      tpu.enqueue_dma source(%dma_start3A_106 : memref<96x128xf32, #tpu.memory_space<vmem>>) target(%dma_start3A_103 : memref<96x128xf32, #tpu.memory_space<vmem_shared>>) target_semaphore(%run_scoped3A_97 : memref<!tpu.dma_semaphore, #tpu.memory_space<semaphore_mem>>)
      %dma_wait3A = arith.constant 0 : i32
      %dma_wait3A_107 = arith.constant 0 : i32
      %dma_wait3A_108 = tpu.memref_slice %arg10[%dma_wait3A, %dma_wait3A_107] : memref<125x128xf32, #tpu.memory_space<vmem>> -> memref<96x128xf32, #tpu.memory_space<vmem>>
      %dma_wait3A_109 = arith.constant 0 : i32
      %dma_wait3A_110 = tpu.memref_slice %arg12[%add3A_3, %dma_wait3A_109] : memref<10112x128xf32, #tpu.memory_space<vmem_shared>> -> memref<96x128xf32, #tpu.memory_space<vmem_shared>>
      %dma_wait3A_111 = arith.constant 0 : i32
      %dma_wait3A_112 = tpu.memref_slice %arg12[%add3A_3, %dma_wait3A_111] : memref<10112x128xf32, #tpu.memory_space<vmem_shared>> -> memref<96x128xf32, #tpu.memory_space<vmem_shared>>
      %dma_wait3A_113 = arith.constant 0 : i32
      %dma_wait3A_114 = arith.constant 0 : i32
      %dma_wait3A_115 = tpu.memref_slice %arg10[%dma_wait3A_113, %dma_wait3A_114] : memref<125x128xf32, #tpu.memory_space<vmem>> -> memref<96x128xf32, #tpu.memory_space<vmem>>
      tpu.wait_dma2 semaphore(%run_scoped3A_97 : memref<!tpu.dma_semaphore, #tpu.memory_space<semaphore_mem>>) src(%dma_wait3A_115 : memref<96x128xf32, #tpu.memory_space<vmem>>) dst(%dma_wait3A_112 : memref<96x128xf32, #tpu.memory_space<vmem_shared>>)
      tpu.yield
    }) : () -> ()
    %add3A_4 = arith.constant 192 : i32
    %add3A_5 = arith.addi %mul3A_0, %add3A_4 : i32
    "tpu.region"() ({
      %run_scoped3A_97 = tpu.sem_alloc : memref<!tpu.dma_semaphore, #tpu.memory_space<semaphore_mem>>
      %dma_start3A = arith.constant 0 : i32
      %dma_start3A_98 = arith.constant 0 : i32
      %dma_start3A_99 = tpu.memref_slice %arg10[%dma_start3A, %dma_start3A_98] : memref<125x128xf32, #tpu.memory_space<vmem>> -> memref<96x128xf32, #tpu.memory_space<vmem>>
      %dma_start3A_100 = arith.constant 0 : i32
      %dma_start3A_101 = tpu.memref_slice %arg12[%add3A_5, %dma_start3A_100] : memref<10112x128xf32, #tpu.memory_space<vmem_shared>> -> memref<96x128xf32, #tpu.memory_space<vmem_shared>>
      %dma_start3A_102 = arith.constant 0 : i32
      %dma_start3A_103 = tpu.memref_slice %arg12[%add3A_5, %dma_start3A_102] : memref<10112x128xf32, #tpu.memory_space<vmem_shared>> -> memref<96x128xf32, #tpu.memory_space<vmem_shared>>
      %dma_start3A_104 = arith.constant 0 : i32
      %dma_start3A_105 = arith.constant 0 : i32
      %dma_start3A_106 = tpu.memref_slice %arg10[%dma_start3A_104, %dma_start3A_105] : memref<125x128xf32, #tpu.memory_space<vmem>> -> memref<96x128xf32, #tpu.memory_space<vmem>>
      tpu.enqueue_dma source(%dma_start3A_106 : memref<96x128xf32, #tpu.memory_space<vmem>>) target(%dma_start3A_103 : memref<96x128xf32, #tpu.memory_space<vmem_shared>>) target_semaphore(%run_scoped3A_97 : memref<!tpu.dma_semaphore, #tpu.memory_space<semaphore_mem>>)
      %dma_wait3A = arith.constant 0 : i32
      %dma_wait3A_107 = arith.constant 0 : i32
      %dma_wait3A_108 = tpu.memref_slice %arg10[%dma_wait3A, %dma_wait3A_107] : memref<125x128xf32, #tpu.memory_space<vmem>> -> memref<96x128xf32, #tpu.memory_space<vmem>>
      %dma_wait3A_109 = arith.constant 0 : i32
      %dma_wait3A_110 = tpu.memref_slice %arg12[%add3A_5, %dma_wait3A_109] : memref<10112x128xf32, #tpu.memory_space<vmem_shared>> -> memref<96x128xf32, #tpu.memory_space<vmem_shared>>
      %dma_wait3A_111 = arith.constant 0 : i32
      %dma_wait3A_112 = tpu.memref_slice %arg12[%add3A_5, %dma_wait3A_111] : memref<10112x128xf32, #tpu.memory_space<vmem_shared>> -> memref<96x128xf32, #tpu.memory_space<vmem_shared>>
      %dma_wait3A_113 = arith.constant 0 : i32
      %dma_wait3A_114 = arith.constant 0 : i32
      %dma_wait3A_115 = tpu.memref_slice %arg10[%dma_wait3A_113, %dma_wait3A_114] : memref<125x128xf32, #tpu.memory_space<vmem>> -> memref<96x128xf32, #tpu.memory_space<vmem>>
      tpu.wait_dma2 semaphore(%run_scoped3A_97 : memref<!tpu.dma_semaphore, #tpu.memory_space<semaphore_mem>>) src(%dma_wait3A_115 : memref<96x128xf32, #tpu.memory_space<vmem>>) dst(%dma_wait3A_112 : memref<96x128xf32, #tpu.memory_space<vmem_shared>>)
      tpu.yield
    }) : () -> ()
    %add3A_6 = arith.constant 288 : i32
    %add3A_7 = arith.addi %mul3A_0, %add3A_6 : i32
    "tpu.region"() ({
      %run_scoped3A_97 = tpu.sem_alloc : memref<!tpu.dma_semaphore, #tpu.memory_space<semaphore_mem>>
      %dma_start3A = arith.constant 0 : i32
      %dma_start3A_98 = arith.constant 0 : i32
      %dma_start3A_99 = tpu.memref_slice %arg10[%dma_start3A, %dma_start3A_98] : memref<125x128xf32, #tpu.memory_space<vmem>> -> memref<96x128xf32, #tpu.memory_space<vmem>>
      %dma_start3A_100 = arith.constant 0 : i32
      %dma_start3A_101 = tpu.memref_slice %arg12[%add3A_7, %dma_start3A_100] : memref<10112x128xf32, #tpu.memory_space<vmem_shared>> -> memref<96x128xf32, #tpu.memory_space<vmem_shared>>
      %dma_start3A_102 = arith.constant 0 : i32
      %dma_start3A_103 = tpu.memref_slice %arg12[%add3A_7, %dma_start3A_102] : memref<10112x128xf32, #tpu.memory_space<vmem_shared>> -> memref<96x128xf32, #tpu.memory_space<vmem_shared>>
      %dma_start3A_104 = arith.constant 0 : i32
      %dma_start3A_105 = arith.constant 0 : i32
      %dma_start3A_106 = tpu.memref_slice %arg10[%dma_start3A_104, %dma_start3A_105] : memref<125x128xf32, #tpu.memory_space<vmem>> -> memref<96x128xf32, #tpu.memory_space<vmem>>
      tpu.enqueue_dma source(%dma_start3A_106 : memref<96x128xf32, #tpu.memory_space<vmem>>) target(%dma_start3A_103 : memref<96x128xf32, #tpu.memory_space<vmem_shared>>) target_semaphore(%run_scoped3A_97 : memref<!tpu.dma_semaphore, #tpu.memory_space<semaphore_mem>>)
      %dma_wait3A = arith.constant 0 : i32
      %dma_wait3A_107 = arith.constant 0 : i32
      %dma_wait3A_108 = tpu.memref_slice %arg10[%dma_wait3A, %dma_wait3A_107] : memref<125x128xf32, #tpu.memory_space<vmem>> -> memref<96x128xf32, #tpu.memory_space<vmem>>
      %dma_wait3A_109 = arith.constant 0 : i32
      %dma_wait3A_110 = tpu.memref_slice %arg12[%add3A_7, %dma_wait3A_109] : memref<10112x128xf32, #tpu.memory_space<vmem_shared>> -> memref<96x128xf32, #tpu.memory_space<vmem_shared>>
      %dma_wait3A_111 = arith.constant 0 : i32
      %dma_wait3A_112 = tpu.memref_slice %arg12[%add3A_7, %dma_wait3A_111] : memref<10112x128xf32, #tpu.memory_space<vmem_shared>> -> memref<96x128xf32, #tpu.memory_space<vmem_shared>>
      %dma_wait3A_113 = arith.constant 0 : i32
      %dma_wait3A_114 = arith.constant 0 : i32
      %dma_wait3A_115 = tpu.memref_slice %arg10[%dma_wait3A_113, %dma_wait3A_114] : memref<125x128xf32, #tpu.memory_space<vmem>> -> memref<96x128xf32, #tpu.memory_space<vmem>>
      tpu.wait_dma2 semaphore(%run_scoped3A_97 : memref<!tpu.dma_semaphore, #tpu.memory_space<semaphore_mem>>) src(%dma_wait3A_115 : memref<96x128xf32, #tpu.memory_space<vmem>>) dst(%dma_wait3A_112 : memref<96x128xf32, #tpu.memory_space<vmem_shared>>)
      tpu.yield
    }) : () -> ()
    %add3A_8 = arith.constant 384 : i32
    %add3A_9 = arith.addi %mul3A_0, %add3A_8 : i32
    "tpu.region"() ({
      %run_scoped3A_97 = tpu.sem_alloc : memref<!tpu.dma_semaphore, #tpu.memory_space<semaphore_mem>>
      %dma_start3A = arith.constant 0 : i32
      %dma_start3A_98 = arith.constant 0 : i32
      %dma_start3A_99 = tpu.memref_slice %arg10[%dma_start3A, %dma_start3A_98] : memref<125x128xf32, #tpu.memory_space<vmem>> -> memref<96x128xf32, #tpu.memory_space<vmem>>
      %dma_start3A_100 = arith.constant 0 : i32
      %dma_start3A_101 = tpu.memref_slice %arg12[%add3A_9, %dma_start3A_100] : memref<10112x128xf32, #tpu.memory_space<vmem_shared>> -> memref<96x128xf32, #tpu.memory_space<vmem_shared>>
      %dma_start3A_102 = arith.constant 0 : i32
      %dma_start3A_103 = tpu.memref_slice %arg12[%add3A_9, %dma_start3A_102] : memref<10112x128xf32, #tpu.memory_space<vmem_shared>> -> memref<96x128xf32, #tpu.memory_space<vmem_shared>>
      %dma_start3A_104 = arith.constant 0 : i32
      %dma_start3A_105 = arith.constant 0 : i32
      %dma_start3A_106 = tpu.memref_slice %arg10[%dma_start3A_104, %dma_start3A_105] : memref<125x128xf32, #tpu.memory_space<vmem>> -> memref<96x128xf32, #tpu.memory_space<vmem>>
      tpu.enqueue_dma source(%dma_start3A_106 : memref<96x128xf32, #tpu.memory_space<vmem>>) target(%dma_start3A_103 : memref<96x128xf32, #tpu.memory_space<vmem_shared>>) target_semaphore(%run_scoped3A_97 : memref<!tpu.dma_semaphore, #tpu.memory_space<semaphore_mem>>)
      %dma_wait3A = arith.constant 0 : i32
      %dma_wait3A_107 = arith.constant 0 : i32
      %dma_wait3A_108 = tpu.memref_slice %arg10[%dma_wait3A, %dma_wait3A_107] : memref<125x128xf32, #tpu.memory_space<vmem>> -> memref<96x128xf32, #tpu.memory_space<vmem>>
      %dma_wait3A_109 = arith.constant 0 : i32
      %dma_wait3A_110 = tpu.memref_slice %arg12[%add3A_9, %dma_wait3A_109] : memref<10112x128xf32, #tpu.memory_space<vmem_shared>> -> memref<96x128xf32, #tpu.memory_space<vmem_shared>>
      %dma_wait3A_111 = arith.constant 0 : i32
      %dma_wait3A_112 = tpu.memref_slice %arg12[%add3A_9, %dma_wait3A_111] : memref<10112x128xf32, #tpu.memory_space<vmem_shared>> -> memref<96x128xf32, #tpu.memory_space<vmem_shared>>
      %dma_wait3A_113 = arith.constant 0 : i32
      %dma_wait3A_114 = arith.constant 0 : i32
      %dma_wait3A_115 = tpu.memref_slice %arg10[%dma_wait3A_113, %dma_wait3A_114] : memref<125x128xf32, #tpu.memory_space<vmem>> -> memref<96x128xf32, #tpu.memory_space<vmem>>
      tpu.wait_dma2 semaphore(%run_scoped3A_97 : memref<!tpu.dma_semaphore, #tpu.memory_space<semaphore_mem>>) src(%dma_wait3A_115 : memref<96x128xf32, #tpu.memory_space<vmem>>) dst(%dma_wait3A_112 : memref<96x128xf32, #tpu.memory_space<vmem_shared>>)
      tpu.yield
    }) : () -> ()
    %add3A_10 = arith.constant 480 : i32
    %add3A_11 = arith.addi %mul3A_0, %add3A_10 : i32
    "tpu.region"() ({
      %run_scoped3A_97 = tpu.sem_alloc : memref<!tpu.dma_semaphore, #tpu.memory_space<semaphore_mem>>
      %dma_start3A = arith.constant 0 : i32
      %dma_start3A_98 = arith.constant 0 : i32
      %dma_start3A_99 = tpu.memref_slice %arg10[%dma_start3A, %dma_start3A_98] : memref<125x128xf32, #tpu.memory_space<vmem>> -> memref<96x128xf32, #tpu.memory_space<vmem>>
      %dma_start3A_100 = arith.constant 0 : i32
      %dma_start3A_101 = tpu.memref_slice %arg12[%add3A_11, %dma_start3A_100] : memref<10112x128xf32, #tpu.memory_space<vmem_shared>> -> memref<96x128xf32, #tpu.memory_space<vmem_shared>>
      %dma_start3A_102 = arith.constant 0 : i32
      %dma_start3A_103 = tpu.memref_slice %arg12[%add3A_11, %dma_start3A_102] : memref<10112x128xf32, #tpu.memory_space<vmem_shared>> -> memref<96x128xf32, #tpu.memory_space<vmem_shared>>
      %dma_start3A_104 = arith.constant 0 : i32
      %dma_start3A_105 = arith.constant 0 : i32
      %dma_start3A_106 = tpu.memref_slice %arg10[%dma_start3A_104, %dma_start3A_105] : memref<125x128xf32, #tpu.memory_space<vmem>> -> memref<96x128xf32, #tpu.memory_space<vmem>>
      tpu.enqueue_dma source(%dma_start3A_106 : memref<96x128xf32, #tpu.memory_space<vmem>>) target(%dma_start3A_103 : memref<96x128xf32, #tpu.memory_space<vmem_shared>>) target_semaphore(%run_scoped3A_97 : memref<!tpu.dma_semaphore, #tpu.memory_space<semaphore_mem>>)
      %dma_wait3A = arith.constant 0 : i32
      %dma_wait3A_107 = arith.constant 0 : i32
      %dma_wait3A_108 = tpu.memref_slice %arg10[%dma_wait3A, %dma_wait3A_107] : memref<125x128xf32, #tpu.memory_space<vmem>> -> memref<96x128xf32, #tpu.memory_space<vmem>>
      %dma_wait3A_109 = arith.constant 0 : i32
      %dma_wait3A_110 = tpu.memref_slice %arg12[%add3A_11, %dma_wait3A_109] : memref<10112x128xf32, #tpu.memory_space<vmem_shared>> -> memref<96x128xf32, #tpu.memory_space<vmem_shared>>
      %dma_wait3A_111 = arith.constant 0 : i32
      %dma_wait3A_112 = tpu.memref_slice %arg12[%add3A_11, %dma_wait3A_111] : memref<10112x128xf32, #tpu.memory_space<vmem_shared>> -> memref<96x128xf32, #tpu.memory_space<vmem_shared>>
      %dma_wait3A_113 = arith.constant 0 : i32
      %dma_wait3A_114 = arith.constant 0 : i32
      %dma_wait3A_115 = tpu.memref_slice %arg10[%dma_wait3A_113, %dma_wait3A_114] : memref<125x128xf32, #tpu.memory_space<vmem>> -> memref<96x128xf32, #tpu.memory_space<vmem>>
      tpu.wait_dma2 semaphore(%run_scoped3A_97 : memref<!tpu.dma_semaphore, #tpu.memory_space<semaphore_mem>>) src(%dma_wait3A_115 : memref<96x128xf32, #tpu.memory_space<vmem>>) dst(%dma_wait3A_112 : memref<96x128xf32, #tpu.memory_space<vmem_shared>>)
      tpu.yield
    }) : () -> ()
    %add3A_12 = arith.constant 576 : i32
    %add3A_13 = arith.addi %mul3A_0, %add3A_12 : i32
    "tpu.region"() ({
      %run_scoped3A_97 = tpu.sem_alloc : memref<!tpu.dma_semaphore, #tpu.memory_space<semaphore_mem>>
      %dma_start3A = arith.constant 0 : i32
      %dma_start3A_98 = arith.constant 0 : i32
      %dma_start3A_99 = tpu.memref_slice %arg10[%dma_start3A, %dma_start3A_98] : memref<125x128xf32, #tpu.memory_space<vmem>> -> memref<56x128xf32, #tpu.memory_space<vmem>>
      %dma_start3A_100 = arith.constant 0 : i32
      %dma_start3A_101 = tpu.memref_slice %arg12[%add3A_13, %dma_start3A_100] : memref<10112x128xf32, #tpu.memory_space<vmem_shared>> -> memref<56x128xf32, #tpu.memory_space<vmem_shared>>
      %dma_start3A_102 = arith.constant 0 : i32
      %dma_start3A_103 = tpu.memref_slice %arg12[%add3A_13, %dma_start3A_102] : memref<10112x128xf32, #tpu.memory_space<vmem_shared>> -> memref<56x128xf32, #tpu.memory_space<vmem_shared>>
      %dma_start3A_104 = arith.constant 0 : i32
      %dma_start3A_105 = arith.constant 0 : i32
      %dma_start3A_106 = tpu.memref_slice %arg10[%dma_start3A_104, %dma_start3A_105] : memref<125x128xf32, #tpu.memory_space<vmem>> -> memref<56x128xf32, #tpu.memory_space<vmem>>
      tpu.enqueue_dma source(%dma_start3A_106 : memref<56x128xf32, #tpu.memory_space<vmem>>) target(%dma_start3A_103 : memref<56x128xf32, #tpu.memory_space<vmem_shared>>) target_semaphore(%run_scoped3A_97 : memref<!tpu.dma_semaphore, #tpu.memory_space<semaphore_mem>>)
      %dma_wait3A = arith.constant 0 : i32
      %dma_wait3A_107 = arith.constant 0 : i32
      %dma_wait3A_108 = tpu.memref_slice %arg10[%dma_wait3A, %dma_wait3A_107] : memref<125x128xf32, #tpu.memory_space<vmem>> -> memref<56x128xf32, #tpu.memory_space<vmem>>
      %dma_wait3A_109 = arith.constant 0 : i32
      %dma_wait3A_110 = tpu.memref_slice %arg12[%add3A_13, %dma_wait3A_109] : memref<10112x128xf32, #tpu.memory_space<vmem_shared>> -> memref<56x128xf32, #tpu.memory_space<vmem_shared>>
      %dma_wait3A_111 = arith.constant 0 : i32
      %dma_wait3A_112 = tpu.memref_slice %arg12[%add3A_13, %dma_wait3A_111] : memref<10112x128xf32, #tpu.memory_space<vmem_shared>> -> memref<56x128xf32, #tpu.memory_space<vmem_shared>>
      %dma_wait3A_113 = arith.constant 0 : i32
      %dma_wait3A_114 = arith.constant 0 : i32
      %dma_wait3A_115 = tpu.memref_slice %arg10[%dma_wait3A_113, %dma_wait3A_114] : memref<125x128xf32, #tpu.memory_space<vmem>> -> memref<56x128xf32, #tpu.memory_space<vmem>>
      tpu.wait_dma2 semaphore(%run_scoped3A_97 : memref<!tpu.dma_semaphore, #tpu.memory_space<semaphore_mem>>) src(%dma_wait3A_115 : memref<56x128xf32, #tpu.memory_space<vmem>>) dst(%dma_wait3A_112 : memref<56x128xf32, #tpu.memory_space<vmem_shared>>)
      tpu.yield
    }) : () -> ()
    %barrier3A = arith.constant 0 : index
    tpu.barrier barrier_id(%barrier3A)
    %scan3A = arith.constant 0 : i32
    %scan3A_14 = arith.constant 0 : i32
    %scan3A_15 = arith.constant 20 : i32
    %scan3A_16 = arith.addi %scan3A_14, %scan3A_15 : i32
    %scan3A_17 = arith.constant 1 : i32
    scf.for %scan3A_97 = %scan3A_14 to %scan3A_16 step %scan3A_17  : i32 {
      "tpu.region"() ({
        %run_scoped3A_320 = tpu.sem_alloc : memref<!tpu.dma_semaphore, #tpu.memory_space<semaphore_mem>>
        %dma_start3A_321 = arith.constant 0 : i32
        %dma_start3A_322 = arith.constant 0 : i32
        %dma_start3A_323 = tpu.memref_slice %arg3[%arg0, %arg1, %scan3A_97, %dma_start3A_321, %dma_start3A_322] : memref<2x16x20x8x125xi32, #tpu.memory_space<hbm>> -> memref<1x1x1x8x125xi32, #tpu.memory_space<hbm>>
        %dma_start3A_324 = tpu.memref_squeeze %dma_start3A_323 : memref<1x1x1x8x125xi32, #tpu.memory_space<hbm>> -> memref<8x125xi32, #tpu.memory_space<hbm>>
        %dma_start3A_325 = arith.constant 0 : i32
        %dma_start3A_326 = arith.constant 0 : i32
        %dma_start3A_327 = tpu.memref_slice %arg3[%arg0, %arg1, %scan3A_97, %dma_start3A_325, %dma_start3A_326] : memref<2x16x20x8x125xi32, #tpu.memory_space<hbm>> -> memref<1x1x1x8x125xi32, #tpu.memory_space<hbm>>
        %dma_start3A_328 = tpu.memref_squeeze %dma_start3A_327 : memref<1x1x1x8x125xi32, #tpu.memory_space<hbm>> -> memref<8x125xi32, #tpu.memory_space<hbm>>
        tpu.enqueue_dma source(%dma_start3A_328 : memref<8x125xi32, #tpu.memory_space<hbm>>) target(%arg8 : memref<8x125xi32, #tpu.memory_space<vmem>>) target_semaphore(%run_scoped3A_320 : memref<!tpu.dma_semaphore, #tpu.memory_space<semaphore_mem>>)
        %dma_wait3A_329 = arith.constant 0 : i32
        %dma_wait3A_330 = arith.constant 0 : i32
        %dma_wait3A_331 = tpu.memref_slice %arg3[%arg0, %arg1, %scan3A_97, %dma_wait3A_329, %dma_wait3A_330] : memref<2x16x20x8x125xi32, #tpu.memory_space<hbm>> -> memref<1x1x1x8x125xi32, #tpu.memory_space<hbm>>
        %dma_wait3A_332 = tpu.memref_squeeze %dma_wait3A_331 : memref<1x1x1x8x125xi32, #tpu.memory_space<hbm>> -> memref<8x125xi32, #tpu.memory_space<hbm>>
        %dma_wait3A_333 = arith.constant 0 : i32
        %dma_wait3A_334 = arith.constant 0 : i32
        %dma_wait3A_335 = tpu.memref_slice %arg3[%arg0, %arg1, %scan3A_97, %dma_wait3A_333, %dma_wait3A_334] : memref<2x16x20x8x125xi32, #tpu.memory_space<hbm>> -> memref<1x1x1x8x125xi32, #tpu.memory_space<hbm>>
        %dma_wait3A_336 = tpu.memref_squeeze %dma_wait3A_335 : memref<1x1x1x8x125xi32, #tpu.memory_space<hbm>> -> memref<8x125xi32, #tpu.memory_space<hbm>>
        tpu.wait_dma2 semaphore(%run_scoped3A_320 : memref<!tpu.dma_semaphore, #tpu.memory_space<semaphore_mem>>) src(%dma_wait3A_336 : memref<8x125xi32, #tpu.memory_space<hbm>>) dst(%arg8 : memref<8x125xi32, #tpu.memory_space<vmem>>)
        tpu.yield
      }) : () -> ()
      "tpu.region"() ({
        %run_scoped3A_320 = tpu.sem_alloc : memref<!tpu.dma_semaphore, #tpu.memory_space<semaphore_mem>>
        %dma_start3A_321 = arith.constant 0 : i32
        %dma_start3A_322 = arith.constant 0 : i32
        %dma_start3A_323 = tpu.memref_slice %arg4[%arg0, %arg1, %scan3A_97, %dma_start3A_321, %dma_start3A_322] : memref<2x16x20x8x125xi32, #tpu.memory_space<hbm>> -> memref<1x1x1x8x125xi32, #tpu.memory_space<hbm>>
        %dma_start3A_324 = tpu.memref_squeeze %dma_start3A_323 : memref<1x1x1x8x125xi32, #tpu.memory_space<hbm>> -> memref<8x125xi32, #tpu.memory_space<hbm>>
        %dma_start3A_325 = arith.constant 0 : i32
        %dma_start3A_326 = arith.constant 0 : i32
        %dma_start3A_327 = tpu.memref_slice %arg4[%arg0, %arg1, %scan3A_97, %dma_start3A_325, %dma_start3A_326] : memref<2x16x20x8x125xi32, #tpu.memory_space<hbm>> -> memref<1x1x1x8x125xi32, #tpu.memory_space<hbm>>
        %dma_start3A_328 = tpu.memref_squeeze %dma_start3A_327 : memref<1x1x1x8x125xi32, #tpu.memory_space<hbm>> -> memref<8x125xi32, #tpu.memory_space<hbm>>
        tpu.enqueue_dma source(%dma_start3A_328 : memref<8x125xi32, #tpu.memory_space<hbm>>) target(%arg9 : memref<8x125xi32, #tpu.memory_space<vmem>>) target_semaphore(%run_scoped3A_320 : memref<!tpu.dma_semaphore, #tpu.memory_space<semaphore_mem>>)
        %dma_wait3A_329 = arith.constant 0 : i32
        %dma_wait3A_330 = arith.constant 0 : i32
        %dma_wait3A_331 = tpu.memref_slice %arg4[%arg0, %arg1, %scan3A_97, %dma_wait3A_329, %dma_wait3A_330] : memref<2x16x20x8x125xi32, #tpu.memory_space<hbm>> -> memref<1x1x1x8x125xi32, #tpu.memory_space<hbm>>
        %dma_wait3A_332 = tpu.memref_squeeze %dma_wait3A_331 : memref<1x1x1x8x125xi32, #tpu.memory_space<hbm>> -> memref<8x125xi32, #tpu.memory_space<hbm>>
        %dma_wait3A_333 = arith.constant 0 : i32
        %dma_wait3A_334 = arith.constant 0 : i32
        %dma_wait3A_335 = tpu.memref_slice %arg4[%arg0, %arg1, %scan3A_97, %dma_wait3A_333, %dma_wait3A_334] : memref<2x16x20x8x125xi32, #tpu.memory_space<hbm>> -> memref<1x1x1x8x125xi32, #tpu.memory_space<hbm>>
        %dma_wait3A_336 = tpu.memref_squeeze %dma_wait3A_335 : memref<1x1x1x8x125xi32, #tpu.memory_space<hbm>> -> memref<8x125xi32, #tpu.memory_space<hbm>>
        tpu.wait_dma2 semaphore(%run_scoped3A_320 : memref<!tpu.dma_semaphore, #tpu.memory_space<semaphore_mem>>) src(%dma_wait3A_336 : memref<8x125xi32, #tpu.memory_space<hbm>>) dst(%arg9 : memref<8x125xi32, #tpu.memory_space<vmem>>)
        tpu.yield
      }) : () -> ()
      %dma_start3A = arith.constant 0 : i32
      %dma_start3A_98 = arith.constant 0 : i32
      %dma_start3A_99 = tpu.memref_slice %arg8[%dma_start3A, %dma_start3A_98] : memref<8x125xi32, #tpu.memory_space<vmem>> -> memref<1x125xi32, #tpu.memory_space<vmem>>
      %dma_start3A_100 = tpu.memref_squeeze %dma_start3A_99 : memref<1x125xi32, #tpu.memory_space<vmem>> -> memref<125xi32, #tpu.memory_space<vmem>>
      %dma_start3A_101 = arith.constant 0 : i32
      %dma_start3A_102 = arith.constant 0 : i32
      %dma_start3A_103 = tpu.memref_slice %arg2[%dma_start3A_101, %dma_start3A_102] : memref<20000x128xf32, #tpu.memory_space<hbm>> -> memref<20000x128xf32, #tpu.memory_space<hbm>>
      tpu.enqueue_indirect_dma source(%dma_start3A_103 : memref<20000x128xf32, #tpu.memory_space<hbm>>) target(%arg10 : memref<125x128xf32, #tpu.memory_space<vmem>>) offsets(%dma_start3A_100 : memref<125xi32, #tpu.memory_space<vmem>>) semaphore(%arg13 : memref<!tpu.dma_semaphore, #tpu.memory_space<semaphore_mem>>)
      %dma_wait3A = arith.constant 0 : i32
      %dma_wait3A_104 = arith.constant 0 : i32
      %dma_wait3A_105 = tpu.memref_slice %arg8[%dma_wait3A, %dma_wait3A_104] : memref<8x125xi32, #tpu.memory_space<vmem>> -> memref<1x125xi32, #tpu.memory_space<vmem>>
      %dma_wait3A_106 = tpu.memref_squeeze %dma_wait3A_105 : memref<1x125xi32, #tpu.memory_space<vmem>> -> memref<125xi32, #tpu.memory_space<vmem>>
      %dma_wait3A_107 = arith.constant 0 : i32
      %dma_wait3A_108 = arith.constant 0 : i32
      %dma_wait3A_109 = tpu.memref_slice %arg2[%dma_wait3A_107, %dma_wait3A_108] : memref<20000x128xf32, #tpu.memory_space<hbm>> -> memref<20000x128xf32, #tpu.memory_space<hbm>>
      tpu.wait_indirect_dma semaphore(%arg13 : memref<!tpu.dma_semaphore, #tpu.memory_space<semaphore_mem>>) src(%dma_wait3A_109 : memref<20000x128xf32, #tpu.memory_space<hbm>>) dst(%arg10 : memref<125x128xf32, #tpu.memory_space<vmem>>)
      %dma_start3A_110 = arith.constant 0 : i32
      %dma_start3A_111 = arith.constant 0 : i32
      %dma_start3A_112 = tpu.memref_slice %arg9[%dma_start3A_110, %dma_start3A_111] : memref<8x125xi32, #tpu.memory_space<vmem>> -> memref<1x125xi32, #tpu.memory_space<vmem>>
      %dma_start3A_113 = tpu.memref_squeeze %dma_start3A_112 : memref<1x125xi32, #tpu.memory_space<vmem>> -> memref<125xi32, #tpu.memory_space<vmem>>
      %dma_start3A_114 = arith.constant 0 : i32
      %dma_start3A_115 = arith.constant 0 : i32
      %dma_start3A_116 = tpu.memref_slice %arg12[%dma_start3A_114, %dma_start3A_115] : memref<10112x128xf32, #tpu.memory_space<vmem_shared>> -> memref<10112x128xf32, #tpu.memory_space<vmem_shared>>
      tpu.enqueue_indirect_dma source(%arg10 : memref<125x128xf32, #tpu.memory_space<vmem>>) target(%dma_start3A_116 : memref<10112x128xf32, #tpu.memory_space<vmem_shared>>) offsets(%dma_start3A_113 : memref<125xi32, #tpu.memory_space<vmem>>) semaphore(%arg15 : memref<!tpu.dma_semaphore, #tpu.memory_space<semaphore_mem>>) {add = true}
      %dma_start3A_117 = arith.constant 1 : i32
      %dma_start3A_118 = arith.constant 0 : i32
      %dma_start3A_119 = tpu.memref_slice %arg8[%dma_start3A_117, %dma_start3A_118] : memref<8x125xi32, #tpu.memory_space<vmem>> -> memref<1x125xi32, #tpu.memory_space<vmem>>
      %dma_start3A_120 = tpu.memref_squeeze %dma_start3A_119 : memref<1x125xi32, #tpu.memory_space<vmem>> -> memref<125xi32, #tpu.memory_space<vmem>>
      %dma_start3A_121 = arith.constant 0 : i32
      %dma_start3A_122 = arith.constant 0 : i32
      %dma_start3A_123 = tpu.memref_slice %arg2[%dma_start3A_121, %dma_start3A_122] : memref<20000x128xf32, #tpu.memory_space<hbm>> -> memref<20000x128xf32, #tpu.memory_space<hbm>>
      tpu.enqueue_indirect_dma source(%dma_start3A_123 : memref<20000x128xf32, #tpu.memory_space<hbm>>) target(%arg11 : memref<125x128xf32, #tpu.memory_space<vmem>>) offsets(%dma_start3A_120 : memref<125xi32, #tpu.memory_space<vmem>>) semaphore(%arg14 : memref<!tpu.dma_semaphore, #tpu.memory_space<semaphore_mem>>)
      %dma_wait3A_124 = arith.constant 1 : i32
      %dma_wait3A_125 = arith.constant 0 : i32
      %dma_wait3A_126 = tpu.memref_slice %arg8[%dma_wait3A_124, %dma_wait3A_125] : memref<8x125xi32, #tpu.memory_space<vmem>> -> memref<1x125xi32, #tpu.memory_space<vmem>>
      %dma_wait3A_127 = tpu.memref_squeeze %dma_wait3A_126 : memref<1x125xi32, #tpu.memory_space<vmem>> -> memref<125xi32, #tpu.memory_space<vmem>>
      %dma_wait3A_128 = arith.constant 0 : i32
      %dma_wait3A_129 = arith.constant 0 : i32
      %dma_wait3A_130 = tpu.memref_slice %arg2[%dma_wait3A_128, %dma_wait3A_129] : memref<20000x128xf32, #tpu.memory_space<hbm>> -> memref<20000x128xf32, #tpu.memory_space<hbm>>
      tpu.wait_indirect_dma semaphore(%arg14 : memref<!tpu.dma_semaphore, #tpu.memory_space<semaphore_mem>>) src(%dma_wait3A_130 : memref<20000x128xf32, #tpu.memory_space<hbm>>) dst(%arg11 : memref<125x128xf32, #tpu.memory_space<vmem>>)
      %dma_start3A_131 = arith.constant 1 : i32
      %dma_start3A_132 = arith.constant 0 : i32
      %dma_start3A_133 = tpu.memref_slice %arg9[%dma_start3A_131, %dma_start3A_132] : memref<8x125xi32, #tpu.memory_space<vmem>> -> memref<1x125xi32, #tpu.memory_space<vmem>>
      %dma_start3A_134 = tpu.memref_squeeze %dma_start3A_133 : memref<1x125xi32, #tpu.memory_space<vmem>> -> memref<125xi32, #tpu.memory_space<vmem>>
      %dma_start3A_135 = arith.constant 0 : i32
      %dma_start3A_136 = arith.constant 0 : i32
      %dma_start3A_137 = tpu.memref_slice %arg12[%dma_start3A_135, %dma_start3A_136] : memref<10112x128xf32, #tpu.memory_space<vmem_shared>> -> memref<10112x128xf32, #tpu.memory_space<vmem_shared>>
      tpu.enqueue_indirect_dma source(%arg11 : memref<125x128xf32, #tpu.memory_space<vmem>>) target(%dma_start3A_137 : memref<10112x128xf32, #tpu.memory_space<vmem_shared>>) offsets(%dma_start3A_134 : memref<125xi32, #tpu.memory_space<vmem>>) semaphore(%arg16 : memref<!tpu.dma_semaphore, #tpu.memory_space<semaphore_mem>>) {add = true}
      %dma_wait3A_138 = arith.constant 0 : i32
      %dma_wait3A_139 = arith.constant 0 : i32
      %dma_wait3A_140 = tpu.memref_slice %arg9[%dma_wait3A_138, %dma_wait3A_139] : memref<8x125xi32, #tpu.memory_space<vmem>> -> memref<1x125xi32, #tpu.memory_space<vmem>>
      %dma_wait3A_141 = tpu.memref_squeeze %dma_wait3A_140 : memref<1x125xi32, #tpu.memory_space<vmem>> -> memref<125xi32, #tpu.memory_space<vmem>>
      %dma_wait3A_142 = arith.constant 0 : i32
      %dma_wait3A_143 = arith.constant 0 : i32
      %dma_wait3A_144 = tpu.memref_slice %arg12[%dma_wait3A_142, %dma_wait3A_143] : memref<10112x128xf32, #tpu.memory_space<vmem_shared>> -> memref<10112x128xf32, #tpu.memory_space<vmem_shared>>
      tpu.wait_indirect_dma semaphore(%arg15 : memref<!tpu.dma_semaphore, #tpu.memory_space<semaphore_mem>>) src(%arg10 : memref<125x128xf32, #tpu.memory_space<vmem>>) dst(%dma_wait3A_144 : memref<10112x128xf32, #tpu.memory_space<vmem_shared>>)
      %dma_start3A_145 = arith.constant 2 : i32
      %dma_start3A_146 = arith.constant 0 : i32
      %dma_start3A_147 = tpu.memref_slice %arg8[%dma_start3A_145, %dma_start3A_146] : memref<8x125xi32, #tpu.memory_space<vmem>> -> memref<1x125xi32, #tpu.memory_space<vmem>>
      %dma_start3A_148 = tpu.memref_squeeze %dma_start3A_147 : memref<1x125xi32, #tpu.memory_space<vmem>> -> memref<125xi32, #tpu.memory_space<vmem>>
      %dma_start3A_149 = arith.constant 0 : i32
      %dma_start3A_150 = arith.constant 0 : i32
      %dma_start3A_151 = tpu.memref_slice %arg2[%dma_start3A_149, %dma_start3A_150] : memref<20000x128xf32, #tpu.memory_space<hbm>> -> memref<20000x128xf32, #tpu.memory_space<hbm>>
      tpu.enqueue_indirect_dma source(%dma_start3A_151 : memref<20000x128xf32, #tpu.memory_space<hbm>>) target(%arg10 : memref<125x128xf32, #tpu.memory_space<vmem>>) offsets(%dma_start3A_148 : memref<125xi32, #tpu.memory_space<vmem>>) semaphore(%arg13 : memref<!tpu.dma_semaphore, #tpu.memory_space<semaphore_mem>>)
      %dma_wait3A_152 = arith.constant 2 : i32
      %dma_wait3A_153 = arith.constant 0 : i32
      %dma_wait3A_154 = tpu.memref_slice %arg8[%dma_wait3A_152, %dma_wait3A_153] : memref<8x125xi32, #tpu.memory_space<vmem>> -> memref<1x125xi32, #tpu.memory_space<vmem>>
      %dma_wait3A_155 = tpu.memref_squeeze %dma_wait3A_154 : memref<1x125xi32, #tpu.memory_space<vmem>> -> memref<125xi32, #tpu.memory_space<vmem>>
      %dma_wait3A_156 = arith.constant 0 : i32
      %dma_wait3A_157 = arith.constant 0 : i32
      %dma_wait3A_158 = tpu.memref_slice %arg2[%dma_wait3A_156, %dma_wait3A_157] : memref<20000x128xf32, #tpu.memory_space<hbm>> -> memref<20000x128xf32, #tpu.memory_space<hbm>>
      tpu.wait_indirect_dma semaphore(%arg13 : memref<!tpu.dma_semaphore, #tpu.memory_space<semaphore_mem>>) src(%dma_wait3A_158 : memref<20000x128xf32, #tpu.memory_space<hbm>>) dst(%arg10 : memref<125x128xf32, #tpu.memory_space<vmem>>)
      %dma_start3A_159 = arith.constant 2 : i32
      %dma_start3A_160 = arith.constant 0 : i32
      %dma_start3A_161 = tpu.memref_slice %arg9[%dma_start3A_159, %dma_start3A_160] : memref<8x125xi32, #tpu.memory_space<vmem>> -> memref<1x125xi32, #tpu.memory_space<vmem>>
      %dma_start3A_162 = tpu.memref_squeeze %dma_start3A_161 : memref<1x125xi32, #tpu.memory_space<vmem>> -> memref<125xi32, #tpu.memory_space<vmem>>
      %dma_start3A_163 = arith.constant 0 : i32
      %dma_start3A_164 = arith.constant 0 : i32
      %dma_start3A_165 = tpu.memref_slice %arg12[%dma_start3A_163, %dma_start3A_164] : memref<10112x128xf32, #tpu.memory_space<vmem_shared>> -> memref<10112x128xf32, #tpu.memory_space<vmem_shared>>
      tpu.enqueue_indirect_dma source(%arg10 : memref<125x128xf32, #tpu.memory_space<vmem>>) target(%dma_start3A_165 : memref<10112x128xf32, #tpu.memory_space<vmem_shared>>) offsets(%dma_start3A_162 : memref<125xi32, #tpu.memory_space<vmem>>) semaphore(%arg15 : memref<!tpu.dma_semaphore, #tpu.memory_space<semaphore_mem>>) {add = true}
      %dma_wait3A_166 = arith.constant 1 : i32
      %dma_wait3A_167 = arith.constant 0 : i32
      %dma_wait3A_168 = tpu.memref_slice %arg9[%dma_wait3A_166, %dma_wait3A_167] : memref<8x125xi32, #tpu.memory_space<vmem>> -> memref<1x125xi32, #tpu.memory_space<vmem>>
      %dma_wait3A_169 = tpu.memref_squeeze %dma_wait3A_168 : memref<1x125xi32, #tpu.memory_space<vmem>> -> memref<125xi32, #tpu.memory_space<vmem>>
      %dma_wait3A_170 = arith.constant 0 : i32
      %dma_wait3A_171 = arith.constant 0 : i32
      %dma_wait3A_172 = tpu.memref_slice %arg12[%dma_wait3A_170, %dma_wait3A_171] : memref<10112x128xf32, #tpu.memory_space<vmem_shared>> -> memref<10112x128xf32, #tpu.memory_space<vmem_shared>>
      tpu.wait_indirect_dma semaphore(%arg16 : memref<!tpu.dma_semaphore, #tpu.memory_space<semaphore_mem>>) src(%arg11 : memref<125x128xf32, #tpu.memory_space<vmem>>) dst(%dma_wait3A_172 : memref<10112x128xf32, #tpu.memory_space<vmem_shared>>)
      %dma_start3A_173 = arith.constant 3 : i32
      %dma_start3A_174 = arith.constant 0 : i32
      %dma_start3A_175 = tpu.memref_slice %arg8[%dma_start3A_173, %dma_start3A_174] : memref<8x125xi32, #tpu.memory_space<vmem>> -> memref<1x125xi32, #tpu.memory_space<vmem>>
      %dma_start3A_176 = tpu.memref_squeeze %dma_start3A_175 : memref<1x125xi32, #tpu.memory_space<vmem>> -> memref<125xi32, #tpu.memory_space<vmem>>
      %dma_start3A_177 = arith.constant 0 : i32
      %dma_start3A_178 = arith.constant 0 : i32
      %dma_start3A_179 = tpu.memref_slice %arg2[%dma_start3A_177, %dma_start3A_178] : memref<20000x128xf32, #tpu.memory_space<hbm>> -> memref<20000x128xf32, #tpu.memory_space<hbm>>
      tpu.enqueue_indirect_dma source(%dma_start3A_179 : memref<20000x128xf32, #tpu.memory_space<hbm>>) target(%arg11 : memref<125x128xf32, #tpu.memory_space<vmem>>) offsets(%dma_start3A_176 : memref<125xi32, #tpu.memory_space<vmem>>) semaphore(%arg14 : memref<!tpu.dma_semaphore, #tpu.memory_space<semaphore_mem>>)
      %dma_wait3A_180 = arith.constant 3 : i32
      %dma_wait3A_181 = arith.constant 0 : i32
      %dma_wait3A_182 = tpu.memref_slice %arg8[%dma_wait3A_180, %dma_wait3A_181] : memref<8x125xi32, #tpu.memory_space<vmem>> -> memref<1x125xi32, #tpu.memory_space<vmem>>
      %dma_wait3A_183 = tpu.memref_squeeze %dma_wait3A_182 : memref<1x125xi32, #tpu.memory_space<vmem>> -> memref<125xi32, #tpu.memory_space<vmem>>
      %dma_wait3A_184 = arith.constant 0 : i32
      %dma_wait3A_185 = arith.constant 0 : i32
      %dma_wait3A_186 = tpu.memref_slice %arg2[%dma_wait3A_184, %dma_wait3A_185] : memref<20000x128xf32, #tpu.memory_space<hbm>> -> memref<20000x128xf32, #tpu.memory_space<hbm>>
      tpu.wait_indirect_dma semaphore(%arg14 : memref<!tpu.dma_semaphore, #tpu.memory_space<semaphore_mem>>) src(%dma_wait3A_186 : memref<20000x128xf32, #tpu.memory_space<hbm>>) dst(%arg11 : memref<125x128xf32, #tpu.memory_space<vmem>>)
      %dma_start3A_187 = arith.constant 3 : i32
      %dma_start3A_188 = arith.constant 0 : i32
      %dma_start3A_189 = tpu.memref_slice %arg9[%dma_start3A_187, %dma_start3A_188] : memref<8x125xi32, #tpu.memory_space<vmem>> -> memref<1x125xi32, #tpu.memory_space<vmem>>
      %dma_start3A_190 = tpu.memref_squeeze %dma_start3A_189 : memref<1x125xi32, #tpu.memory_space<vmem>> -> memref<125xi32, #tpu.memory_space<vmem>>
      %dma_start3A_191 = arith.constant 0 : i32
      %dma_start3A_192 = arith.constant 0 : i32
      %dma_start3A_193 = tpu.memref_slice %arg12[%dma_start3A_191, %dma_start3A_192] : memref<10112x128xf32, #tpu.memory_space<vmem_shared>> -> memref<10112x128xf32, #tpu.memory_space<vmem_shared>>
      tpu.enqueue_indirect_dma source(%arg11 : memref<125x128xf32, #tpu.memory_space<vmem>>) target(%dma_start3A_193 : memref<10112x128xf32, #tpu.memory_space<vmem_shared>>) offsets(%dma_start3A_190 : memref<125xi32, #tpu.memory_space<vmem>>) semaphore(%arg16 : memref<!tpu.dma_semaphore, #tpu.memory_space<semaphore_mem>>) {add = true}
      %dma_wait3A_194 = arith.constant 2 : i32
      %dma_wait3A_195 = arith.constant 0 : i32
      %dma_wait3A_196 = tpu.memref_slice %arg9[%dma_wait3A_194, %dma_wait3A_195] : memref<8x125xi32, #tpu.memory_space<vmem>> -> memref<1x125xi32, #tpu.memory_space<vmem>>
      %dma_wait3A_197 = tpu.memref_squeeze %dma_wait3A_196 : memref<1x125xi32, #tpu.memory_space<vmem>> -> memref<125xi32, #tpu.memory_space<vmem>>
      %dma_wait3A_198 = arith.constant 0 : i32
      %dma_wait3A_199 = arith.constant 0 : i32
      %dma_wait3A_200 = tpu.memref_slice %arg12[%dma_wait3A_198, %dma_wait3A_199] : memref<10112x128xf32, #tpu.memory_space<vmem_shared>> -> memref<10112x128xf32, #tpu.memory_space<vmem_shared>>
      tpu.wait_indirect_dma semaphore(%arg15 : memref<!tpu.dma_semaphore, #tpu.memory_space<semaphore_mem>>) src(%arg10 : memref<125x128xf32, #tpu.memory_space<vmem>>) dst(%dma_wait3A_200 : memref<10112x128xf32, #tpu.memory_space<vmem_shared>>)
      %dma_start3A_201 = arith.constant 4 : i32
      %dma_start3A_202 = arith.constant 0 : i32
      %dma_start3A_203 = tpu.memref_slice %arg8[%dma_start3A_201, %dma_start3A_202] : memref<8x125xi32, #tpu.memory_space<vmem>> -> memref<1x125xi32, #tpu.memory_space<vmem>>
      %dma_start3A_204 = tpu.memref_squeeze %dma_start3A_203 : memref<1x125xi32, #tpu.memory_space<vmem>> -> memref<125xi32, #tpu.memory_space<vmem>>
      %dma_start3A_205 = arith.constant 0 : i32
      %dma_start3A_206 = arith.constant 0 : i32
      %dma_start3A_207 = tpu.memref_slice %arg2[%dma_start3A_205, %dma_start3A_206] : memref<20000x128xf32, #tpu.memory_space<hbm>> -> memref<20000x128xf32, #tpu.memory_space<hbm>>
      tpu.enqueue_indirect_dma source(%dma_start3A_207 : memref<20000x128xf32, #tpu.memory_space<hbm>>) target(%arg10 : memref<125x128xf32, #tpu.memory_space<vmem>>) offsets(%dma_start3A_204 : memref<125xi32, #tpu.memory_space<vmem>>) semaphore(%arg13 : memref<!tpu.dma_semaphore, #tpu.memory_space<semaphore_mem>>)
      %dma_wait3A_208 = arith.constant 4 : i32
      %dma_wait3A_209 = arith.constant 0 : i32
      %dma_wait3A_210 = tpu.memref_slice %arg8[%dma_wait3A_208, %dma_wait3A_209] : memref<8x125xi32, #tpu.memory_space<vmem>> -> memref<1x125xi32, #tpu.memory_space<vmem>>
      %dma_wait3A_211 = tpu.memref_squeeze %dma_wait3A_210 : memref<1x125xi32, #tpu.memory_space<vmem>> -> memref<125xi32, #tpu.memory_space<vmem>>
      %dma_wait3A_212 = arith.constant 0 : i32
      %dma_wait3A_213 = arith.constant 0 : i32
      %dma_wait3A_214 = tpu.memref_slice %arg2[%dma_wait3A_212, %dma_wait3A_213] : memref<20000x128xf32, #tpu.memory_space<hbm>> -> memref<20000x128xf32, #tpu.memory_space<hbm>>
      tpu.wait_indirect_dma semaphore(%arg13 : memref<!tpu.dma_semaphore, #tpu.memory_space<semaphore_mem>>) src(%dma_wait3A_214 : memref<20000x128xf32, #tpu.memory_space<hbm>>) dst(%arg10 : memref<125x128xf32, #tpu.memory_space<vmem>>)
      %dma_start3A_215 = arith.constant 4 : i32
      %dma_start3A_216 = arith.constant 0 : i32
      %dma_start3A_217 = tpu.memref_slice %arg9[%dma_start3A_215, %dma_start3A_216] : memref<8x125xi32, #tpu.memory_space<vmem>> -> memref<1x125xi32, #tpu.memory_space<vmem>>
      %dma_start3A_218 = tpu.memref_squeeze %dma_start3A_217 : memref<1x125xi32, #tpu.memory_space<vmem>> -> memref<125xi32, #tpu.memory_space<vmem>>
      %dma_start3A_219 = arith.constant 0 : i32
      %dma_start3A_220 = arith.constant 0 : i32
      %dma_start3A_221 = tpu.memref_slice %arg12[%dma_start3A_219, %dma_start3A_220] : memref<10112x128xf32, #tpu.memory_space<vmem_shared>> -> memref<10112x128xf32, #tpu.memory_space<vmem_shared>>
      tpu.enqueue_indirect_dma source(%arg10 : memref<125x128xf32, #tpu.memory_space<vmem>>) target(%dma_start3A_221 : memref<10112x128xf32, #tpu.memory_space<vmem_shared>>) offsets(%dma_start3A_218 : memref<125xi32, #tpu.memory_space<vmem>>) semaphore(%arg15 : memref<!tpu.dma_semaphore, #tpu.memory_space<semaphore_mem>>) {add = true}
      %dma_wait3A_222 = arith.constant 3 : i32
      %dma_wait3A_223 = arith.constant 0 : i32
      %dma_wait3A_224 = tpu.memref_slice %arg9[%dma_wait3A_222, %dma_wait3A_223] : memref<8x125xi32, #tpu.memory_space<vmem>> -> memref<1x125xi32, #tpu.memory_space<vmem>>
      %dma_wait3A_225 = tpu.memref_squeeze %dma_wait3A_224 : memref<1x125xi32, #tpu.memory_space<vmem>> -> memref<125xi32, #tpu.memory_space<vmem>>
      %dma_wait3A_226 = arith.constant 0 : i32
      %dma_wait3A_227 = arith.constant 0 : i32
      %dma_wait3A_228 = tpu.memref_slice %arg12[%dma_wait3A_226, %dma_wait3A_227] : memref<10112x128xf32, #tpu.memory_space<vmem_shared>> -> memref<10112x128xf32, #tpu.memory_space<vmem_shared>>
      tpu.wait_indirect_dma semaphore(%arg16 : memref<!tpu.dma_semaphore, #tpu.memory_space<semaphore_mem>>) src(%arg11 : memref<125x128xf32, #tpu.memory_space<vmem>>) dst(%dma_wait3A_228 : memref<10112x128xf32, #tpu.memory_space<vmem_shared>>)
      %dma_start3A_229 = arith.constant 5 : i32
      %dma_start3A_230 = arith.constant 0 : i32
      %dma_start3A_231 = tpu.memref_slice %arg8[%dma_start3A_229, %dma_start3A_230] : memref<8x125xi32, #tpu.memory_space<vmem>> -> memref<1x125xi32, #tpu.memory_space<vmem>>
      %dma_start3A_232 = tpu.memref_squeeze %dma_start3A_231 : memref<1x125xi32, #tpu.memory_space<vmem>> -> memref<125xi32, #tpu.memory_space<vmem>>
      %dma_start3A_233 = arith.constant 0 : i32
      %dma_start3A_234 = arith.constant 0 : i32
      %dma_start3A_235 = tpu.memref_slice %arg2[%dma_start3A_233, %dma_start3A_234] : memref<20000x128xf32, #tpu.memory_space<hbm>> -> memref<20000x128xf32, #tpu.memory_space<hbm>>
      tpu.enqueue_indirect_dma source(%dma_start3A_235 : memref<20000x128xf32, #tpu.memory_space<hbm>>) target(%arg11 : memref<125x128xf32, #tpu.memory_space<vmem>>) offsets(%dma_start3A_232 : memref<125xi32, #tpu.memory_space<vmem>>) semaphore(%arg14 : memref<!tpu.dma_semaphore, #tpu.memory_space<semaphore_mem>>)
      %dma_wait3A_236 = arith.constant 5 : i32
      %dma_wait3A_237 = arith.constant 0 : i32
      %dma_wait3A_238 = tpu.memref_slice %arg8[%dma_wait3A_236, %dma_wait3A_237] : memref<8x125xi32, #tpu.memory_space<vmem>> -> memref<1x125xi32, #tpu.memory_space<vmem>>
      %dma_wait3A_239 = tpu.memref_squeeze %dma_wait3A_238 : memref<1x125xi32, #tpu.memory_space<vmem>> -> memref<125xi32, #tpu.memory_space<vmem>>
      %dma_wait3A_240 = arith.constant 0 : i32
      %dma_wait3A_241 = arith.constant 0 : i32
      %dma_wait3A_242 = tpu.memref_slice %arg2[%dma_wait3A_240, %dma_wait3A_241] : memref<20000x128xf32, #tpu.memory_space<hbm>> -> memref<20000x128xf32, #tpu.memory_space<hbm>>
      tpu.wait_indirect_dma semaphore(%arg14 : memref<!tpu.dma_semaphore, #tpu.memory_space<semaphore_mem>>) src(%dma_wait3A_242 : memref<20000x128xf32, #tpu.memory_space<hbm>>) dst(%arg11 : memref<125x128xf32, #tpu.memory_space<vmem>>)
      %dma_start3A_243 = arith.constant 5 : i32
      %dma_start3A_244 = arith.constant 0 : i32
      %dma_start3A_245 = tpu.memref_slice %arg9[%dma_start3A_243, %dma_start3A_244] : memref<8x125xi32, #tpu.memory_space<vmem>> -> memref<1x125xi32, #tpu.memory_space<vmem>>
      %dma_start3A_246 = tpu.memref_squeeze %dma_start3A_245 : memref<1x125xi32, #tpu.memory_space<vmem>> -> memref<125xi32, #tpu.memory_space<vmem>>
      %dma_start3A_247 = arith.constant 0 : i32
      %dma_start3A_248 = arith.constant 0 : i32
      %dma_start3A_249 = tpu.memref_slice %arg12[%dma_start3A_247, %dma_start3A_248] : memref<10112x128xf32, #tpu.memory_space<vmem_shared>> -> memref<10112x128xf32, #tpu.memory_space<vmem_shared>>
      tpu.enqueue_indirect_dma source(%arg11 : memref<125x128xf32, #tpu.memory_space<vmem>>) target(%dma_start3A_249 : memref<10112x128xf32, #tpu.memory_space<vmem_shared>>) offsets(%dma_start3A_246 : memref<125xi32, #tpu.memory_space<vmem>>) semaphore(%arg16 : memref<!tpu.dma_semaphore, #tpu.memory_space<semaphore_mem>>) {add = true}
      %dma_wait3A_250 = arith.constant 4 : i32
      %dma_wait3A_251 = arith.constant 0 : i32
      %dma_wait3A_252 = tpu.memref_slice %arg9[%dma_wait3A_250, %dma_wait3A_251] : memref<8x125xi32, #tpu.memory_space<vmem>> -> memref<1x125xi32, #tpu.memory_space<vmem>>
      %dma_wait3A_253 = tpu.memref_squeeze %dma_wait3A_252 : memref<1x125xi32, #tpu.memory_space<vmem>> -> memref<125xi32, #tpu.memory_space<vmem>>
      %dma_wait3A_254 = arith.constant 0 : i32
      %dma_wait3A_255 = arith.constant 0 : i32
      %dma_wait3A_256 = tpu.memref_slice %arg12[%dma_wait3A_254, %dma_wait3A_255] : memref<10112x128xf32, #tpu.memory_space<vmem_shared>> -> memref<10112x128xf32, #tpu.memory_space<vmem_shared>>
      tpu.wait_indirect_dma semaphore(%arg15 : memref<!tpu.dma_semaphore, #tpu.memory_space<semaphore_mem>>) src(%arg10 : memref<125x128xf32, #tpu.memory_space<vmem>>) dst(%dma_wait3A_256 : memref<10112x128xf32, #tpu.memory_space<vmem_shared>>)
      %dma_start3A_257 = arith.constant 6 : i32
      %dma_start3A_258 = arith.constant 0 : i32
      %dma_start3A_259 = tpu.memref_slice %arg8[%dma_start3A_257, %dma_start3A_258] : memref<8x125xi32, #tpu.memory_space<vmem>> -> memref<1x125xi32, #tpu.memory_space<vmem>>
      %dma_start3A_260 = tpu.memref_squeeze %dma_start3A_259 : memref<1x125xi32, #tpu.memory_space<vmem>> -> memref<125xi32, #tpu.memory_space<vmem>>
      %dma_start3A_261 = arith.constant 0 : i32
      %dma_start3A_262 = arith.constant 0 : i32
      %dma_start3A_263 = tpu.memref_slice %arg2[%dma_start3A_261, %dma_start3A_262] : memref<20000x128xf32, #tpu.memory_space<hbm>> -> memref<20000x128xf32, #tpu.memory_space<hbm>>
      tpu.enqueue_indirect_dma source(%dma_start3A_263 : memref<20000x128xf32, #tpu.memory_space<hbm>>) target(%arg10 : memref<125x128xf32, #tpu.memory_space<vmem>>) offsets(%dma_start3A_260 : memref<125xi32, #tpu.memory_space<vmem>>) semaphore(%arg13 : memref<!tpu.dma_semaphore, #tpu.memory_space<semaphore_mem>>)
      %dma_wait3A_264 = arith.constant 6 : i32
      %dma_wait3A_265 = arith.constant 0 : i32
      %dma_wait3A_266 = tpu.memref_slice %arg8[%dma_wait3A_264, %dma_wait3A_265] : memref<8x125xi32, #tpu.memory_space<vmem>> -> memref<1x125xi32, #tpu.memory_space<vmem>>
      %dma_wait3A_267 = tpu.memref_squeeze %dma_wait3A_266 : memref<1x125xi32, #tpu.memory_space<vmem>> -> memref<125xi32, #tpu.memory_space<vmem>>
      %dma_wait3A_268 = arith.constant 0 : i32
      %dma_wait3A_269 = arith.constant 0 : i32
      %dma_wait3A_270 = tpu.memref_slice %arg2[%dma_wait3A_268, %dma_wait3A_269] : memref<20000x128xf32, #tpu.memory_space<hbm>> -> memref<20000x128xf32, #tpu.memory_space<hbm>>
      tpu.wait_indirect_dma semaphore(%arg13 : memref<!tpu.dma_semaphore, #tpu.memory_space<semaphore_mem>>) src(%dma_wait3A_270 : memref<20000x128xf32, #tpu.memory_space<hbm>>) dst(%arg10 : memref<125x128xf32, #tpu.memory_space<vmem>>)
      %dma_start3A_271 = arith.constant 6 : i32
      %dma_start3A_272 = arith.constant 0 : i32
      %dma_start3A_273 = tpu.memref_slice %arg9[%dma_start3A_271, %dma_start3A_272] : memref<8x125xi32, #tpu.memory_space<vmem>> -> memref<1x125xi32, #tpu.memory_space<vmem>>
      %dma_start3A_274 = tpu.memref_squeeze %dma_start3A_273 : memref<1x125xi32, #tpu.memory_space<vmem>> -> memref<125xi32, #tpu.memory_space<vmem>>
      %dma_start3A_275 = arith.constant 0 : i32
      %dma_start3A_276 = arith.constant 0 : i32
      %dma_start3A_277 = tpu.memref_slice %arg12[%dma_start3A_275, %dma_start3A_276] : memref<10112x128xf32, #tpu.memory_space<vmem_shared>> -> memref<10112x128xf32, #tpu.memory_space<vmem_shared>>
      tpu.enqueue_indirect_dma source(%arg10 : memref<125x128xf32, #tpu.memory_space<vmem>>) target(%dma_start3A_277 : memref<10112x128xf32, #tpu.memory_space<vmem_shared>>) offsets(%dma_start3A_274 : memref<125xi32, #tpu.memory_space<vmem>>) semaphore(%arg15 : memref<!tpu.dma_semaphore, #tpu.memory_space<semaphore_mem>>) {add = true}
      %dma_wait3A_278 = arith.constant 5 : i32
      %dma_wait3A_279 = arith.constant 0 : i32
      %dma_wait3A_280 = tpu.memref_slice %arg9[%dma_wait3A_278, %dma_wait3A_279] : memref<8x125xi32, #tpu.memory_space<vmem>> -> memref<1x125xi32, #tpu.memory_space<vmem>>
      %dma_wait3A_281 = tpu.memref_squeeze %dma_wait3A_280 : memref<1x125xi32, #tpu.memory_space<vmem>> -> memref<125xi32, #tpu.memory_space<vmem>>
      %dma_wait3A_282 = arith.constant 0 : i32
      %dma_wait3A_283 = arith.constant 0 : i32
      %dma_wait3A_284 = tpu.memref_slice %arg12[%dma_wait3A_282, %dma_wait3A_283] : memref<10112x128xf32, #tpu.memory_space<vmem_shared>> -> memref<10112x128xf32, #tpu.memory_space<vmem_shared>>
      tpu.wait_indirect_dma semaphore(%arg16 : memref<!tpu.dma_semaphore, #tpu.memory_space<semaphore_mem>>) src(%arg11 : memref<125x128xf32, #tpu.memory_space<vmem>>) dst(%dma_wait3A_284 : memref<10112x128xf32, #tpu.memory_space<vmem_shared>>)
      %dma_start3A_285 = arith.constant 7 : i32
      %dma_start3A_286 = arith.constant 0 : i32
      %dma_start3A_287 = tpu.memref_slice %arg8[%dma_start3A_285, %dma_start3A_286] : memref<8x125xi32, #tpu.memory_space<vmem>> -> memref<1x125xi32, #tpu.memory_space<vmem>>
      %dma_start3A_288 = tpu.memref_squeeze %dma_start3A_287 : memref<1x125xi32, #tpu.memory_space<vmem>> -> memref<125xi32, #tpu.memory_space<vmem>>
      %dma_start3A_289 = arith.constant 0 : i32
      %dma_start3A_290 = arith.constant 0 : i32
      %dma_start3A_291 = tpu.memref_slice %arg2[%dma_start3A_289, %dma_start3A_290] : memref<20000x128xf32, #tpu.memory_space<hbm>> -> memref<20000x128xf32, #tpu.memory_space<hbm>>
      tpu.enqueue_indirect_dma source(%dma_start3A_291 : memref<20000x128xf32, #tpu.memory_space<hbm>>) target(%arg11 : memref<125x128xf32, #tpu.memory_space<vmem>>) offsets(%dma_start3A_288 : memref<125xi32, #tpu.memory_space<vmem>>) semaphore(%arg14 : memref<!tpu.dma_semaphore, #tpu.memory_space<semaphore_mem>>)
      %dma_wait3A_292 = arith.constant 7 : i32
      %dma_wait3A_293 = arith.constant 0 : i32
      %dma_wait3A_294 = tpu.memref_slice %arg8[%dma_wait3A_292, %dma_wait3A_293] : memref<8x125xi32, #tpu.memory_space<vmem>> -> memref<1x125xi32, #tpu.memory_space<vmem>>
      %dma_wait3A_295 = tpu.memref_squeeze %dma_wait3A_294 : memref<1x125xi32, #tpu.memory_space<vmem>> -> memref<125xi32, #tpu.memory_space<vmem>>
      %dma_wait3A_296 = arith.constant 0 : i32
      %dma_wait3A_297 = arith.constant 0 : i32
      %dma_wait3A_298 = tpu.memref_slice %arg2[%dma_wait3A_296, %dma_wait3A_297] : memref<20000x128xf32, #tpu.memory_space<hbm>> -> memref<20000x128xf32, #tpu.memory_space<hbm>>
      tpu.wait_indirect_dma semaphore(%arg14 : memref<!tpu.dma_semaphore, #tpu.memory_space<semaphore_mem>>) src(%dma_wait3A_298 : memref<20000x128xf32, #tpu.memory_space<hbm>>) dst(%arg11 : memref<125x128xf32, #tpu.memory_space<vmem>>)
      %dma_start3A_299 = arith.constant 7 : i32
      %dma_start3A_300 = arith.constant 0 : i32
      %dma_start3A_301 = tpu.memref_slice %arg9[%dma_start3A_299, %dma_start3A_300] : memref<8x125xi32, #tpu.memory_space<vmem>> -> memref<1x125xi32, #tpu.memory_space<vmem>>
      %dma_start3A_302 = tpu.memref_squeeze %dma_start3A_301 : memref<1x125xi32, #tpu.memory_space<vmem>> -> memref<125xi32, #tpu.memory_space<vmem>>
      %dma_start3A_303 = arith.constant 0 : i32
      %dma_start3A_304 = arith.constant 0 : i32
      %dma_start3A_305 = tpu.memref_slice %arg12[%dma_start3A_303, %dma_start3A_304] : memref<10112x128xf32, #tpu.memory_space<vmem_shared>> -> memref<10112x128xf32, #tpu.memory_space<vmem_shared>>
      tpu.enqueue_indirect_dma source(%arg11 : memref<125x128xf32, #tpu.memory_space<vmem>>) target(%dma_start3A_305 : memref<10112x128xf32, #tpu.memory_space<vmem_shared>>) offsets(%dma_start3A_302 : memref<125xi32, #tpu.memory_space<vmem>>) semaphore(%arg16 : memref<!tpu.dma_semaphore, #tpu.memory_space<semaphore_mem>>) {add = true}
      %dma_wait3A_306 = arith.constant 7 : i32
      %dma_wait3A_307 = arith.constant 0 : i32
      %dma_wait3A_308 = tpu.memref_slice %arg9[%dma_wait3A_306, %dma_wait3A_307] : memref<8x125xi32, #tpu.memory_space<vmem>> -> memref<1x125xi32, #tpu.memory_space<vmem>>
      %dma_wait3A_309 = tpu.memref_squeeze %dma_wait3A_308 : memref<1x125xi32, #tpu.memory_space<vmem>> -> memref<125xi32, #tpu.memory_space<vmem>>
      %dma_wait3A_310 = arith.constant 0 : i32
      %dma_wait3A_311 = arith.constant 0 : i32
      %dma_wait3A_312 = tpu.memref_slice %arg12[%dma_wait3A_310, %dma_wait3A_311] : memref<10112x128xf32, #tpu.memory_space<vmem_shared>> -> memref<10112x128xf32, #tpu.memory_space<vmem_shared>>
      tpu.wait_indirect_dma semaphore(%arg16 : memref<!tpu.dma_semaphore, #tpu.memory_space<semaphore_mem>>) src(%arg11 : memref<125x128xf32, #tpu.memory_space<vmem>>) dst(%dma_wait3A_312 : memref<10112x128xf32, #tpu.memory_space<vmem_shared>>)
      %dma_wait3A_313 = arith.constant 6 : i32
      %dma_wait3A_314 = arith.constant 0 : i32
      %dma_wait3A_315 = tpu.memref_slice %arg9[%dma_wait3A_313, %dma_wait3A_314] : memref<8x125xi32, #tpu.memory_space<vmem>> -> memref<1x125xi32, #tpu.memory_space<vmem>>
      %dma_wait3A_316 = tpu.memref_squeeze %dma_wait3A_315 : memref<1x125xi32, #tpu.memory_space<vmem>> -> memref<125xi32, #tpu.memory_space<vmem>>
      %dma_wait3A_317 = arith.constant 0 : i32
      %dma_wait3A_318 = arith.constant 0 : i32
      %dma_wait3A_319 = tpu.memref_slice %arg12[%dma_wait3A_317, %dma_wait3A_318] : memref<10112x128xf32, #tpu.memory_space<vmem_shared>> -> memref<10112x128xf32, #tpu.memory_space<vmem_shared>>
      tpu.wait_indirect_dma semaphore(%arg15 : memref<!tpu.dma_semaphore, #tpu.memory_space<semaphore_mem>>) src(%arg10 : memref<125x128xf32, #tpu.memory_space<vmem>>) dst(%dma_wait3A_319 : memref<10112x128xf32, #tpu.memory_space<vmem_shared>>)
    }
    %scan3A_18 = arith.constant 20 : i32
    %barrier3A_19 = arith.constant 0 : index
    tpu.barrier barrier_id(%barrier3A_19)
    %add3A_20 = arith.constant 0 : i32
    %add3A_21 = arith.addi %mul3A_0, %add3A_20 : i32
    "tpu.region"() ({
      %run_scoped3A_97 = tpu.sem_alloc : memref<!tpu.dma_semaphore, #tpu.memory_space<semaphore_mem>>
      %dma_start3A = arith.constant 0 : i32
      %dma_start3A_98 = arith.constant 0 : i32
      %dma_start3A_99 = tpu.memref_slice %arg10[%dma_start3A, %dma_start3A_98] : memref<125x128xf32, #tpu.memory_space<vmem>> -> memref<96x128xf32, #tpu.memory_space<vmem>>
      %dma_start3A_100 = arith.constant 0 : i32
      %dma_start3A_101 = tpu.memref_slice %arg12[%add3A_21, %dma_start3A_100] : memref<10112x128xf32, #tpu.memory_space<vmem_shared>> -> memref<96x128xf32, #tpu.memory_space<vmem_shared>>
      %dma_start3A_102 = arith.constant 0 : i32
      %dma_start3A_103 = arith.constant 0 : i32
      %dma_start3A_104 = tpu.memref_slice %arg10[%dma_start3A_102, %dma_start3A_103] : memref<125x128xf32, #tpu.memory_space<vmem>> -> memref<96x128xf32, #tpu.memory_space<vmem>>
      %dma_start3A_105 = arith.constant 0 : i32
      %dma_start3A_106 = tpu.memref_slice %arg12[%add3A_21, %dma_start3A_105] : memref<10112x128xf32, #tpu.memory_space<vmem_shared>> -> memref<96x128xf32, #tpu.memory_space<vmem_shared>>
      tpu.enqueue_dma source(%dma_start3A_106 : memref<96x128xf32, #tpu.memory_space<vmem_shared>>) target(%dma_start3A_104 : memref<96x128xf32, #tpu.memory_space<vmem>>) target_semaphore(%run_scoped3A_97 : memref<!tpu.dma_semaphore, #tpu.memory_space<semaphore_mem>>)
      %dma_wait3A = arith.constant 0 : i32
      %dma_wait3A_107 = arith.constant 0 : i32
      %dma_wait3A_108 = tpu.memref_slice %arg10[%dma_wait3A, %dma_wait3A_107] : memref<125x128xf32, #tpu.memory_space<vmem>> -> memref<96x128xf32, #tpu.memory_space<vmem>>
      %dma_wait3A_109 = arith.constant 0 : i32
      %dma_wait3A_110 = tpu.memref_slice %arg12[%add3A_21, %dma_wait3A_109] : memref<10112x128xf32, #tpu.memory_space<vmem_shared>> -> memref<96x128xf32, #tpu.memory_space<vmem_shared>>
      %dma_wait3A_111 = arith.constant 0 : i32
      %dma_wait3A_112 = arith.constant 0 : i32
      %dma_wait3A_113 = tpu.memref_slice %arg10[%dma_wait3A_111, %dma_wait3A_112] : memref<125x128xf32, #tpu.memory_space<vmem>> -> memref<96x128xf32, #tpu.memory_space<vmem>>
      %dma_wait3A_114 = arith.constant 0 : i32
      %dma_wait3A_115 = tpu.memref_slice %arg12[%add3A_21, %dma_wait3A_114] : memref<10112x128xf32, #tpu.memory_space<vmem_shared>> -> memref<96x128xf32, #tpu.memory_space<vmem_shared>>
      tpu.wait_dma2 semaphore(%run_scoped3A_97 : memref<!tpu.dma_semaphore, #tpu.memory_space<semaphore_mem>>) src(%dma_wait3A_115 : memref<96x128xf32, #tpu.memory_space<vmem_shared>>) dst(%dma_wait3A_113 : memref<96x128xf32, #tpu.memory_space<vmem>>)
      tpu.yield
    }) : () -> ()
    %add3A_22 = arith.constant 0 : i32
    %add3A_23 = arith.addi %mul3A_0, %add3A_22 : i32
    %run_scoped3A = arith.constant 0 : i32
    "tpu.region"() ({
      %run_scoped3A_97 = tpu.sem_alloc : memref<!tpu.dma_semaphore, #tpu.memory_space<semaphore_mem>>
      %dma_start3A = arith.constant 0 : i32
      %dma_start3A_98 = arith.constant 0 : i32
      %dma_start3A_99 = tpu.memref_slice %arg10[%dma_start3A, %dma_start3A_98] : memref<125x128xf32, #tpu.memory_space<vmem>> -> memref<96x128xf32, #tpu.memory_space<vmem>>
      %dma_start3A_100 = arith.constant 0 : i32
      %dma_start3A_101 = tpu.memref_slice %arg7[%arg0, %run_scoped3A, %add3A_23, %dma_start3A_100] : memref<2x2x10112x128xf32, #tpu.memory_space<hbm>> -> memref<1x1x96x128xf32, #tpu.memory_space<hbm>>
      %dma_start3A_102 = tpu.memref_squeeze %dma_start3A_101 : memref<1x1x96x128xf32, #tpu.memory_space<hbm>> -> memref<96x128xf32, #tpu.memory_space<hbm>>
      %dma_start3A_103 = arith.constant 0 : i32
      %dma_start3A_104 = tpu.memref_slice %arg7[%arg0, %run_scoped3A, %add3A_23, %dma_start3A_103] : memref<2x2x10112x128xf32, #tpu.memory_space<hbm>> -> memref<1x1x96x128xf32, #tpu.memory_space<hbm>>
      %dma_start3A_105 = tpu.memref_squeeze %dma_start3A_104 : memref<1x1x96x128xf32, #tpu.memory_space<hbm>> -> memref<96x128xf32, #tpu.memory_space<hbm>>
      %dma_start3A_106 = arith.constant 0 : i32
      %dma_start3A_107 = arith.constant 0 : i32
      %dma_start3A_108 = tpu.memref_slice %arg10[%dma_start3A_106, %dma_start3A_107] : memref<125x128xf32, #tpu.memory_space<vmem>> -> memref<96x128xf32, #tpu.memory_space<vmem>>
      tpu.enqueue_dma source(%dma_start3A_108 : memref<96x128xf32, #tpu.memory_space<vmem>>) target(%dma_start3A_105 : memref<96x128xf32, #tpu.memory_space<hbm>>) target_semaphore(%run_scoped3A_97 : memref<!tpu.dma_semaphore, #tpu.memory_space<semaphore_mem>>)
      %dma_wait3A = arith.constant 0 : i32
      %dma_wait3A_109 = arith.constant 0 : i32
      %dma_wait3A_110 = tpu.memref_slice %arg10[%dma_wait3A, %dma_wait3A_109] : memref<125x128xf32, #tpu.memory_space<vmem>> -> memref<96x128xf32, #tpu.memory_space<vmem>>
      %dma_wait3A_111 = arith.constant 0 : i32
      %dma_wait3A_112 = tpu.memref_slice %arg7[%arg0, %run_scoped3A, %add3A_23, %dma_wait3A_111] : memref<2x2x10112x128xf32, #tpu.memory_space<hbm>> -> memref<1x1x96x128xf32, #tpu.memory_space<hbm>>
      %dma_wait3A_113 = tpu.memref_squeeze %dma_wait3A_112 : memref<1x1x96x128xf32, #tpu.memory_space<hbm>> -> memref<96x128xf32, #tpu.memory_space<hbm>>
      %dma_wait3A_114 = arith.constant 0 : i32
      %dma_wait3A_115 = tpu.memref_slice %arg7[%arg0, %run_scoped3A, %add3A_23, %dma_wait3A_114] : memref<2x2x10112x128xf32, #tpu.memory_space<hbm>> -> memref<1x1x96x128xf32, #tpu.memory_space<hbm>>
      %dma_wait3A_116 = tpu.memref_squeeze %dma_wait3A_115 : memref<1x1x96x128xf32, #tpu.memory_space<hbm>> -> memref<96x128xf32, #tpu.memory_space<hbm>>
      %dma_wait3A_117 = arith.constant 0 : i32
      %dma_wait3A_118 = arith.constant 0 : i32
      %dma_wait3A_119 = tpu.memref_slice %arg10[%dma_wait3A_117, %dma_wait3A_118] : memref<125x128xf32, #tpu.memory_space<vmem>> -> memref<96x128xf32, #tpu.memory_space<vmem>>
      tpu.wait_dma2 semaphore(%run_scoped3A_97 : memref<!tpu.dma_semaphore, #tpu.memory_space<semaphore_mem>>) src(%dma_wait3A_119 : memref<96x128xf32, #tpu.memory_space<vmem>>) dst(%dma_wait3A_116 : memref<96x128xf32, #tpu.memory_space<hbm>>)
      tpu.yield
    }) : () -> ()
    %add3A_24 = arith.constant 96 : i32
    %add3A_25 = arith.addi %mul3A_0, %add3A_24 : i32
    "tpu.region"() ({
      %run_scoped3A_97 = tpu.sem_alloc : memref<!tpu.dma_semaphore, #tpu.memory_space<semaphore_mem>>
      %dma_start3A = arith.constant 0 : i32
      %dma_start3A_98 = arith.constant 0 : i32
      %dma_start3A_99 = tpu.memref_slice %arg10[%dma_start3A, %dma_start3A_98] : memref<125x128xf32, #tpu.memory_space<vmem>> -> memref<96x128xf32, #tpu.memory_space<vmem>>
      %dma_start3A_100 = arith.constant 0 : i32
      %dma_start3A_101 = tpu.memref_slice %arg12[%add3A_25, %dma_start3A_100] : memref<10112x128xf32, #tpu.memory_space<vmem_shared>> -> memref<96x128xf32, #tpu.memory_space<vmem_shared>>
      %dma_start3A_102 = arith.constant 0 : i32
      %dma_start3A_103 = arith.constant 0 : i32
      %dma_start3A_104 = tpu.memref_slice %arg10[%dma_start3A_102, %dma_start3A_103] : memref<125x128xf32, #tpu.memory_space<vmem>> -> memref<96x128xf32, #tpu.memory_space<vmem>>
      %dma_start3A_105 = arith.constant 0 : i32
      %dma_start3A_106 = tpu.memref_slice %arg12[%add3A_25, %dma_start3A_105] : memref<10112x128xf32, #tpu.memory_space<vmem_shared>> -> memref<96x128xf32, #tpu.memory_space<vmem_shared>>
      tpu.enqueue_dma source(%dma_start3A_106 : memref<96x128xf32, #tpu.memory_space<vmem_shared>>) target(%dma_start3A_104 : memref<96x128xf32, #tpu.memory_space<vmem>>) target_semaphore(%run_scoped3A_97 : memref<!tpu.dma_semaphore, #tpu.memory_space<semaphore_mem>>)
      %dma_wait3A = arith.constant 0 : i32
      %dma_wait3A_107 = arith.constant 0 : i32
      %dma_wait3A_108 = tpu.memref_slice %arg10[%dma_wait3A, %dma_wait3A_107] : memref<125x128xf32, #tpu.memory_space<vmem>> -> memref<96x128xf32, #tpu.memory_space<vmem>>
      %dma_wait3A_109 = arith.constant 0 : i32
      %dma_wait3A_110 = tpu.memref_slice %arg12[%add3A_25, %dma_wait3A_109] : memref<10112x128xf32, #tpu.memory_space<vmem_shared>> -> memref<96x128xf32, #tpu.memory_space<vmem_shared>>
      %dma_wait3A_111 = arith.constant 0 : i32
      %dma_wait3A_112 = arith.constant 0 : i32
      %dma_wait3A_113 = tpu.memref_slice %arg10[%dma_wait3A_111, %dma_wait3A_112] : memref<125x128xf32, #tpu.memory_space<vmem>> -> memref<96x128xf32, #tpu.memory_space<vmem>>
      %dma_wait3A_114 = arith.constant 0 : i32
      %dma_wait3A_115 = tpu.memref_slice %arg12[%add3A_25, %dma_wait3A_114] : memref<10112x128xf32, #tpu.memory_space<vmem_shared>> -> memref<96x128xf32, #tpu.memory_space<vmem_shared>>
      tpu.wait_dma2 semaphore(%run_scoped3A_97 : memref<!tpu.dma_semaphore, #tpu.memory_space<semaphore_mem>>) src(%dma_wait3A_115 : memref<96x128xf32, #tpu.memory_space<vmem_shared>>) dst(%dma_wait3A_113 : memref<96x128xf32, #tpu.memory_space<vmem>>)
      tpu.yield
    }) : () -> ()
    %add3A_26 = arith.constant 96 : i32
    %add3A_27 = arith.addi %mul3A_0, %add3A_26 : i32
    %run_scoped3A_28 = arith.constant 0 : i32
    "tpu.region"() ({
      %run_scoped3A_97 = tpu.sem_alloc : memref<!tpu.dma_semaphore, #tpu.memory_space<semaphore_mem>>
      %dma_start3A = arith.constant 0 : i32
      %dma_start3A_98 = arith.constant 0 : i32
      %dma_start3A_99 = tpu.memref_slice %arg10[%dma_start3A, %dma_start3A_98] : memref<125x128xf32, #tpu.memory_space<vmem>> -> memref<96x128xf32, #tpu.memory_space<vmem>>
      %dma_start3A_100 = arith.constant 0 : i32
      %dma_start3A_101 = tpu.memref_slice %arg7[%arg0, %run_scoped3A_28, %add3A_27, %dma_start3A_100] : memref<2x2x10112x128xf32, #tpu.memory_space<hbm>> -> memref<1x1x96x128xf32, #tpu.memory_space<hbm>>
      %dma_start3A_102 = tpu.memref_squeeze %dma_start3A_101 : memref<1x1x96x128xf32, #tpu.memory_space<hbm>> -> memref<96x128xf32, #tpu.memory_space<hbm>>
      %dma_start3A_103 = arith.constant 0 : i32
      %dma_start3A_104 = tpu.memref_slice %arg7[%arg0, %run_scoped3A_28, %add3A_27, %dma_start3A_103] : memref<2x2x10112x128xf32, #tpu.memory_space<hbm>> -> memref<1x1x96x128xf32, #tpu.memory_space<hbm>>
      %dma_start3A_105 = tpu.memref_squeeze %dma_start3A_104 : memref<1x1x96x128xf32, #tpu.memory_space<hbm>> -> memref<96x128xf32, #tpu.memory_space<hbm>>
      %dma_start3A_106 = arith.constant 0 : i32
      %dma_start3A_107 = arith.constant 0 : i32
      %dma_start3A_108 = tpu.memref_slice %arg10[%dma_start3A_106, %dma_start3A_107] : memref<125x128xf32, #tpu.memory_space<vmem>> -> memref<96x128xf32, #tpu.memory_space<vmem>>
      tpu.enqueue_dma source(%dma_start3A_108 : memref<96x128xf32, #tpu.memory_space<vmem>>) target(%dma_start3A_105 : memref<96x128xf32, #tpu.memory_space<hbm>>) target_semaphore(%run_scoped3A_97 : memref<!tpu.dma_semaphore, #tpu.memory_space<semaphore_mem>>)
      %dma_wait3A = arith.constant 0 : i32
      %dma_wait3A_109 = arith.constant 0 : i32
      %dma_wait3A_110 = tpu.memref_slice %arg10[%dma_wait3A, %dma_wait3A_109] : memref<125x128xf32, #tpu.memory_space<vmem>> -> memref<96x128xf32, #tpu.memory_space<vmem>>
      %dma_wait3A_111 = arith.constant 0 : i32
      %dma_wait3A_112 = tpu.memref_slice %arg7[%arg0, %run_scoped3A_28, %add3A_27, %dma_wait3A_111] : memref<2x2x10112x128xf32, #tpu.memory_space<hbm>> -> memref<1x1x96x128xf32, #tpu.memory_space<hbm>>
      %dma_wait3A_113 = tpu.memref_squeeze %dma_wait3A_112 : memref<1x1x96x128xf32, #tpu.memory_space<hbm>> -> memref<96x128xf32, #tpu.memory_space<hbm>>
      %dma_wait3A_114 = arith.constant 0 : i32
      %dma_wait3A_115 = tpu.memref_slice %arg7[%arg0, %run_scoped3A_28, %add3A_27, %dma_wait3A_114] : memref<2x2x10112x128xf32, #tpu.memory_space<hbm>> -> memref<1x1x96x128xf32, #tpu.memory_space<hbm>>
      %dma_wait3A_116 = tpu.memref_squeeze %dma_wait3A_115 : memref<1x1x96x128xf32, #tpu.memory_space<hbm>> -> memref<96x128xf32, #tpu.memory_space<hbm>>
      %dma_wait3A_117 = arith.constant 0 : i32
      %dma_wait3A_118 = arith.constant 0 : i32
      %dma_wait3A_119 = tpu.memref_slice %arg10[%dma_wait3A_117, %dma_wait3A_118] : memref<125x128xf32, #tpu.memory_space<vmem>> -> memref<96x128xf32, #tpu.memory_space<vmem>>
      tpu.wait_dma2 semaphore(%run_scoped3A_97 : memref<!tpu.dma_semaphore, #tpu.memory_space<semaphore_mem>>) src(%dma_wait3A_119 : memref<96x128xf32, #tpu.memory_space<vmem>>) dst(%dma_wait3A_116 : memref<96x128xf32, #tpu.memory_space<hbm>>)
      tpu.yield
    }) : () -> ()
    %add3A_29 = arith.constant 192 : i32
    %add3A_30 = arith.addi %mul3A_0, %add3A_29 : i32
    "tpu.region"() ({
      %run_scoped3A_97 = tpu.sem_alloc : memref<!tpu.dma_semaphore, #tpu.memory_space<semaphore_mem>>
      %dma_start3A = arith.constant 0 : i32
      %dma_start3A_98 = arith.constant 0 : i32
      %dma_start3A_99 = tpu.memref_slice %arg10[%dma_start3A, %dma_start3A_98] : memref<125x128xf32, #tpu.memory_space<vmem>> -> memref<96x128xf32, #tpu.memory_space<vmem>>
      %dma_start3A_100 = arith.constant 0 : i32
      %dma_start3A_101 = tpu.memref_slice %arg12[%add3A_30, %dma_start3A_100] : memref<10112x128xf32, #tpu.memory_space<vmem_shared>> -> memref<96x128xf32, #tpu.memory_space<vmem_shared>>
      %dma_start3A_102 = arith.constant 0 : i32
      %dma_start3A_103 = arith.constant 0 : i32
      %dma_start3A_104 = tpu.memref_slice %arg10[%dma_start3A_102, %dma_start3A_103] : memref<125x128xf32, #tpu.memory_space<vmem>> -> memref<96x128xf32, #tpu.memory_space<vmem>>
      %dma_start3A_105 = arith.constant 0 : i32
      %dma_start3A_106 = tpu.memref_slice %arg12[%add3A_30, %dma_start3A_105] : memref<10112x128xf32, #tpu.memory_space<vmem_shared>> -> memref<96x128xf32, #tpu.memory_space<vmem_shared>>
      tpu.enqueue_dma source(%dma_start3A_106 : memref<96x128xf32, #tpu.memory_space<vmem_shared>>) target(%dma_start3A_104 : memref<96x128xf32, #tpu.memory_space<vmem>>) target_semaphore(%run_scoped3A_97 : memref<!tpu.dma_semaphore, #tpu.memory_space<semaphore_mem>>)
      %dma_wait3A = arith.constant 0 : i32
      %dma_wait3A_107 = arith.constant 0 : i32
      %dma_wait3A_108 = tpu.memref_slice %arg10[%dma_wait3A, %dma_wait3A_107] : memref<125x128xf32, #tpu.memory_space<vmem>> -> memref<96x128xf32, #tpu.memory_space<vmem>>
      %dma_wait3A_109 = arith.constant 0 : i32
      %dma_wait3A_110 = tpu.memref_slice %arg12[%add3A_30, %dma_wait3A_109] : memref<10112x128xf32, #tpu.memory_space<vmem_shared>> -> memref<96x128xf32, #tpu.memory_space<vmem_shared>>
      %dma_wait3A_111 = arith.constant 0 : i32
      %dma_wait3A_112 = arith.constant 0 : i32
      %dma_wait3A_113 = tpu.memref_slice %arg10[%dma_wait3A_111, %dma_wait3A_112] : memref<125x128xf32, #tpu.memory_space<vmem>> -> memref<96x128xf32, #tpu.memory_space<vmem>>
      %dma_wait3A_114 = arith.constant 0 : i32
      %dma_wait3A_115 = tpu.memref_slice %arg12[%add3A_30, %dma_wait3A_114] : memref<10112x128xf32, #tpu.memory_space<vmem_shared>> -> memref<96x128xf32, #tpu.memory_space<vmem_shared>>
      tpu.wait_dma2 semaphore(%run_scoped3A_97 : memref<!tpu.dma_semaphore, #tpu.memory_space<semaphore_mem>>) src(%dma_wait3A_115 : memref<96x128xf32, #tpu.memory_space<vmem_shared>>) dst(%dma_wait3A_113 : memref<96x128xf32, #tpu.memory_space<vmem>>)
      tpu.yield
    }) : () -> ()
    %add3A_31 = arith.constant 192 : i32
    %add3A_32 = arith.addi %mul3A_0, %add3A_31 : i32
    %run_scoped3A_33 = arith.constant 0 : i32
    "tpu.region"() ({
      %run_scoped3A_97 = tpu.sem_alloc : memref<!tpu.dma_semaphore, #tpu.memory_space<semaphore_mem>>
      %dma_start3A = arith.constant 0 : i32
      %dma_start3A_98 = arith.constant 0 : i32
      %dma_start3A_99 = tpu.memref_slice %arg10[%dma_start3A, %dma_start3A_98] : memref<125x128xf32, #tpu.memory_space<vmem>> -> memref<96x128xf32, #tpu.memory_space<vmem>>
      %dma_start3A_100 = arith.constant 0 : i32
      %dma_start3A_101 = tpu.memref_slice %arg7[%arg0, %run_scoped3A_33, %add3A_32, %dma_start3A_100] : memref<2x2x10112x128xf32, #tpu.memory_space<hbm>> -> memref<1x1x96x128xf32, #tpu.memory_space<hbm>>
      %dma_start3A_102 = tpu.memref_squeeze %dma_start3A_101 : memref<1x1x96x128xf32, #tpu.memory_space<hbm>> -> memref<96x128xf32, #tpu.memory_space<hbm>>
      %dma_start3A_103 = arith.constant 0 : i32
      %dma_start3A_104 = tpu.memref_slice %arg7[%arg0, %run_scoped3A_33, %add3A_32, %dma_start3A_103] : memref<2x2x10112x128xf32, #tpu.memory_space<hbm>> -> memref<1x1x96x128xf32, #tpu.memory_space<hbm>>
      %dma_start3A_105 = tpu.memref_squeeze %dma_start3A_104 : memref<1x1x96x128xf32, #tpu.memory_space<hbm>> -> memref<96x128xf32, #tpu.memory_space<hbm>>
      %dma_start3A_106 = arith.constant 0 : i32
      %dma_start3A_107 = arith.constant 0 : i32
      %dma_start3A_108 = tpu.memref_slice %arg10[%dma_start3A_106, %dma_start3A_107] : memref<125x128xf32, #tpu.memory_space<vmem>> -> memref<96x128xf32, #tpu.memory_space<vmem>>
      tpu.enqueue_dma source(%dma_start3A_108 : memref<96x128xf32, #tpu.memory_space<vmem>>) target(%dma_start3A_105 : memref<96x128xf32, #tpu.memory_space<hbm>>) target_semaphore(%run_scoped3A_97 : memref<!tpu.dma_semaphore, #tpu.memory_space<semaphore_mem>>)
      %dma_wait3A = arith.constant 0 : i32
      %dma_wait3A_109 = arith.constant 0 : i32
      %dma_wait3A_110 = tpu.memref_slice %arg10[%dma_wait3A, %dma_wait3A_109] : memref<125x128xf32, #tpu.memory_space<vmem>> -> memref<96x128xf32, #tpu.memory_space<vmem>>
      %dma_wait3A_111 = arith.constant 0 : i32
      %dma_wait3A_112 = tpu.memref_slice %arg7[%arg0, %run_scoped3A_33, %add3A_32, %dma_wait3A_111] : memref<2x2x10112x128xf32, #tpu.memory_space<hbm>> -> memref<1x1x96x128xf32, #tpu.memory_space<hbm>>
      %dma_wait3A_113 = tpu.memref_squeeze %dma_wait3A_112 : memref<1x1x96x128xf32, #tpu.memory_space<hbm>> -> memref<96x128xf32, #tpu.memory_space<hbm>>
      %dma_wait3A_114 = arith.constant 0 : i32
      %dma_wait3A_115 = tpu.memref_slice %arg7[%arg0, %run_scoped3A_33, %add3A_32, %dma_wait3A_114] : memref<2x2x10112x128xf32, #tpu.memory_space<hbm>> -> memref<1x1x96x128xf32, #tpu.memory_space<hbm>>
      %dma_wait3A_116 = tpu.memref_squeeze %dma_wait3A_115 : memref<1x1x96x128xf32, #tpu.memory_space<hbm>> -> memref<96x128xf32, #tpu.memory_space<hbm>>
      %dma_wait3A_117 = arith.constant 0 : i32
      %dma_wait3A_118 = arith.constant 0 : i32
      %dma_wait3A_119 = tpu.memref_slice %arg10[%dma_wait3A_117, %dma_wait3A_118] : memref<125x128xf32, #tpu.memory_space<vmem>> -> memref<96x128xf32, #tpu.memory_space<vmem>>
      tpu.wait_dma2 semaphore(%run_scoped3A_97 : memref<!tpu.dma_semaphore, #tpu.memory_space<semaphore_mem>>) src(%dma_wait3A_119 : memref<96x128xf32, #tpu.memory_space<vmem>>) dst(%dma_wait3A_116 : memref<96x128xf32, #tpu.memory_space<hbm>>)
      tpu.yield
    }) : () -> ()
    %add3A_34 = arith.constant 288 : i32
    %add3A_35 = arith.addi %mul3A_0, %add3A_34 : i32
    "tpu.region"() ({
      %run_scoped3A_97 = tpu.sem_alloc : memref<!tpu.dma_semaphore, #tpu.memory_space<semaphore_mem>>
      %dma_start3A = arith.constant 0 : i32
      %dma_start3A_98 = arith.constant 0 : i32
      %dma_start3A_99 = tpu.memref_slice %arg10[%dma_start3A, %dma_start3A_98] : memref<125x128xf32, #tpu.memory_space<vmem>> -> memref<96x128xf32, #tpu.memory_space<vmem>>
      %dma_start3A_100 = arith.constant 0 : i32
      %dma_start3A_101 = tpu.memref_slice %arg12[%add3A_35, %dma_start3A_100] : memref<10112x128xf32, #tpu.memory_space<vmem_shared>> -> memref<96x128xf32, #tpu.memory_space<vmem_shared>>
      %dma_start3A_102 = arith.constant 0 : i32
      %dma_start3A_103 = arith.constant 0 : i32
      %dma_start3A_104 = tpu.memref_slice %arg10[%dma_start3A_102, %dma_start3A_103] : memref<125x128xf32, #tpu.memory_space<vmem>> -> memref<96x128xf32, #tpu.memory_space<vmem>>
      %dma_start3A_105 = arith.constant 0 : i32
      %dma_start3A_106 = tpu.memref_slice %arg12[%add3A_35, %dma_start3A_105] : memref<10112x128xf32, #tpu.memory_space<vmem_shared>> -> memref<96x128xf32, #tpu.memory_space<vmem_shared>>
      tpu.enqueue_dma source(%dma_start3A_106 : memref<96x128xf32, #tpu.memory_space<vmem_shared>>) target(%dma_start3A_104 : memref<96x128xf32, #tpu.memory_space<vmem>>) target_semaphore(%run_scoped3A_97 : memref<!tpu.dma_semaphore, #tpu.memory_space<semaphore_mem>>)
      %dma_wait3A = arith.constant 0 : i32
      %dma_wait3A_107 = arith.constant 0 : i32
      %dma_wait3A_108 = tpu.memref_slice %arg10[%dma_wait3A, %dma_wait3A_107] : memref<125x128xf32, #tpu.memory_space<vmem>> -> memref<96x128xf32, #tpu.memory_space<vmem>>
      %dma_wait3A_109 = arith.constant 0 : i32
      %dma_wait3A_110 = tpu.memref_slice %arg12[%add3A_35, %dma_wait3A_109] : memref<10112x128xf32, #tpu.memory_space<vmem_shared>> -> memref<96x128xf32, #tpu.memory_space<vmem_shared>>
      %dma_wait3A_111 = arith.constant 0 : i32
      %dma_wait3A_112 = arith.constant 0 : i32
      %dma_wait3A_113 = tpu.memref_slice %arg10[%dma_wait3A_111, %dma_wait3A_112] : memref<125x128xf32, #tpu.memory_space<vmem>> -> memref<96x128xf32, #tpu.memory_space<vmem>>
      %dma_wait3A_114 = arith.constant 0 : i32
      %dma_wait3A_115 = tpu.memref_slice %arg12[%add3A_35, %dma_wait3A_114] : memref<10112x128xf32, #tpu.memory_space<vmem_shared>> -> memref<96x128xf32, #tpu.memory_space<vmem_shared>>
      tpu.wait_dma2 semaphore(%run_scoped3A_97 : memref<!tpu.dma_semaphore, #tpu.memory_space<semaphore_mem>>) src(%dma_wait3A_115 : memref<96x128xf32, #tpu.memory_space<vmem_shared>>) dst(%dma_wait3A_113 : memref<96x128xf32, #tpu.memory_space<vmem>>)
      tpu.yield
    }) : () -> ()
    %add3A_36 = arith.constant 288 : i32
    %add3A_37 = arith.addi %mul3A_0, %add3A_36 : i32
    %run_scoped3A_38 = arith.constant 0 : i32
    "tpu.region"() ({
      %run_scoped3A_97 = tpu.sem_alloc : memref<!tpu.dma_semaphore, #tpu.memory_space<semaphore_mem>>
      %dma_start3A = arith.constant 0 : i32
      %dma_start3A_98 = arith.constant 0 : i32
      %dma_start3A_99 = tpu.memref_slice %arg10[%dma_start3A, %dma_start3A_98] : memref<125x128xf32, #tpu.memory_space<vmem>> -> memref<96x128xf32, #tpu.memory_space<vmem>>
      %dma_start3A_100 = arith.constant 0 : i32
      %dma_start3A_101 = tpu.memref_slice %arg7[%arg0, %run_scoped3A_38, %add3A_37, %dma_start3A_100] : memref<2x2x10112x128xf32, #tpu.memory_space<hbm>> -> memref<1x1x96x128xf32, #tpu.memory_space<hbm>>
      %dma_start3A_102 = tpu.memref_squeeze %dma_start3A_101 : memref<1x1x96x128xf32, #tpu.memory_space<hbm>> -> memref<96x128xf32, #tpu.memory_space<hbm>>
      %dma_start3A_103 = arith.constant 0 : i32
      %dma_start3A_104 = tpu.memref_slice %arg7[%arg0, %run_scoped3A_38, %add3A_37, %dma_start3A_103] : memref<2x2x10112x128xf32, #tpu.memory_space<hbm>> -> memref<1x1x96x128xf32, #tpu.memory_space<hbm>>
      %dma_start3A_105 = tpu.memref_squeeze %dma_start3A_104 : memref<1x1x96x128xf32, #tpu.memory_space<hbm>> -> memref<96x128xf32, #tpu.memory_space<hbm>>
      %dma_start3A_106 = arith.constant 0 : i32
      %dma_start3A_107 = arith.constant 0 : i32
      %dma_start3A_108 = tpu.memref_slice %arg10[%dma_start3A_106, %dma_start3A_107] : memref<125x128xf32, #tpu.memory_space<vmem>> -> memref<96x128xf32, #tpu.memory_space<vmem>>
      tpu.enqueue_dma source(%dma_start3A_108 : memref<96x128xf32, #tpu.memory_space<vmem>>) target(%dma_start3A_105 : memref<96x128xf32, #tpu.memory_space<hbm>>) target_semaphore(%run_scoped3A_97 : memref<!tpu.dma_semaphore, #tpu.memory_space<semaphore_mem>>)
      %dma_wait3A = arith.constant 0 : i32
      %dma_wait3A_109 = arith.constant 0 : i32
      %dma_wait3A_110 = tpu.memref_slice %arg10[%dma_wait3A, %dma_wait3A_109] : memref<125x128xf32, #tpu.memory_space<vmem>> -> memref<96x128xf32, #tpu.memory_space<vmem>>
      %dma_wait3A_111 = arith.constant 0 : i32
      %dma_wait3A_112 = tpu.memref_slice %arg7[%arg0, %run_scoped3A_38, %add3A_37, %dma_wait3A_111] : memref<2x2x10112x128xf32, #tpu.memory_space<hbm>> -> memref<1x1x96x128xf32, #tpu.memory_space<hbm>>
      %dma_wait3A_113 = tpu.memref_squeeze %dma_wait3A_112 : memref<1x1x96x128xf32, #tpu.memory_space<hbm>> -> memref<96x128xf32, #tpu.memory_space<hbm>>
      %dma_wait3A_114 = arith.constant 0 : i32
      %dma_wait3A_115 = tpu.memref_slice %arg7[%arg0, %run_scoped3A_38, %add3A_37, %dma_wait3A_114] : memref<2x2x10112x128xf32, #tpu.memory_space<hbm>> -> memref<1x1x96x128xf32, #tpu.memory_space<hbm>>
      %dma_wait3A_116 = tpu.memref_squeeze %dma_wait3A_115 : memref<1x1x96x128xf32, #tpu.memory_space<hbm>> -> memref<96x128xf32, #tpu.memory_space<hbm>>
      %dma_wait3A_117 = arith.constant 0 : i32
      %dma_wait3A_118 = arith.constant 0 : i32
      %dma_wait3A_119 = tpu.memref_slice %arg10[%dma_wait3A_117, %dma_wait3A_118] : memref<125x128xf32, #tpu.memory_space<vmem>> -> memref<96x128xf32, #tpu.memory_space<vmem>>
      tpu.wait_dma2 semaphore(%run_scoped3A_97 : memref<!tpu.dma_semaphore, #tpu.memory_space<semaphore_mem>>) src(%dma_wait3A_119 : memref<96x128xf32, #tpu.memory_space<vmem>>) dst(%dma_wait3A_116 : memref<96x128xf32, #tpu.memory_space<hbm>>)
      tpu.yield
    }) : () -> ()
    %add3A_39 = arith.constant 384 : i32
    %add3A_40 = arith.addi %mul3A_0, %add3A_39 : i32
    "tpu.region"() ({
      %run_scoped3A_97 = tpu.sem_alloc : memref<!tpu.dma_semaphore, #tpu.memory_space<semaphore_mem>>
      %dma_start3A = arith.constant 0 : i32
      %dma_start3A_98 = arith.constant 0 : i32
      %dma_start3A_99 = tpu.memref_slice %arg10[%dma_start3A, %dma_start3A_98] : memref<125x128xf32, #tpu.memory_space<vmem>> -> memref<96x128xf32, #tpu.memory_space<vmem>>
      %dma_start3A_100 = arith.constant 0 : i32
      %dma_start3A_101 = tpu.memref_slice %arg12[%add3A_40, %dma_start3A_100] : memref<10112x128xf32, #tpu.memory_space<vmem_shared>> -> memref<96x128xf32, #tpu.memory_space<vmem_shared>>
      %dma_start3A_102 = arith.constant 0 : i32
      %dma_start3A_103 = arith.constant 0 : i32
      %dma_start3A_104 = tpu.memref_slice %arg10[%dma_start3A_102, %dma_start3A_103] : memref<125x128xf32, #tpu.memory_space<vmem>> -> memref<96x128xf32, #tpu.memory_space<vmem>>
      %dma_start3A_105 = arith.constant 0 : i32
      %dma_start3A_106 = tpu.memref_slice %arg12[%add3A_40, %dma_start3A_105] : memref<10112x128xf32, #tpu.memory_space<vmem_shared>> -> memref<96x128xf32, #tpu.memory_space<vmem_shared>>
      tpu.enqueue_dma source(%dma_start3A_106 : memref<96x128xf32, #tpu.memory_space<vmem_shared>>) target(%dma_start3A_104 : memref<96x128xf32, #tpu.memory_space<vmem>>) target_semaphore(%run_scoped3A_97 : memref<!tpu.dma_semaphore, #tpu.memory_space<semaphore_mem>>)
      %dma_wait3A = arith.constant 0 : i32
      %dma_wait3A_107 = arith.constant 0 : i32
      %dma_wait3A_108 = tpu.memref_slice %arg10[%dma_wait3A, %dma_wait3A_107] : memref<125x128xf32, #tpu.memory_space<vmem>> -> memref<96x128xf32, #tpu.memory_space<vmem>>
      %dma_wait3A_109 = arith.constant 0 : i32
      %dma_wait3A_110 = tpu.memref_slice %arg12[%add3A_40, %dma_wait3A_109] : memref<10112x128xf32, #tpu.memory_space<vmem_shared>> -> memref<96x128xf32, #tpu.memory_space<vmem_shared>>
      %dma_wait3A_111 = arith.constant 0 : i32
      %dma_wait3A_112 = arith.constant 0 : i32
      %dma_wait3A_113 = tpu.memref_slice %arg10[%dma_wait3A_111, %dma_wait3A_112] : memref<125x128xf32, #tpu.memory_space<vmem>> -> memref<96x128xf32, #tpu.memory_space<vmem>>
      %dma_wait3A_114 = arith.constant 0 : i32
      %dma_wait3A_115 = tpu.memref_slice %arg12[%add3A_40, %dma_wait3A_114] : memref<10112x128xf32, #tpu.memory_space<vmem_shared>> -> memref<96x128xf32, #tpu.memory_space<vmem_shared>>
      tpu.wait_dma2 semaphore(%run_scoped3A_97 : memref<!tpu.dma_semaphore, #tpu.memory_space<semaphore_mem>>) src(%dma_wait3A_115 : memref<96x128xf32, #tpu.memory_space<vmem_shared>>) dst(%dma_wait3A_113 : memref<96x128xf32, #tpu.memory_space<vmem>>)
      tpu.yield
    }) : () -> ()
    %add3A_41 = arith.constant 384 : i32
    %add3A_42 = arith.addi %mul3A_0, %add3A_41 : i32
    %run_scoped3A_43 = arith.constant 0 : i32
    "tpu.region"() ({
      %run_scoped3A_97 = tpu.sem_alloc : memref<!tpu.dma_semaphore, #tpu.memory_space<semaphore_mem>>
      %dma_start3A = arith.constant 0 : i32
      %dma_start3A_98 = arith.constant 0 : i32
      %dma_start3A_99 = tpu.memref_slice %arg10[%dma_start3A, %dma_start3A_98] : memref<125x128xf32, #tpu.memory_space<vmem>> -> memref<96x128xf32, #tpu.memory_space<vmem>>
      %dma_start3A_100 = arith.constant 0 : i32
      %dma_start3A_101 = tpu.memref_slice %arg7[%arg0, %run_scoped3A_43, %add3A_42, %dma_start3A_100] : memref<2x2x10112x128xf32, #tpu.memory_space<hbm>> -> memref<1x1x96x128xf32, #tpu.memory_space<hbm>>
      %dma_start3A_102 = tpu.memref_squeeze %dma_start3A_101 : memref<1x1x96x128xf32, #tpu.memory_space<hbm>> -> memref<96x128xf32, #tpu.memory_space<hbm>>
      %dma_start3A_103 = arith.constant 0 : i32
      %dma_start3A_104 = tpu.memref_slice %arg7[%arg0, %run_scoped3A_43, %add3A_42, %dma_start3A_103] : memref<2x2x10112x128xf32, #tpu.memory_space<hbm>> -> memref<1x1x96x128xf32, #tpu.memory_space<hbm>>
      %dma_start3A_105 = tpu.memref_squeeze %dma_start3A_104 : memref<1x1x96x128xf32, #tpu.memory_space<hbm>> -> memref<96x128xf32, #tpu.memory_space<hbm>>
      %dma_start3A_106 = arith.constant 0 : i32
      %dma_start3A_107 = arith.constant 0 : i32
      %dma_start3A_108 = tpu.memref_slice %arg10[%dma_start3A_106, %dma_start3A_107] : memref<125x128xf32, #tpu.memory_space<vmem>> -> memref<96x128xf32, #tpu.memory_space<vmem>>
      tpu.enqueue_dma source(%dma_start3A_108 : memref<96x128xf32, #tpu.memory_space<vmem>>) target(%dma_start3A_105 : memref<96x128xf32, #tpu.memory_space<hbm>>) target_semaphore(%run_scoped3A_97 : memref<!tpu.dma_semaphore, #tpu.memory_space<semaphore_mem>>)
      %dma_wait3A = arith.constant 0 : i32
      %dma_wait3A_109 = arith.constant 0 : i32
      %dma_wait3A_110 = tpu.memref_slice %arg10[%dma_wait3A, %dma_wait3A_109] : memref<125x128xf32, #tpu.memory_space<vmem>> -> memref<96x128xf32, #tpu.memory_space<vmem>>
      %dma_wait3A_111 = arith.constant 0 : i32
      %dma_wait3A_112 = tpu.memref_slice %arg7[%arg0, %run_scoped3A_43, %add3A_42, %dma_wait3A_111] : memref<2x2x10112x128xf32, #tpu.memory_space<hbm>> -> memref<1x1x96x128xf32, #tpu.memory_space<hbm>>
      %dma_wait3A_113 = tpu.memref_squeeze %dma_wait3A_112 : memref<1x1x96x128xf32, #tpu.memory_space<hbm>> -> memref<96x128xf32, #tpu.memory_space<hbm>>
      %dma_wait3A_114 = arith.constant 0 : i32
      %dma_wait3A_115 = tpu.memref_slice %arg7[%arg0, %run_scoped3A_43, %add3A_42, %dma_wait3A_114] : memref<2x2x10112x128xf32, #tpu.memory_space<hbm>> -> memref<1x1x96x128xf32, #tpu.memory_space<hbm>>
      %dma_wait3A_116 = tpu.memref_squeeze %dma_wait3A_115 : memref<1x1x96x128xf32, #tpu.memory_space<hbm>> -> memref<96x128xf32, #tpu.memory_space<hbm>>
      %dma_wait3A_117 = arith.constant 0 : i32
      %dma_wait3A_118 = arith.constant 0 : i32
      %dma_wait3A_119 = tpu.memref_slice %arg10[%dma_wait3A_117, %dma_wait3A_118] : memref<125x128xf32, #tpu.memory_space<vmem>> -> memref<96x128xf32, #tpu.memory_space<vmem>>
      tpu.wait_dma2 semaphore(%run_scoped3A_97 : memref<!tpu.dma_semaphore, #tpu.memory_space<semaphore_mem>>) src(%dma_wait3A_119 : memref<96x128xf32, #tpu.memory_space<vmem>>) dst(%dma_wait3A_116 : memref<96x128xf32, #tpu.memory_space<hbm>>)
      tpu.yield
    }) : () -> ()
    %add3A_44 = arith.constant 480 : i32
    %add3A_45 = arith.addi %mul3A_0, %add3A_44 : i32
    "tpu.region"() ({
      %run_scoped3A_97 = tpu.sem_alloc : memref<!tpu.dma_semaphore, #tpu.memory_space<semaphore_mem>>
      %dma_start3A = arith.constant 0 : i32
      %dma_start3A_98 = arith.constant 0 : i32
      %dma_start3A_99 = tpu.memref_slice %arg10[%dma_start3A, %dma_start3A_98] : memref<125x128xf32, #tpu.memory_space<vmem>> -> memref<96x128xf32, #tpu.memory_space<vmem>>
      %dma_start3A_100 = arith.constant 0 : i32
      %dma_start3A_101 = tpu.memref_slice %arg12[%add3A_45, %dma_start3A_100] : memref<10112x128xf32, #tpu.memory_space<vmem_shared>> -> memref<96x128xf32, #tpu.memory_space<vmem_shared>>
      %dma_start3A_102 = arith.constant 0 : i32
      %dma_start3A_103 = arith.constant 0 : i32
      %dma_start3A_104 = tpu.memref_slice %arg10[%dma_start3A_102, %dma_start3A_103] : memref<125x128xf32, #tpu.memory_space<vmem>> -> memref<96x128xf32, #tpu.memory_space<vmem>>
      %dma_start3A_105 = arith.constant 0 : i32
      %dma_start3A_106 = tpu.memref_slice %arg12[%add3A_45, %dma_start3A_105] : memref<10112x128xf32, #tpu.memory_space<vmem_shared>> -> memref<96x128xf32, #tpu.memory_space<vmem_shared>>
      tpu.enqueue_dma source(%dma_start3A_106 : memref<96x128xf32, #tpu.memory_space<vmem_shared>>) target(%dma_start3A_104 : memref<96x128xf32, #tpu.memory_space<vmem>>) target_semaphore(%run_scoped3A_97 : memref<!tpu.dma_semaphore, #tpu.memory_space<semaphore_mem>>)
      %dma_wait3A = arith.constant 0 : i32
      %dma_wait3A_107 = arith.constant 0 : i32
      %dma_wait3A_108 = tpu.memref_slice %arg10[%dma_wait3A, %dma_wait3A_107] : memref<125x128xf32, #tpu.memory_space<vmem>> -> memref<96x128xf32, #tpu.memory_space<vmem>>
      %dma_wait3A_109 = arith.constant 0 : i32
      %dma_wait3A_110 = tpu.memref_slice %arg12[%add3A_45, %dma_wait3A_109] : memref<10112x128xf32, #tpu.memory_space<vmem_shared>> -> memref<96x128xf32, #tpu.memory_space<vmem_shared>>
      %dma_wait3A_111 = arith.constant 0 : i32
      %dma_wait3A_112 = arith.constant 0 : i32
      %dma_wait3A_113 = tpu.memref_slice %arg10[%dma_wait3A_111, %dma_wait3A_112] : memref<125x128xf32, #tpu.memory_space<vmem>> -> memref<96x128xf32, #tpu.memory_space<vmem>>
      %dma_wait3A_114 = arith.constant 0 : i32
      %dma_wait3A_115 = tpu.memref_slice %arg12[%add3A_45, %dma_wait3A_114] : memref<10112x128xf32, #tpu.memory_space<vmem_shared>> -> memref<96x128xf32, #tpu.memory_space<vmem_shared>>
      tpu.wait_dma2 semaphore(%run_scoped3A_97 : memref<!tpu.dma_semaphore, #tpu.memory_space<semaphore_mem>>) src(%dma_wait3A_115 : memref<96x128xf32, #tpu.memory_space<vmem_shared>>) dst(%dma_wait3A_113 : memref<96x128xf32, #tpu.memory_space<vmem>>)
      tpu.yield
    }) : () -> ()
    %add3A_46 = arith.constant 480 : i32
    %add3A_47 = arith.addi %mul3A_0, %add3A_46 : i32
    %run_scoped3A_48 = arith.constant 0 : i32
    "tpu.region"() ({
      %run_scoped3A_97 = tpu.sem_alloc : memref<!tpu.dma_semaphore, #tpu.memory_space<semaphore_mem>>
      %dma_start3A = arith.constant 0 : i32
      %dma_start3A_98 = arith.constant 0 : i32
      %dma_start3A_99 = tpu.memref_slice %arg10[%dma_start3A, %dma_start3A_98] : memref<125x128xf32, #tpu.memory_space<vmem>> -> memref<96x128xf32, #tpu.memory_space<vmem>>
      %dma_start3A_100 = arith.constant 0 : i32
      %dma_start3A_101 = tpu.memref_slice %arg7[%arg0, %run_scoped3A_48, %add3A_47, %dma_start3A_100] : memref<2x2x10112x128xf32, #tpu.memory_space<hbm>> -> memref<1x1x96x128xf32, #tpu.memory_space<hbm>>
      %dma_start3A_102 = tpu.memref_squeeze %dma_start3A_101 : memref<1x1x96x128xf32, #tpu.memory_space<hbm>> -> memref<96x128xf32, #tpu.memory_space<hbm>>
      %dma_start3A_103 = arith.constant 0 : i32
      %dma_start3A_104 = tpu.memref_slice %arg7[%arg0, %run_scoped3A_48, %add3A_47, %dma_start3A_103] : memref<2x2x10112x128xf32, #tpu.memory_space<hbm>> -> memref<1x1x96x128xf32, #tpu.memory_space<hbm>>
      %dma_start3A_105 = tpu.memref_squeeze %dma_start3A_104 : memref<1x1x96x128xf32, #tpu.memory_space<hbm>> -> memref<96x128xf32, #tpu.memory_space<hbm>>
      %dma_start3A_106 = arith.constant 0 : i32
      %dma_start3A_107 = arith.constant 0 : i32
      %dma_start3A_108 = tpu.memref_slice %arg10[%dma_start3A_106, %dma_start3A_107] : memref<125x128xf32, #tpu.memory_space<vmem>> -> memref<96x128xf32, #tpu.memory_space<vmem>>
      tpu.enqueue_dma source(%dma_start3A_108 : memref<96x128xf32, #tpu.memory_space<vmem>>) target(%dma_start3A_105 : memref<96x128xf32, #tpu.memory_space<hbm>>) target_semaphore(%run_scoped3A_97 : memref<!tpu.dma_semaphore, #tpu.memory_space<semaphore_mem>>)
      %dma_wait3A = arith.constant 0 : i32
      %dma_wait3A_109 = arith.constant 0 : i32
      %dma_wait3A_110 = tpu.memref_slice %arg10[%dma_wait3A, %dma_wait3A_109] : memref<125x128xf32, #tpu.memory_space<vmem>> -> memref<96x128xf32, #tpu.memory_space<vmem>>
      %dma_wait3A_111 = arith.constant 0 : i32
      %dma_wait3A_112 = tpu.memref_slice %arg7[%arg0, %run_scoped3A_48, %add3A_47, %dma_wait3A_111] : memref<2x2x10112x128xf32, #tpu.memory_space<hbm>> -> memref<1x1x96x128xf32, #tpu.memory_space<hbm>>
      %dma_wait3A_113 = tpu.memref_squeeze %dma_wait3A_112 : memref<1x1x96x128xf32, #tpu.memory_space<hbm>> -> memref<96x128xf32, #tpu.memory_space<hbm>>
      %dma_wait3A_114 = arith.constant 0 : i32
      %dma_wait3A_115 = tpu.memref_slice %arg7[%arg0, %run_scoped3A_48, %add3A_47, %dma_wait3A_114] : memref<2x2x10112x128xf32, #tpu.memory_space<hbm>> -> memref<1x1x96x128xf32, #tpu.memory_space<hbm>>
      %dma_wait3A_116 = tpu.memref_squeeze %dma_wait3A_115 : memref<1x1x96x128xf32, #tpu.memory_space<hbm>> -> memref<96x128xf32, #tpu.memory_space<hbm>>
      %dma_wait3A_117 = arith.constant 0 : i32
      %dma_wait3A_118 = arith.constant 0 : i32
      %dma_wait3A_119 = tpu.memref_slice %arg10[%dma_wait3A_117, %dma_wait3A_118] : memref<125x128xf32, #tpu.memory_space<vmem>> -> memref<96x128xf32, #tpu.memory_space<vmem>>
      tpu.wait_dma2 semaphore(%run_scoped3A_97 : memref<!tpu.dma_semaphore, #tpu.memory_space<semaphore_mem>>) src(%dma_wait3A_119 : memref<96x128xf32, #tpu.memory_space<vmem>>) dst(%dma_wait3A_116 : memref<96x128xf32, #tpu.memory_space<hbm>>)
      tpu.yield
    }) : () -> ()
    %add3A_49 = arith.constant 576 : i32
    %add3A_50 = arith.addi %mul3A_0, %add3A_49 : i32
    "tpu.region"() ({
      %run_scoped3A_97 = tpu.sem_alloc : memref<!tpu.dma_semaphore, #tpu.memory_space<semaphore_mem>>
      %dma_start3A = arith.constant 0 : i32
      %dma_start3A_98 = arith.constant 0 : i32
      %dma_start3A_99 = tpu.memref_slice %arg10[%dma_start3A, %dma_start3A_98] : memref<125x128xf32, #tpu.memory_space<vmem>> -> memref<56x128xf32, #tpu.memory_space<vmem>>
      %dma_start3A_100 = arith.constant 0 : i32
      %dma_start3A_101 = tpu.memref_slice %arg12[%add3A_50, %dma_start3A_100] : memref<10112x128xf32, #tpu.memory_space<vmem_shared>> -> memref<56x128xf32, #tpu.memory_space<vmem_shared>>
      %dma_start3A_102 = arith.constant 0 : i32
      %dma_start3A_103 = arith.constant 0 : i32
      %dma_start3A_104 = tpu.memref_slice %arg10[%dma_start3A_102, %dma_start3A_103] : memref<125x128xf32, #tpu.memory_space<vmem>> -> memref<56x128xf32, #tpu.memory_space<vmem>>
      %dma_start3A_105 = arith.constant 0 : i32
      %dma_start3A_106 = tpu.memref_slice %arg12[%add3A_50, %dma_start3A_105] : memref<10112x128xf32, #tpu.memory_space<vmem_shared>> -> memref<56x128xf32, #tpu.memory_space<vmem_shared>>
      tpu.enqueue_dma source(%dma_start3A_106 : memref<56x128xf32, #tpu.memory_space<vmem_shared>>) target(%dma_start3A_104 : memref<56x128xf32, #tpu.memory_space<vmem>>) target_semaphore(%run_scoped3A_97 : memref<!tpu.dma_semaphore, #tpu.memory_space<semaphore_mem>>)
      %dma_wait3A = arith.constant 0 : i32
      %dma_wait3A_107 = arith.constant 0 : i32
      %dma_wait3A_108 = tpu.memref_slice %arg10[%dma_wait3A, %dma_wait3A_107] : memref<125x128xf32, #tpu.memory_space<vmem>> -> memref<56x128xf32, #tpu.memory_space<vmem>>
      %dma_wait3A_109 = arith.constant 0 : i32
      %dma_wait3A_110 = tpu.memref_slice %arg12[%add3A_50, %dma_wait3A_109] : memref<10112x128xf32, #tpu.memory_space<vmem_shared>> -> memref<56x128xf32, #tpu.memory_space<vmem_shared>>
      %dma_wait3A_111 = arith.constant 0 : i32
      %dma_wait3A_112 = arith.constant 0 : i32
      %dma_wait3A_113 = tpu.memref_slice %arg10[%dma_wait3A_111, %dma_wait3A_112] : memref<125x128xf32, #tpu.memory_space<vmem>> -> memref<56x128xf32, #tpu.memory_space<vmem>>
      %dma_wait3A_114 = arith.constant 0 : i32
      %dma_wait3A_115 = tpu.memref_slice %arg12[%add3A_50, %dma_wait3A_114] : memref<10112x128xf32, #tpu.memory_space<vmem_shared>> -> memref<56x128xf32, #tpu.memory_space<vmem_shared>>
      tpu.wait_dma2 semaphore(%run_scoped3A_97 : memref<!tpu.dma_semaphore, #tpu.memory_space<semaphore_mem>>) src(%dma_wait3A_115 : memref<56x128xf32, #tpu.memory_space<vmem_shared>>) dst(%dma_wait3A_113 : memref<56x128xf32, #tpu.memory_space<vmem>>)
      tpu.yield
    }) : () -> ()
    %add3A_51 = arith.constant 576 : i32
    %add3A_52 = arith.addi %mul3A_0, %add3A_51 : i32
    %run_scoped3A_53 = arith.constant 0 : i32
    "tpu.region"() ({
      %run_scoped3A_97 = tpu.sem_alloc : memref<!tpu.dma_semaphore, #tpu.memory_space<semaphore_mem>>
      %dma_start3A = arith.constant 0 : i32
      %dma_start3A_98 = arith.constant 0 : i32
      %dma_start3A_99 = tpu.memref_slice %arg10[%dma_start3A, %dma_start3A_98] : memref<125x128xf32, #tpu.memory_space<vmem>> -> memref<56x128xf32, #tpu.memory_space<vmem>>
      %dma_start3A_100 = arith.constant 0 : i32
      %dma_start3A_101 = tpu.memref_slice %arg7[%arg0, %run_scoped3A_53, %add3A_52, %dma_start3A_100] : memref<2x2x10112x128xf32, #tpu.memory_space<hbm>> -> memref<1x1x56x128xf32, #tpu.memory_space<hbm>>
      %dma_start3A_102 = tpu.memref_squeeze %dma_start3A_101 : memref<1x1x56x128xf32, #tpu.memory_space<hbm>> -> memref<56x128xf32, #tpu.memory_space<hbm>>
      %dma_start3A_103 = arith.constant 0 : i32
      %dma_start3A_104 = tpu.memref_slice %arg7[%arg0, %run_scoped3A_53, %add3A_52, %dma_start3A_103] : memref<2x2x10112x128xf32, #tpu.memory_space<hbm>> -> memref<1x1x56x128xf32, #tpu.memory_space<hbm>>
      %dma_start3A_105 = tpu.memref_squeeze %dma_start3A_104 : memref<1x1x56x128xf32, #tpu.memory_space<hbm>> -> memref<56x128xf32, #tpu.memory_space<hbm>>
      %dma_start3A_106 = arith.constant 0 : i32
      %dma_start3A_107 = arith.constant 0 : i32
      %dma_start3A_108 = tpu.memref_slice %arg10[%dma_start3A_106, %dma_start3A_107] : memref<125x128xf32, #tpu.memory_space<vmem>> -> memref<56x128xf32, #tpu.memory_space<vmem>>
      tpu.enqueue_dma source(%dma_start3A_108 : memref<56x128xf32, #tpu.memory_space<vmem>>) target(%dma_start3A_105 : memref<56x128xf32, #tpu.memory_space<hbm>>) target_semaphore(%run_scoped3A_97 : memref<!tpu.dma_semaphore, #tpu.memory_space<semaphore_mem>>)
      %dma_wait3A = arith.constant 0 : i32
      %dma_wait3A_109 = arith.constant 0 : i32
      %dma_wait3A_110 = tpu.memref_slice %arg10[%dma_wait3A, %dma_wait3A_109] : memref<125x128xf32, #tpu.memory_space<vmem>> -> memref<56x128xf32, #tpu.memory_space<vmem>>
      %dma_wait3A_111 = arith.constant 0 : i32
      %dma_wait3A_112 = tpu.memref_slice %arg7[%arg0, %run_scoped3A_53, %add3A_52, %dma_wait3A_111] : memref<2x2x10112x128xf32, #tpu.memory_space<hbm>> -> memref<1x1x56x128xf32, #tpu.memory_space<hbm>>
      %dma_wait3A_113 = tpu.memref_squeeze %dma_wait3A_112 : memref<1x1x56x128xf32, #tpu.memory_space<hbm>> -> memref<56x128xf32, #tpu.memory_space<hbm>>
      %dma_wait3A_114 = arith.constant 0 : i32
      %dma_wait3A_115 = tpu.memref_slice %arg7[%arg0, %run_scoped3A_53, %add3A_52, %dma_wait3A_114] : memref<2x2x10112x128xf32, #tpu.memory_space<hbm>> -> memref<1x1x56x128xf32, #tpu.memory_space<hbm>>
      %dma_wait3A_116 = tpu.memref_squeeze %dma_wait3A_115 : memref<1x1x56x128xf32, #tpu.memory_space<hbm>> -> memref<56x128xf32, #tpu.memory_space<hbm>>
      %dma_wait3A_117 = arith.constant 0 : i32
      %dma_wait3A_118 = arith.constant 0 : i32
      %dma_wait3A_119 = tpu.memref_slice %arg10[%dma_wait3A_117, %dma_wait3A_118] : memref<125x128xf32, #tpu.memory_space<vmem>> -> memref<56x128xf32, #tpu.memory_space<vmem>>
      tpu.wait_dma2 semaphore(%run_scoped3A_97 : memref<!tpu.dma_semaphore, #tpu.memory_space<semaphore_mem>>) src(%dma_wait3A_119 : memref<56x128xf32, #tpu.memory_space<vmem>>) dst(%dma_wait3A_116 : memref<56x128xf32, #tpu.memory_space<hbm>>)
      tpu.yield
    }) : () -> ()
    "tpu.region"() ({
      %run_scoped3A_97 = tpu.sem_alloc : memref<!tpu.dma_semaphore, #tpu.memory_space<semaphore_mem>>
      tpu.enqueue_dma source(%arg6 : memref<125x128xf32, #tpu.memory_space<hbm>>) target(%arg11 : memref<125x128xf32, #tpu.memory_space<vmem>>) target_semaphore(%run_scoped3A_97 : memref<!tpu.dma_semaphore, #tpu.memory_space<semaphore_mem>>)
      tpu.wait_dma2 semaphore(%run_scoped3A_97 : memref<!tpu.dma_semaphore, #tpu.memory_space<semaphore_mem>>) src(%arg6 : memref<125x128xf32, #tpu.memory_space<hbm>>) dst(%arg11 : memref<125x128xf32, #tpu.memory_space<vmem>>)
      tpu.yield
    }) : () -> ()
    %barrier3A_54 = arith.constant 0 : index
    tpu.barrier barrier_id(%barrier3A_54)
    %scan3A_55 = arith.constant 0 : i32
    %scan3A_56 = arith.constant 0 : i32
    %scan3A_57 = arith.constant 20 : i32
    %scan3A_58 = arith.addi %scan3A_56, %scan3A_57 : i32
    %scan3A_59 = arith.constant 1 : i32
    scf.for %scan3A_97 = %scan3A_56 to %scan3A_58 step %scan3A_59  : i32 {
      "tpu.region"() ({
        %run_scoped3A_208 = tpu.sem_alloc : memref<!tpu.dma_semaphore, #tpu.memory_space<semaphore_mem>>
        %dma_start3A_209 = arith.constant 0 : i32
        %dma_start3A_210 = arith.constant 0 : i32
        %dma_start3A_211 = tpu.memref_slice %arg4[%arg0, %arg1, %scan3A_97, %dma_start3A_209, %dma_start3A_210] : memref<2x16x20x8x125xi32, #tpu.memory_space<hbm>> -> memref<1x1x1x8x125xi32, #tpu.memory_space<hbm>>
        %dma_start3A_212 = tpu.memref_squeeze %dma_start3A_211 : memref<1x1x1x8x125xi32, #tpu.memory_space<hbm>> -> memref<8x125xi32, #tpu.memory_space<hbm>>
        %dma_start3A_213 = arith.constant 0 : i32
        %dma_start3A_214 = arith.constant 0 : i32
        %dma_start3A_215 = tpu.memref_slice %arg4[%arg0, %arg1, %scan3A_97, %dma_start3A_213, %dma_start3A_214] : memref<2x16x20x8x125xi32, #tpu.memory_space<hbm>> -> memref<1x1x1x8x125xi32, #tpu.memory_space<hbm>>
        %dma_start3A_216 = tpu.memref_squeeze %dma_start3A_215 : memref<1x1x1x8x125xi32, #tpu.memory_space<hbm>> -> memref<8x125xi32, #tpu.memory_space<hbm>>
        tpu.enqueue_dma source(%dma_start3A_216 : memref<8x125xi32, #tpu.memory_space<hbm>>) target(%arg9 : memref<8x125xi32, #tpu.memory_space<vmem>>) target_semaphore(%run_scoped3A_208 : memref<!tpu.dma_semaphore, #tpu.memory_space<semaphore_mem>>)
        %dma_wait3A_217 = arith.constant 0 : i32
        %dma_wait3A_218 = arith.constant 0 : i32
        %dma_wait3A_219 = tpu.memref_slice %arg4[%arg0, %arg1, %scan3A_97, %dma_wait3A_217, %dma_wait3A_218] : memref<2x16x20x8x125xi32, #tpu.memory_space<hbm>> -> memref<1x1x1x8x125xi32, #tpu.memory_space<hbm>>
        %dma_wait3A_220 = tpu.memref_squeeze %dma_wait3A_219 : memref<1x1x1x8x125xi32, #tpu.memory_space<hbm>> -> memref<8x125xi32, #tpu.memory_space<hbm>>
        %dma_wait3A_221 = arith.constant 0 : i32
        %dma_wait3A_222 = arith.constant 0 : i32
        %dma_wait3A_223 = tpu.memref_slice %arg4[%arg0, %arg1, %scan3A_97, %dma_wait3A_221, %dma_wait3A_222] : memref<2x16x20x8x125xi32, #tpu.memory_space<hbm>> -> memref<1x1x1x8x125xi32, #tpu.memory_space<hbm>>
        %dma_wait3A_224 = tpu.memref_squeeze %dma_wait3A_223 : memref<1x1x1x8x125xi32, #tpu.memory_space<hbm>> -> memref<8x125xi32, #tpu.memory_space<hbm>>
        tpu.wait_dma2 semaphore(%run_scoped3A_208 : memref<!tpu.dma_semaphore, #tpu.memory_space<semaphore_mem>>) src(%dma_wait3A_224 : memref<8x125xi32, #tpu.memory_space<hbm>>) dst(%arg9 : memref<8x125xi32, #tpu.memory_space<vmem>>)
        tpu.yield
      }) : () -> ()
      %dma_start3A = arith.constant 0 : i32
      %dma_start3A_98 = arith.constant 0 : i32
      %dma_start3A_99 = tpu.memref_slice %arg9[%dma_start3A, %dma_start3A_98] : memref<8x125xi32, #tpu.memory_space<vmem>> -> memref<1x125xi32, #tpu.memory_space<vmem>>
      %dma_start3A_100 = tpu.memref_squeeze %dma_start3A_99 : memref<1x125xi32, #tpu.memory_space<vmem>> -> memref<125xi32, #tpu.memory_space<vmem>>
      %dma_start3A_101 = arith.constant 0 : i32
      %dma_start3A_102 = arith.constant 0 : i32
      %dma_start3A_103 = tpu.memref_slice %arg12[%dma_start3A_101, %dma_start3A_102] : memref<10112x128xf32, #tpu.memory_space<vmem_shared>> -> memref<10112x128xf32, #tpu.memory_space<vmem_shared>>
      tpu.enqueue_indirect_dma source(%arg11 : memref<125x128xf32, #tpu.memory_space<vmem>>) target(%dma_start3A_103 : memref<10112x128xf32, #tpu.memory_space<vmem_shared>>) offsets(%dma_start3A_100 : memref<125xi32, #tpu.memory_space<vmem>>) semaphore(%arg15 : memref<!tpu.dma_semaphore, #tpu.memory_space<semaphore_mem>>) {add = true}
      %dma_start3A_104 = arith.constant 1 : i32
      %dma_start3A_105 = arith.constant 0 : i32
      %dma_start3A_106 = tpu.memref_slice %arg9[%dma_start3A_104, %dma_start3A_105] : memref<8x125xi32, #tpu.memory_space<vmem>> -> memref<1x125xi32, #tpu.memory_space<vmem>>
      %dma_start3A_107 = tpu.memref_squeeze %dma_start3A_106 : memref<1x125xi32, #tpu.memory_space<vmem>> -> memref<125xi32, #tpu.memory_space<vmem>>
      %dma_start3A_108 = arith.constant 0 : i32
      %dma_start3A_109 = arith.constant 0 : i32
      %dma_start3A_110 = tpu.memref_slice %arg12[%dma_start3A_108, %dma_start3A_109] : memref<10112x128xf32, #tpu.memory_space<vmem_shared>> -> memref<10112x128xf32, #tpu.memory_space<vmem_shared>>
      tpu.enqueue_indirect_dma source(%arg11 : memref<125x128xf32, #tpu.memory_space<vmem>>) target(%dma_start3A_110 : memref<10112x128xf32, #tpu.memory_space<vmem_shared>>) offsets(%dma_start3A_107 : memref<125xi32, #tpu.memory_space<vmem>>) semaphore(%arg15 : memref<!tpu.dma_semaphore, #tpu.memory_space<semaphore_mem>>) {add = true}
      %dma_start3A_111 = arith.constant 2 : i32
      %dma_start3A_112 = arith.constant 0 : i32
      %dma_start3A_113 = tpu.memref_slice %arg9[%dma_start3A_111, %dma_start3A_112] : memref<8x125xi32, #tpu.memory_space<vmem>> -> memref<1x125xi32, #tpu.memory_space<vmem>>
      %dma_start3A_114 = tpu.memref_squeeze %dma_start3A_113 : memref<1x125xi32, #tpu.memory_space<vmem>> -> memref<125xi32, #tpu.memory_space<vmem>>
      %dma_start3A_115 = arith.constant 0 : i32
      %dma_start3A_116 = arith.constant 0 : i32
      %dma_start3A_117 = tpu.memref_slice %arg12[%dma_start3A_115, %dma_start3A_116] : memref<10112x128xf32, #tpu.memory_space<vmem_shared>> -> memref<10112x128xf32, #tpu.memory_space<vmem_shared>>
      tpu.enqueue_indirect_dma source(%arg11 : memref<125x128xf32, #tpu.memory_space<vmem>>) target(%dma_start3A_117 : memref<10112x128xf32, #tpu.memory_space<vmem_shared>>) offsets(%dma_start3A_114 : memref<125xi32, #tpu.memory_space<vmem>>) semaphore(%arg15 : memref<!tpu.dma_semaphore, #tpu.memory_space<semaphore_mem>>) {add = true}
      %dma_start3A_118 = arith.constant 3 : i32
      %dma_start3A_119 = arith.constant 0 : i32
      %dma_start3A_120 = tpu.memref_slice %arg9[%dma_start3A_118, %dma_start3A_119] : memref<8x125xi32, #tpu.memory_space<vmem>> -> memref<1x125xi32, #tpu.memory_space<vmem>>
      %dma_start3A_121 = tpu.memref_squeeze %dma_start3A_120 : memref<1x125xi32, #tpu.memory_space<vmem>> -> memref<125xi32, #tpu.memory_space<vmem>>
      %dma_start3A_122 = arith.constant 0 : i32
      %dma_start3A_123 = arith.constant 0 : i32
      %dma_start3A_124 = tpu.memref_slice %arg12[%dma_start3A_122, %dma_start3A_123] : memref<10112x128xf32, #tpu.memory_space<vmem_shared>> -> memref<10112x128xf32, #tpu.memory_space<vmem_shared>>
      tpu.enqueue_indirect_dma source(%arg11 : memref<125x128xf32, #tpu.memory_space<vmem>>) target(%dma_start3A_124 : memref<10112x128xf32, #tpu.memory_space<vmem_shared>>) offsets(%dma_start3A_121 : memref<125xi32, #tpu.memory_space<vmem>>) semaphore(%arg15 : memref<!tpu.dma_semaphore, #tpu.memory_space<semaphore_mem>>) {add = true}
      %dma_start3A_125 = arith.constant 4 : i32
      %dma_start3A_126 = arith.constant 0 : i32
      %dma_start3A_127 = tpu.memref_slice %arg9[%dma_start3A_125, %dma_start3A_126] : memref<8x125xi32, #tpu.memory_space<vmem>> -> memref<1x125xi32, #tpu.memory_space<vmem>>
      %dma_start3A_128 = tpu.memref_squeeze %dma_start3A_127 : memref<1x125xi32, #tpu.memory_space<vmem>> -> memref<125xi32, #tpu.memory_space<vmem>>
      %dma_start3A_129 = arith.constant 0 : i32
      %dma_start3A_130 = arith.constant 0 : i32
      %dma_start3A_131 = tpu.memref_slice %arg12[%dma_start3A_129, %dma_start3A_130] : memref<10112x128xf32, #tpu.memory_space<vmem_shared>> -> memref<10112x128xf32, #tpu.memory_space<vmem_shared>>
      tpu.enqueue_indirect_dma source(%arg11 : memref<125x128xf32, #tpu.memory_space<vmem>>) target(%dma_start3A_131 : memref<10112x128xf32, #tpu.memory_space<vmem_shared>>) offsets(%dma_start3A_128 : memref<125xi32, #tpu.memory_space<vmem>>) semaphore(%arg15 : memref<!tpu.dma_semaphore, #tpu.memory_space<semaphore_mem>>) {add = true}
      %dma_start3A_132 = arith.constant 5 : i32
      %dma_start3A_133 = arith.constant 0 : i32
      %dma_start3A_134 = tpu.memref_slice %arg9[%dma_start3A_132, %dma_start3A_133] : memref<8x125xi32, #tpu.memory_space<vmem>> -> memref<1x125xi32, #tpu.memory_space<vmem>>
      %dma_start3A_135 = tpu.memref_squeeze %dma_start3A_134 : memref<1x125xi32, #tpu.memory_space<vmem>> -> memref<125xi32, #tpu.memory_space<vmem>>
      %dma_start3A_136 = arith.constant 0 : i32
      %dma_start3A_137 = arith.constant 0 : i32
      %dma_start3A_138 = tpu.memref_slice %arg12[%dma_start3A_136, %dma_start3A_137] : memref<10112x128xf32, #tpu.memory_space<vmem_shared>> -> memref<10112x128xf32, #tpu.memory_space<vmem_shared>>
      tpu.enqueue_indirect_dma source(%arg11 : memref<125x128xf32, #tpu.memory_space<vmem>>) target(%dma_start3A_138 : memref<10112x128xf32, #tpu.memory_space<vmem_shared>>) offsets(%dma_start3A_135 : memref<125xi32, #tpu.memory_space<vmem>>) semaphore(%arg15 : memref<!tpu.dma_semaphore, #tpu.memory_space<semaphore_mem>>) {add = true}
      %dma_start3A_139 = arith.constant 6 : i32
      %dma_start3A_140 = arith.constant 0 : i32
      %dma_start3A_141 = tpu.memref_slice %arg9[%dma_start3A_139, %dma_start3A_140] : memref<8x125xi32, #tpu.memory_space<vmem>> -> memref<1x125xi32, #tpu.memory_space<vmem>>
      %dma_start3A_142 = tpu.memref_squeeze %dma_start3A_141 : memref<1x125xi32, #tpu.memory_space<vmem>> -> memref<125xi32, #tpu.memory_space<vmem>>
      %dma_start3A_143 = arith.constant 0 : i32
      %dma_start3A_144 = arith.constant 0 : i32
      %dma_start3A_145 = tpu.memref_slice %arg12[%dma_start3A_143, %dma_start3A_144] : memref<10112x128xf32, #tpu.memory_space<vmem_shared>> -> memref<10112x128xf32, #tpu.memory_space<vmem_shared>>
      tpu.enqueue_indirect_dma source(%arg11 : memref<125x128xf32, #tpu.memory_space<vmem>>) target(%dma_start3A_145 : memref<10112x128xf32, #tpu.memory_space<vmem_shared>>) offsets(%dma_start3A_142 : memref<125xi32, #tpu.memory_space<vmem>>) semaphore(%arg15 : memref<!tpu.dma_semaphore, #tpu.memory_space<semaphore_mem>>) {add = true}
      %dma_start3A_146 = arith.constant 7 : i32
      %dma_start3A_147 = arith.constant 0 : i32
      %dma_start3A_148 = tpu.memref_slice %arg9[%dma_start3A_146, %dma_start3A_147] : memref<8x125xi32, #tpu.memory_space<vmem>> -> memref<1x125xi32, #tpu.memory_space<vmem>>
      %dma_start3A_149 = tpu.memref_squeeze %dma_start3A_148 : memref<1x125xi32, #tpu.memory_space<vmem>> -> memref<125xi32, #tpu.memory_space<vmem>>
      %dma_start3A_150 = arith.constant 0 : i32
      %dma_start3A_151 = arith.constant 0 : i32
      %dma_start3A_152 = tpu.memref_slice %arg12[%dma_start3A_150, %dma_start3A_151] : memref<10112x128xf32, #tpu.memory_space<vmem_shared>> -> memref<10112x128xf32, #tpu.memory_space<vmem_shared>>
      tpu.enqueue_indirect_dma source(%arg11 : memref<125x128xf32, #tpu.memory_space<vmem>>) target(%dma_start3A_152 : memref<10112x128xf32, #tpu.memory_space<vmem_shared>>) offsets(%dma_start3A_149 : memref<125xi32, #tpu.memory_space<vmem>>) semaphore(%arg15 : memref<!tpu.dma_semaphore, #tpu.memory_space<semaphore_mem>>) {add = true}
      %dma_wait3A = arith.constant 0 : i32
      %dma_wait3A_153 = arith.constant 0 : i32
      %dma_wait3A_154 = tpu.memref_slice %arg9[%dma_wait3A, %dma_wait3A_153] : memref<8x125xi32, #tpu.memory_space<vmem>> -> memref<1x125xi32, #tpu.memory_space<vmem>>
      %dma_wait3A_155 = tpu.memref_squeeze %dma_wait3A_154 : memref<1x125xi32, #tpu.memory_space<vmem>> -> memref<125xi32, #tpu.memory_space<vmem>>
      %dma_wait3A_156 = arith.constant 0 : i32
      %dma_wait3A_157 = arith.constant 0 : i32
      %dma_wait3A_158 = tpu.memref_slice %arg12[%dma_wait3A_156, %dma_wait3A_157] : memref<10112x128xf32, #tpu.memory_space<vmem_shared>> -> memref<10112x128xf32, #tpu.memory_space<vmem_shared>>
      tpu.wait_indirect_dma semaphore(%arg15 : memref<!tpu.dma_semaphore, #tpu.memory_space<semaphore_mem>>) src(%arg11 : memref<125x128xf32, #tpu.memory_space<vmem>>) dst(%dma_wait3A_158 : memref<10112x128xf32, #tpu.memory_space<vmem_shared>>)
      %dma_wait3A_159 = arith.constant 1 : i32
      %dma_wait3A_160 = arith.constant 0 : i32
      %dma_wait3A_161 = tpu.memref_slice %arg9[%dma_wait3A_159, %dma_wait3A_160] : memref<8x125xi32, #tpu.memory_space<vmem>> -> memref<1x125xi32, #tpu.memory_space<vmem>>
      %dma_wait3A_162 = tpu.memref_squeeze %dma_wait3A_161 : memref<1x125xi32, #tpu.memory_space<vmem>> -> memref<125xi32, #tpu.memory_space<vmem>>
      %dma_wait3A_163 = arith.constant 0 : i32
      %dma_wait3A_164 = arith.constant 0 : i32
      %dma_wait3A_165 = tpu.memref_slice %arg12[%dma_wait3A_163, %dma_wait3A_164] : memref<10112x128xf32, #tpu.memory_space<vmem_shared>> -> memref<10112x128xf32, #tpu.memory_space<vmem_shared>>
      tpu.wait_indirect_dma semaphore(%arg15 : memref<!tpu.dma_semaphore, #tpu.memory_space<semaphore_mem>>) src(%arg11 : memref<125x128xf32, #tpu.memory_space<vmem>>) dst(%dma_wait3A_165 : memref<10112x128xf32, #tpu.memory_space<vmem_shared>>)
      %dma_wait3A_166 = arith.constant 2 : i32
      %dma_wait3A_167 = arith.constant 0 : i32
      %dma_wait3A_168 = tpu.memref_slice %arg9[%dma_wait3A_166, %dma_wait3A_167] : memref<8x125xi32, #tpu.memory_space<vmem>> -> memref<1x125xi32, #tpu.memory_space<vmem>>
      %dma_wait3A_169 = tpu.memref_squeeze %dma_wait3A_168 : memref<1x125xi32, #tpu.memory_space<vmem>> -> memref<125xi32, #tpu.memory_space<vmem>>
      %dma_wait3A_170 = arith.constant 0 : i32
      %dma_wait3A_171 = arith.constant 0 : i32
      %dma_wait3A_172 = tpu.memref_slice %arg12[%dma_wait3A_170, %dma_wait3A_171] : memref<10112x128xf32, #tpu.memory_space<vmem_shared>> -> memref<10112x128xf32, #tpu.memory_space<vmem_shared>>
      tpu.wait_indirect_dma semaphore(%arg15 : memref<!tpu.dma_semaphore, #tpu.memory_space<semaphore_mem>>) src(%arg11 : memref<125x128xf32, #tpu.memory_space<vmem>>) dst(%dma_wait3A_172 : memref<10112x128xf32, #tpu.memory_space<vmem_shared>>)
      %dma_wait3A_173 = arith.constant 3 : i32
      %dma_wait3A_174 = arith.constant 0 : i32
      %dma_wait3A_175 = tpu.memref_slice %arg9[%dma_wait3A_173, %dma_wait3A_174] : memref<8x125xi32, #tpu.memory_space<vmem>> -> memref<1x125xi32, #tpu.memory_space<vmem>>
      %dma_wait3A_176 = tpu.memref_squeeze %dma_wait3A_175 : memref<1x125xi32, #tpu.memory_space<vmem>> -> memref<125xi32, #tpu.memory_space<vmem>>
      %dma_wait3A_177 = arith.constant 0 : i32
      %dma_wait3A_178 = arith.constant 0 : i32
      %dma_wait3A_179 = tpu.memref_slice %arg12[%dma_wait3A_177, %dma_wait3A_178] : memref<10112x128xf32, #tpu.memory_space<vmem_shared>> -> memref<10112x128xf32, #tpu.memory_space<vmem_shared>>
      tpu.wait_indirect_dma semaphore(%arg15 : memref<!tpu.dma_semaphore, #tpu.memory_space<semaphore_mem>>) src(%arg11 : memref<125x128xf32, #tpu.memory_space<vmem>>) dst(%dma_wait3A_179 : memref<10112x128xf32, #tpu.memory_space<vmem_shared>>)
      %dma_wait3A_180 = arith.constant 4 : i32
      %dma_wait3A_181 = arith.constant 0 : i32
      %dma_wait3A_182 = tpu.memref_slice %arg9[%dma_wait3A_180, %dma_wait3A_181] : memref<8x125xi32, #tpu.memory_space<vmem>> -> memref<1x125xi32, #tpu.memory_space<vmem>>
      %dma_wait3A_183 = tpu.memref_squeeze %dma_wait3A_182 : memref<1x125xi32, #tpu.memory_space<vmem>> -> memref<125xi32, #tpu.memory_space<vmem>>
      %dma_wait3A_184 = arith.constant 0 : i32
      %dma_wait3A_185 = arith.constant 0 : i32
      %dma_wait3A_186 = tpu.memref_slice %arg12[%dma_wait3A_184, %dma_wait3A_185] : memref<10112x128xf32, #tpu.memory_space<vmem_shared>> -> memref<10112x128xf32, #tpu.memory_space<vmem_shared>>
      tpu.wait_indirect_dma semaphore(%arg15 : memref<!tpu.dma_semaphore, #tpu.memory_space<semaphore_mem>>) src(%arg11 : memref<125x128xf32, #tpu.memory_space<vmem>>) dst(%dma_wait3A_186 : memref<10112x128xf32, #tpu.memory_space<vmem_shared>>)
      %dma_wait3A_187 = arith.constant 5 : i32
      %dma_wait3A_188 = arith.constant 0 : i32
      %dma_wait3A_189 = tpu.memref_slice %arg9[%dma_wait3A_187, %dma_wait3A_188] : memref<8x125xi32, #tpu.memory_space<vmem>> -> memref<1x125xi32, #tpu.memory_space<vmem>>
      %dma_wait3A_190 = tpu.memref_squeeze %dma_wait3A_189 : memref<1x125xi32, #tpu.memory_space<vmem>> -> memref<125xi32, #tpu.memory_space<vmem>>
      %dma_wait3A_191 = arith.constant 0 : i32
      %dma_wait3A_192 = arith.constant 0 : i32
      %dma_wait3A_193 = tpu.memref_slice %arg12[%dma_wait3A_191, %dma_wait3A_192] : memref<10112x128xf32, #tpu.memory_space<vmem_shared>> -> memref<10112x128xf32, #tpu.memory_space<vmem_shared>>
      tpu.wait_indirect_dma semaphore(%arg15 : memref<!tpu.dma_semaphore, #tpu.memory_space<semaphore_mem>>) src(%arg11 : memref<125x128xf32, #tpu.memory_space<vmem>>) dst(%dma_wait3A_193 : memref<10112x128xf32, #tpu.memory_space<vmem_shared>>)
      %dma_wait3A_194 = arith.constant 6 : i32
      %dma_wait3A_195 = arith.constant 0 : i32
      %dma_wait3A_196 = tpu.memref_slice %arg9[%dma_wait3A_194, %dma_wait3A_195] : memref<8x125xi32, #tpu.memory_space<vmem>> -> memref<1x125xi32, #tpu.memory_space<vmem>>
      %dma_wait3A_197 = tpu.memref_squeeze %dma_wait3A_196 : memref<1x125xi32, #tpu.memory_space<vmem>> -> memref<125xi32, #tpu.memory_space<vmem>>
      %dma_wait3A_198 = arith.constant 0 : i32
      %dma_wait3A_199 = arith.constant 0 : i32
      %dma_wait3A_200 = tpu.memref_slice %arg12[%dma_wait3A_198, %dma_wait3A_199] : memref<10112x128xf32, #tpu.memory_space<vmem_shared>> -> memref<10112x128xf32, #tpu.memory_space<vmem_shared>>
      tpu.wait_indirect_dma semaphore(%arg15 : memref<!tpu.dma_semaphore, #tpu.memory_space<semaphore_mem>>) src(%arg11 : memref<125x128xf32, #tpu.memory_space<vmem>>) dst(%dma_wait3A_200 : memref<10112x128xf32, #tpu.memory_space<vmem_shared>>)
      %dma_wait3A_201 = arith.constant 7 : i32
      %dma_wait3A_202 = arith.constant 0 : i32
      %dma_wait3A_203 = tpu.memref_slice %arg9[%dma_wait3A_201, %dma_wait3A_202] : memref<8x125xi32, #tpu.memory_space<vmem>> -> memref<1x125xi32, #tpu.memory_space<vmem>>
      %dma_wait3A_204 = tpu.memref_squeeze %dma_wait3A_203 : memref<1x125xi32, #tpu.memory_space<vmem>> -> memref<125xi32, #tpu.memory_space<vmem>>
      %dma_wait3A_205 = arith.constant 0 : i32
      %dma_wait3A_206 = arith.constant 0 : i32
      %dma_wait3A_207 = tpu.memref_slice %arg12[%dma_wait3A_205, %dma_wait3A_206] : memref<10112x128xf32, #tpu.memory_space<vmem_shared>> -> memref<10112x128xf32, #tpu.memory_space<vmem_shared>>
      tpu.wait_indirect_dma semaphore(%arg15 : memref<!tpu.dma_semaphore, #tpu.memory_space<semaphore_mem>>) src(%arg11 : memref<125x128xf32, #tpu.memory_space<vmem>>) dst(%dma_wait3A_207 : memref<10112x128xf32, #tpu.memory_space<vmem_shared>>)
    }
    %scan3A_60 = arith.constant 20 : i32
    %barrier3A_61 = arith.constant 0 : index
    tpu.barrier barrier_id(%barrier3A_61)
    %add3A_62 = arith.constant 0 : i32
    %add3A_63 = arith.addi %mul3A_0, %add3A_62 : i32
    "tpu.region"() ({
      %run_scoped3A_97 = tpu.sem_alloc : memref<!tpu.dma_semaphore, #tpu.memory_space<semaphore_mem>>
      %dma_start3A = arith.constant 0 : i32
      %dma_start3A_98 = arith.constant 0 : i32
      %dma_start3A_99 = tpu.memref_slice %arg10[%dma_start3A, %dma_start3A_98] : memref<125x128xf32, #tpu.memory_space<vmem>> -> memref<96x128xf32, #tpu.memory_space<vmem>>
      %dma_start3A_100 = arith.constant 0 : i32
      %dma_start3A_101 = tpu.memref_slice %arg12[%add3A_63, %dma_start3A_100] : memref<10112x128xf32, #tpu.memory_space<vmem_shared>> -> memref<96x128xf32, #tpu.memory_space<vmem_shared>>
      %dma_start3A_102 = arith.constant 0 : i32
      %dma_start3A_103 = arith.constant 0 : i32
      %dma_start3A_104 = tpu.memref_slice %arg10[%dma_start3A_102, %dma_start3A_103] : memref<125x128xf32, #tpu.memory_space<vmem>> -> memref<96x128xf32, #tpu.memory_space<vmem>>
      %dma_start3A_105 = arith.constant 0 : i32
      %dma_start3A_106 = tpu.memref_slice %arg12[%add3A_63, %dma_start3A_105] : memref<10112x128xf32, #tpu.memory_space<vmem_shared>> -> memref<96x128xf32, #tpu.memory_space<vmem_shared>>
      tpu.enqueue_dma source(%dma_start3A_106 : memref<96x128xf32, #tpu.memory_space<vmem_shared>>) target(%dma_start3A_104 : memref<96x128xf32, #tpu.memory_space<vmem>>) target_semaphore(%run_scoped3A_97 : memref<!tpu.dma_semaphore, #tpu.memory_space<semaphore_mem>>)
      %dma_wait3A = arith.constant 0 : i32
      %dma_wait3A_107 = arith.constant 0 : i32
      %dma_wait3A_108 = tpu.memref_slice %arg10[%dma_wait3A, %dma_wait3A_107] : memref<125x128xf32, #tpu.memory_space<vmem>> -> memref<96x128xf32, #tpu.memory_space<vmem>>
      %dma_wait3A_109 = arith.constant 0 : i32
      %dma_wait3A_110 = tpu.memref_slice %arg12[%add3A_63, %dma_wait3A_109] : memref<10112x128xf32, #tpu.memory_space<vmem_shared>> -> memref<96x128xf32, #tpu.memory_space<vmem_shared>>
      %dma_wait3A_111 = arith.constant 0 : i32
      %dma_wait3A_112 = arith.constant 0 : i32
      %dma_wait3A_113 = tpu.memref_slice %arg10[%dma_wait3A_111, %dma_wait3A_112] : memref<125x128xf32, #tpu.memory_space<vmem>> -> memref<96x128xf32, #tpu.memory_space<vmem>>
      %dma_wait3A_114 = arith.constant 0 : i32
      %dma_wait3A_115 = tpu.memref_slice %arg12[%add3A_63, %dma_wait3A_114] : memref<10112x128xf32, #tpu.memory_space<vmem_shared>> -> memref<96x128xf32, #tpu.memory_space<vmem_shared>>
      tpu.wait_dma2 semaphore(%run_scoped3A_97 : memref<!tpu.dma_semaphore, #tpu.memory_space<semaphore_mem>>) src(%dma_wait3A_115 : memref<96x128xf32, #tpu.memory_space<vmem_shared>>) dst(%dma_wait3A_113 : memref<96x128xf32, #tpu.memory_space<vmem>>)
      tpu.yield
    }) : () -> ()
    %add3A_64 = arith.constant 0 : i32
    %add3A_65 = arith.addi %mul3A_0, %add3A_64 : i32
    %run_scoped3A_66 = arith.constant 1 : i32
    "tpu.region"() ({
      %run_scoped3A_97 = tpu.sem_alloc : memref<!tpu.dma_semaphore, #tpu.memory_space<semaphore_mem>>
      %dma_start3A = arith.constant 0 : i32
      %dma_start3A_98 = arith.constant 0 : i32
      %dma_start3A_99 = tpu.memref_slice %arg10[%dma_start3A, %dma_start3A_98] : memref<125x128xf32, #tpu.memory_space<vmem>> -> memref<96x128xf32, #tpu.memory_space<vmem>>
      %dma_start3A_100 = arith.constant 0 : i32
      %dma_start3A_101 = tpu.memref_slice %arg7[%arg0, %run_scoped3A_66, %add3A_65, %dma_start3A_100] : memref<2x2x10112x128xf32, #tpu.memory_space<hbm>> -> memref<1x1x96x128xf32, #tpu.memory_space<hbm>>
      %dma_start3A_102 = tpu.memref_squeeze %dma_start3A_101 : memref<1x1x96x128xf32, #tpu.memory_space<hbm>> -> memref<96x128xf32, #tpu.memory_space<hbm>>
      %dma_start3A_103 = arith.constant 0 : i32
      %dma_start3A_104 = tpu.memref_slice %arg7[%arg0, %run_scoped3A_66, %add3A_65, %dma_start3A_103] : memref<2x2x10112x128xf32, #tpu.memory_space<hbm>> -> memref<1x1x96x128xf32, #tpu.memory_space<hbm>>
      %dma_start3A_105 = tpu.memref_squeeze %dma_start3A_104 : memref<1x1x96x128xf32, #tpu.memory_space<hbm>> -> memref<96x128xf32, #tpu.memory_space<hbm>>
      %dma_start3A_106 = arith.constant 0 : i32
      %dma_start3A_107 = arith.constant 0 : i32
      %dma_start3A_108 = tpu.memref_slice %arg10[%dma_start3A_106, %dma_start3A_107] : memref<125x128xf32, #tpu.memory_space<vmem>> -> memref<96x128xf32, #tpu.memory_space<vmem>>
      tpu.enqueue_dma source(%dma_start3A_108 : memref<96x128xf32, #tpu.memory_space<vmem>>) target(%dma_start3A_105 : memref<96x128xf32, #tpu.memory_space<hbm>>) target_semaphore(%run_scoped3A_97 : memref<!tpu.dma_semaphore, #tpu.memory_space<semaphore_mem>>)
      %dma_wait3A = arith.constant 0 : i32
      %dma_wait3A_109 = arith.constant 0 : i32
      %dma_wait3A_110 = tpu.memref_slice %arg10[%dma_wait3A, %dma_wait3A_109] : memref<125x128xf32, #tpu.memory_space<vmem>> -> memref<96x128xf32, #tpu.memory_space<vmem>>
      %dma_wait3A_111 = arith.constant 0 : i32
      %dma_wait3A_112 = tpu.memref_slice %arg7[%arg0, %run_scoped3A_66, %add3A_65, %dma_wait3A_111] : memref<2x2x10112x128xf32, #tpu.memory_space<hbm>> -> memref<1x1x96x128xf32, #tpu.memory_space<hbm>>
      %dma_wait3A_113 = tpu.memref_squeeze %dma_wait3A_112 : memref<1x1x96x128xf32, #tpu.memory_space<hbm>> -> memref<96x128xf32, #tpu.memory_space<hbm>>
      %dma_wait3A_114 = arith.constant 0 : i32
      %dma_wait3A_115 = tpu.memref_slice %arg7[%arg0, %run_scoped3A_66, %add3A_65, %dma_wait3A_114] : memref<2x2x10112x128xf32, #tpu.memory_space<hbm>> -> memref<1x1x96x128xf32, #tpu.memory_space<hbm>>
      %dma_wait3A_116 = tpu.memref_squeeze %dma_wait3A_115 : memref<1x1x96x128xf32, #tpu.memory_space<hbm>> -> memref<96x128xf32, #tpu.memory_space<hbm>>
      %dma_wait3A_117 = arith.constant 0 : i32
      %dma_wait3A_118 = arith.constant 0 : i32
      %dma_wait3A_119 = tpu.memref_slice %arg10[%dma_wait3A_117, %dma_wait3A_118] : memref<125x128xf32, #tpu.memory_space<vmem>> -> memref<96x128xf32, #tpu.memory_space<vmem>>
      tpu.wait_dma2 semaphore(%run_scoped3A_97 : memref<!tpu.dma_semaphore, #tpu.memory_space<semaphore_mem>>) src(%dma_wait3A_119 : memref<96x128xf32, #tpu.memory_space<vmem>>) dst(%dma_wait3A_116 : memref<96x128xf32, #tpu.memory_space<hbm>>)
      tpu.yield
    }) : () -> ()
    %add3A_67 = arith.constant 96 : i32
    %add3A_68 = arith.addi %mul3A_0, %add3A_67 : i32
    "tpu.region"() ({
      %run_scoped3A_97 = tpu.sem_alloc : memref<!tpu.dma_semaphore, #tpu.memory_space<semaphore_mem>>
      %dma_start3A = arith.constant 0 : i32
      %dma_start3A_98 = arith.constant 0 : i32
      %dma_start3A_99 = tpu.memref_slice %arg10[%dma_start3A, %dma_start3A_98] : memref<125x128xf32, #tpu.memory_space<vmem>> -> memref<96x128xf32, #tpu.memory_space<vmem>>
      %dma_start3A_100 = arith.constant 0 : i32
      %dma_start3A_101 = tpu.memref_slice %arg12[%add3A_68, %dma_start3A_100] : memref<10112x128xf32, #tpu.memory_space<vmem_shared>> -> memref<96x128xf32, #tpu.memory_space<vmem_shared>>
      %dma_start3A_102 = arith.constant 0 : i32
      %dma_start3A_103 = arith.constant 0 : i32
      %dma_start3A_104 = tpu.memref_slice %arg10[%dma_start3A_102, %dma_start3A_103] : memref<125x128xf32, #tpu.memory_space<vmem>> -> memref<96x128xf32, #tpu.memory_space<vmem>>
      %dma_start3A_105 = arith.constant 0 : i32
      %dma_start3A_106 = tpu.memref_slice %arg12[%add3A_68, %dma_start3A_105] : memref<10112x128xf32, #tpu.memory_space<vmem_shared>> -> memref<96x128xf32, #tpu.memory_space<vmem_shared>>
      tpu.enqueue_dma source(%dma_start3A_106 : memref<96x128xf32, #tpu.memory_space<vmem_shared>>) target(%dma_start3A_104 : memref<96x128xf32, #tpu.memory_space<vmem>>) target_semaphore(%run_scoped3A_97 : memref<!tpu.dma_semaphore, #tpu.memory_space<semaphore_mem>>)
      %dma_wait3A = arith.constant 0 : i32
      %dma_wait3A_107 = arith.constant 0 : i32
      %dma_wait3A_108 = tpu.memref_slice %arg10[%dma_wait3A, %dma_wait3A_107] : memref<125x128xf32, #tpu.memory_space<vmem>> -> memref<96x128xf32, #tpu.memory_space<vmem>>
      %dma_wait3A_109 = arith.constant 0 : i32
      %dma_wait3A_110 = tpu.memref_slice %arg12[%add3A_68, %dma_wait3A_109] : memref<10112x128xf32, #tpu.memory_space<vmem_shared>> -> memref<96x128xf32, #tpu.memory_space<vmem_shared>>
      %dma_wait3A_111 = arith.constant 0 : i32
      %dma_wait3A_112 = arith.constant 0 : i32
      %dma_wait3A_113 = tpu.memref_slice %arg10[%dma_wait3A_111, %dma_wait3A_112] : memref<125x128xf32, #tpu.memory_space<vmem>> -> memref<96x128xf32, #tpu.memory_space<vmem>>
      %dma_wait3A_114 = arith.constant 0 : i32
      %dma_wait3A_115 = tpu.memref_slice %arg12[%add3A_68, %dma_wait3A_114] : memref<10112x128xf32, #tpu.memory_space<vmem_shared>> -> memref<96x128xf32, #tpu.memory_space<vmem_shared>>
      tpu.wait_dma2 semaphore(%run_scoped3A_97 : memref<!tpu.dma_semaphore, #tpu.memory_space<semaphore_mem>>) src(%dma_wait3A_115 : memref<96x128xf32, #tpu.memory_space<vmem_shared>>) dst(%dma_wait3A_113 : memref<96x128xf32, #tpu.memory_space<vmem>>)
      tpu.yield
    }) : () -> ()
    %add3A_69 = arith.constant 96 : i32
    %add3A_70 = arith.addi %mul3A_0, %add3A_69 : i32
    %run_scoped3A_71 = arith.constant 1 : i32
    "tpu.region"() ({
      %run_scoped3A_97 = tpu.sem_alloc : memref<!tpu.dma_semaphore, #tpu.memory_space<semaphore_mem>>
      %dma_start3A = arith.constant 0 : i32
      %dma_start3A_98 = arith.constant 0 : i32
      %dma_start3A_99 = tpu.memref_slice %arg10[%dma_start3A, %dma_start3A_98] : memref<125x128xf32, #tpu.memory_space<vmem>> -> memref<96x128xf32, #tpu.memory_space<vmem>>
      %dma_start3A_100 = arith.constant 0 : i32
      %dma_start3A_101 = tpu.memref_slice %arg7[%arg0, %run_scoped3A_71, %add3A_70, %dma_start3A_100] : memref<2x2x10112x128xf32, #tpu.memory_space<hbm>> -> memref<1x1x96x128xf32, #tpu.memory_space<hbm>>
      %dma_start3A_102 = tpu.memref_squeeze %dma_start3A_101 : memref<1x1x96x128xf32, #tpu.memory_space<hbm>> -> memref<96x128xf32, #tpu.memory_space<hbm>>
      %dma_start3A_103 = arith.constant 0 : i32
      %dma_start3A_104 = tpu.memref_slice %arg7[%arg0, %run_scoped3A_71, %add3A_70, %dma_start3A_103] : memref<2x2x10112x128xf32, #tpu.memory_space<hbm>> -> memref<1x1x96x128xf32, #tpu.memory_space<hbm>>
      %dma_start3A_105 = tpu.memref_squeeze %dma_start3A_104 : memref<1x1x96x128xf32, #tpu.memory_space<hbm>> -> memref<96x128xf32, #tpu.memory_space<hbm>>
      %dma_start3A_106 = arith.constant 0 : i32
      %dma_start3A_107 = arith.constant 0 : i32
      %dma_start3A_108 = tpu.memref_slice %arg10[%dma_start3A_106, %dma_start3A_107] : memref<125x128xf32, #tpu.memory_space<vmem>> -> memref<96x128xf32, #tpu.memory_space<vmem>>
      tpu.enqueue_dma source(%dma_start3A_108 : memref<96x128xf32, #tpu.memory_space<vmem>>) target(%dma_start3A_105 : memref<96x128xf32, #tpu.memory_space<hbm>>) target_semaphore(%run_scoped3A_97 : memref<!tpu.dma_semaphore, #tpu.memory_space<semaphore_mem>>)
      %dma_wait3A = arith.constant 0 : i32
      %dma_wait3A_109 = arith.constant 0 : i32
      %dma_wait3A_110 = tpu.memref_slice %arg10[%dma_wait3A, %dma_wait3A_109] : memref<125x128xf32, #tpu.memory_space<vmem>> -> memref<96x128xf32, #tpu.memory_space<vmem>>
      %dma_wait3A_111 = arith.constant 0 : i32
      %dma_wait3A_112 = tpu.memref_slice %arg7[%arg0, %run_scoped3A_71, %add3A_70, %dma_wait3A_111] : memref<2x2x10112x128xf32, #tpu.memory_space<hbm>> -> memref<1x1x96x128xf32, #tpu.memory_space<hbm>>
      %dma_wait3A_113 = tpu.memref_squeeze %dma_wait3A_112 : memref<1x1x96x128xf32, #tpu.memory_space<hbm>> -> memref<96x128xf32, #tpu.memory_space<hbm>>
      %dma_wait3A_114 = arith.constant 0 : i32
      %dma_wait3A_115 = tpu.memref_slice %arg7[%arg0, %run_scoped3A_71, %add3A_70, %dma_wait3A_114] : memref<2x2x10112x128xf32, #tpu.memory_space<hbm>> -> memref<1x1x96x128xf32, #tpu.memory_space<hbm>>
      %dma_wait3A_116 = tpu.memref_squeeze %dma_wait3A_115 : memref<1x1x96x128xf32, #tpu.memory_space<hbm>> -> memref<96x128xf32, #tpu.memory_space<hbm>>
      %dma_wait3A_117 = arith.constant 0 : i32
      %dma_wait3A_118 = arith.constant 0 : i32
      %dma_wait3A_119 = tpu.memref_slice %arg10[%dma_wait3A_117, %dma_wait3A_118] : memref<125x128xf32, #tpu.memory_space<vmem>> -> memref<96x128xf32, #tpu.memory_space<vmem>>
      tpu.wait_dma2 semaphore(%run_scoped3A_97 : memref<!tpu.dma_semaphore, #tpu.memory_space<semaphore_mem>>) src(%dma_wait3A_119 : memref<96x128xf32, #tpu.memory_space<vmem>>) dst(%dma_wait3A_116 : memref<96x128xf32, #tpu.memory_space<hbm>>)
      tpu.yield
    }) : () -> ()
    %add3A_72 = arith.constant 192 : i32
    %add3A_73 = arith.addi %mul3A_0, %add3A_72 : i32
    "tpu.region"() ({
      %run_scoped3A_97 = tpu.sem_alloc : memref<!tpu.dma_semaphore, #tpu.memory_space<semaphore_mem>>
      %dma_start3A = arith.constant 0 : i32
      %dma_start3A_98 = arith.constant 0 : i32
      %dma_start3A_99 = tpu.memref_slice %arg10[%dma_start3A, %dma_start3A_98] : memref<125x128xf32, #tpu.memory_space<vmem>> -> memref<96x128xf32, #tpu.memory_space<vmem>>
      %dma_start3A_100 = arith.constant 0 : i32
      %dma_start3A_101 = tpu.memref_slice %arg12[%add3A_73, %dma_start3A_100] : memref<10112x128xf32, #tpu.memory_space<vmem_shared>> -> memref<96x128xf32, #tpu.memory_space<vmem_shared>>
      %dma_start3A_102 = arith.constant 0 : i32
      %dma_start3A_103 = arith.constant 0 : i32
      %dma_start3A_104 = tpu.memref_slice %arg10[%dma_start3A_102, %dma_start3A_103] : memref<125x128xf32, #tpu.memory_space<vmem>> -> memref<96x128xf32, #tpu.memory_space<vmem>>
      %dma_start3A_105 = arith.constant 0 : i32
      %dma_start3A_106 = tpu.memref_slice %arg12[%add3A_73, %dma_start3A_105] : memref<10112x128xf32, #tpu.memory_space<vmem_shared>> -> memref<96x128xf32, #tpu.memory_space<vmem_shared>>
      tpu.enqueue_dma source(%dma_start3A_106 : memref<96x128xf32, #tpu.memory_space<vmem_shared>>) target(%dma_start3A_104 : memref<96x128xf32, #tpu.memory_space<vmem>>) target_semaphore(%run_scoped3A_97 : memref<!tpu.dma_semaphore, #tpu.memory_space<semaphore_mem>>)
      %dma_wait3A = arith.constant 0 : i32
      %dma_wait3A_107 = arith.constant 0 : i32
      %dma_wait3A_108 = tpu.memref_slice %arg10[%dma_wait3A, %dma_wait3A_107] : memref<125x128xf32, #tpu.memory_space<vmem>> -> memref<96x128xf32, #tpu.memory_space<vmem>>
      %dma_wait3A_109 = arith.constant 0 : i32
      %dma_wait3A_110 = tpu.memref_slice %arg12[%add3A_73, %dma_wait3A_109] : memref<10112x128xf32, #tpu.memory_space<vmem_shared>> -> memref<96x128xf32, #tpu.memory_space<vmem_shared>>
      %dma_wait3A_111 = arith.constant 0 : i32
      %dma_wait3A_112 = arith.constant 0 : i32
      %dma_wait3A_113 = tpu.memref_slice %arg10[%dma_wait3A_111, %dma_wait3A_112] : memref<125x128xf32, #tpu.memory_space<vmem>> -> memref<96x128xf32, #tpu.memory_space<vmem>>
      %dma_wait3A_114 = arith.constant 0 : i32
      %dma_wait3A_115 = tpu.memref_slice %arg12[%add3A_73, %dma_wait3A_114] : memref<10112x128xf32, #tpu.memory_space<vmem_shared>> -> memref<96x128xf32, #tpu.memory_space<vmem_shared>>
      tpu.wait_dma2 semaphore(%run_scoped3A_97 : memref<!tpu.dma_semaphore, #tpu.memory_space<semaphore_mem>>) src(%dma_wait3A_115 : memref<96x128xf32, #tpu.memory_space<vmem_shared>>) dst(%dma_wait3A_113 : memref<96x128xf32, #tpu.memory_space<vmem>>)
      tpu.yield
    }) : () -> ()
    %add3A_74 = arith.constant 192 : i32
    %add3A_75 = arith.addi %mul3A_0, %add3A_74 : i32
    %run_scoped3A_76 = arith.constant 1 : i32
    "tpu.region"() ({
      %run_scoped3A_97 = tpu.sem_alloc : memref<!tpu.dma_semaphore, #tpu.memory_space<semaphore_mem>>
      %dma_start3A = arith.constant 0 : i32
      %dma_start3A_98 = arith.constant 0 : i32
      %dma_start3A_99 = tpu.memref_slice %arg10[%dma_start3A, %dma_start3A_98] : memref<125x128xf32, #tpu.memory_space<vmem>> -> memref<96x128xf32, #tpu.memory_space<vmem>>
      %dma_start3A_100 = arith.constant 0 : i32
      %dma_start3A_101 = tpu.memref_slice %arg7[%arg0, %run_scoped3A_76, %add3A_75, %dma_start3A_100] : memref<2x2x10112x128xf32, #tpu.memory_space<hbm>> -> memref<1x1x96x128xf32, #tpu.memory_space<hbm>>
      %dma_start3A_102 = tpu.memref_squeeze %dma_start3A_101 : memref<1x1x96x128xf32, #tpu.memory_space<hbm>> -> memref<96x128xf32, #tpu.memory_space<hbm>>
      %dma_start3A_103 = arith.constant 0 : i32
      %dma_start3A_104 = tpu.memref_slice %arg7[%arg0, %run_scoped3A_76, %add3A_75, %dma_start3A_103] : memref<2x2x10112x128xf32, #tpu.memory_space<hbm>> -> memref<1x1x96x128xf32, #tpu.memory_space<hbm>>
      %dma_start3A_105 = tpu.memref_squeeze %dma_start3A_104 : memref<1x1x96x128xf32, #tpu.memory_space<hbm>> -> memref<96x128xf32, #tpu.memory_space<hbm>>
      %dma_start3A_106 = arith.constant 0 : i32
      %dma_start3A_107 = arith.constant 0 : i32
      %dma_start3A_108 = tpu.memref_slice %arg10[%dma_start3A_106, %dma_start3A_107] : memref<125x128xf32, #tpu.memory_space<vmem>> -> memref<96x128xf32, #tpu.memory_space<vmem>>
      tpu.enqueue_dma source(%dma_start3A_108 : memref<96x128xf32, #tpu.memory_space<vmem>>) target(%dma_start3A_105 : memref<96x128xf32, #tpu.memory_space<hbm>>) target_semaphore(%run_scoped3A_97 : memref<!tpu.dma_semaphore, #tpu.memory_space<semaphore_mem>>)
      %dma_wait3A = arith.constant 0 : i32
      %dma_wait3A_109 = arith.constant 0 : i32
      %dma_wait3A_110 = tpu.memref_slice %arg10[%dma_wait3A, %dma_wait3A_109] : memref<125x128xf32, #tpu.memory_space<vmem>> -> memref<96x128xf32, #tpu.memory_space<vmem>>
      %dma_wait3A_111 = arith.constant 0 : i32
      %dma_wait3A_112 = tpu.memref_slice %arg7[%arg0, %run_scoped3A_76, %add3A_75, %dma_wait3A_111] : memref<2x2x10112x128xf32, #tpu.memory_space<hbm>> -> memref<1x1x96x128xf32, #tpu.memory_space<hbm>>
      %dma_wait3A_113 = tpu.memref_squeeze %dma_wait3A_112 : memref<1x1x96x128xf32, #tpu.memory_space<hbm>> -> memref<96x128xf32, #tpu.memory_space<hbm>>
      %dma_wait3A_114 = arith.constant 0 : i32
      %dma_wait3A_115 = tpu.memref_slice %arg7[%arg0, %run_scoped3A_76, %add3A_75, %dma_wait3A_114] : memref<2x2x10112x128xf32, #tpu.memory_space<hbm>> -> memref<1x1x96x128xf32, #tpu.memory_space<hbm>>
      %dma_wait3A_116 = tpu.memref_squeeze %dma_wait3A_115 : memref<1x1x96x128xf32, #tpu.memory_space<hbm>> -> memref<96x128xf32, #tpu.memory_space<hbm>>
      %dma_wait3A_117 = arith.constant 0 : i32
      %dma_wait3A_118 = arith.constant 0 : i32
      %dma_wait3A_119 = tpu.memref_slice %arg10[%dma_wait3A_117, %dma_wait3A_118] : memref<125x128xf32, #tpu.memory_space<vmem>> -> memref<96x128xf32, #tpu.memory_space<vmem>>
      tpu.wait_dma2 semaphore(%run_scoped3A_97 : memref<!tpu.dma_semaphore, #tpu.memory_space<semaphore_mem>>) src(%dma_wait3A_119 : memref<96x128xf32, #tpu.memory_space<vmem>>) dst(%dma_wait3A_116 : memref<96x128xf32, #tpu.memory_space<hbm>>)
      tpu.yield
    }) : () -> ()
    %add3A_77 = arith.constant 288 : i32
    %add3A_78 = arith.addi %mul3A_0, %add3A_77 : i32
    "tpu.region"() ({
      %run_scoped3A_97 = tpu.sem_alloc : memref<!tpu.dma_semaphore, #tpu.memory_space<semaphore_mem>>
      %dma_start3A = arith.constant 0 : i32
      %dma_start3A_98 = arith.constant 0 : i32
      %dma_start3A_99 = tpu.memref_slice %arg10[%dma_start3A, %dma_start3A_98] : memref<125x128xf32, #tpu.memory_space<vmem>> -> memref<96x128xf32, #tpu.memory_space<vmem>>
      %dma_start3A_100 = arith.constant 0 : i32
      %dma_start3A_101 = tpu.memref_slice %arg12[%add3A_78, %dma_start3A_100] : memref<10112x128xf32, #tpu.memory_space<vmem_shared>> -> memref<96x128xf32, #tpu.memory_space<vmem_shared>>
      %dma_start3A_102 = arith.constant 0 : i32
      %dma_start3A_103 = arith.constant 0 : i32
      %dma_start3A_104 = tpu.memref_slice %arg10[%dma_start3A_102, %dma_start3A_103] : memref<125x128xf32, #tpu.memory_space<vmem>> -> memref<96x128xf32, #tpu.memory_space<vmem>>
      %dma_start3A_105 = arith.constant 0 : i32
      %dma_start3A_106 = tpu.memref_slice %arg12[%add3A_78, %dma_start3A_105] : memref<10112x128xf32, #tpu.memory_space<vmem_shared>> -> memref<96x128xf32, #tpu.memory_space<vmem_shared>>
      tpu.enqueue_dma source(%dma_start3A_106 : memref<96x128xf32, #tpu.memory_space<vmem_shared>>) target(%dma_start3A_104 : memref<96x128xf32, #tpu.memory_space<vmem>>) target_semaphore(%run_scoped3A_97 : memref<!tpu.dma_semaphore, #tpu.memory_space<semaphore_mem>>)
      %dma_wait3A = arith.constant 0 : i32
      %dma_wait3A_107 = arith.constant 0 : i32
      %dma_wait3A_108 = tpu.memref_slice %arg10[%dma_wait3A, %dma_wait3A_107] : memref<125x128xf32, #tpu.memory_space<vmem>> -> memref<96x128xf32, #tpu.memory_space<vmem>>
      %dma_wait3A_109 = arith.constant 0 : i32
      %dma_wait3A_110 = tpu.memref_slice %arg12[%add3A_78, %dma_wait3A_109] : memref<10112x128xf32, #tpu.memory_space<vmem_shared>> -> memref<96x128xf32, #tpu.memory_space<vmem_shared>>
      %dma_wait3A_111 = arith.constant 0 : i32
      %dma_wait3A_112 = arith.constant 0 : i32
      %dma_wait3A_113 = tpu.memref_slice %arg10[%dma_wait3A_111, %dma_wait3A_112] : memref<125x128xf32, #tpu.memory_space<vmem>> -> memref<96x128xf32, #tpu.memory_space<vmem>>
      %dma_wait3A_114 = arith.constant 0 : i32
      %dma_wait3A_115 = tpu.memref_slice %arg12[%add3A_78, %dma_wait3A_114] : memref<10112x128xf32, #tpu.memory_space<vmem_shared>> -> memref<96x128xf32, #tpu.memory_space<vmem_shared>>
      tpu.wait_dma2 semaphore(%run_scoped3A_97 : memref<!tpu.dma_semaphore, #tpu.memory_space<semaphore_mem>>) src(%dma_wait3A_115 : memref<96x128xf32, #tpu.memory_space<vmem_shared>>) dst(%dma_wait3A_113 : memref<96x128xf32, #tpu.memory_space<vmem>>)
      tpu.yield
    }) : () -> ()
    %add3A_79 = arith.constant 288 : i32
    %add3A_80 = arith.addi %mul3A_0, %add3A_79 : i32
    %run_scoped3A_81 = arith.constant 1 : i32
    "tpu.region"() ({
      %run_scoped3A_97 = tpu.sem_alloc : memref<!tpu.dma_semaphore, #tpu.memory_space<semaphore_mem>>
      %dma_start3A = arith.constant 0 : i32
      %dma_start3A_98 = arith.constant 0 : i32
      %dma_start3A_99 = tpu.memref_slice %arg10[%dma_start3A, %dma_start3A_98] : memref<125x128xf32, #tpu.memory_space<vmem>> -> memref<96x128xf32, #tpu.memory_space<vmem>>
      %dma_start3A_100 = arith.constant 0 : i32
      %dma_start3A_101 = tpu.memref_slice %arg7[%arg0, %run_scoped3A_81, %add3A_80, %dma_start3A_100] : memref<2x2x10112x128xf32, #tpu.memory_space<hbm>> -> memref<1x1x96x128xf32, #tpu.memory_space<hbm>>
      %dma_start3A_102 = tpu.memref_squeeze %dma_start3A_101 : memref<1x1x96x128xf32, #tpu.memory_space<hbm>> -> memref<96x128xf32, #tpu.memory_space<hbm>>
      %dma_start3A_103 = arith.constant 0 : i32
      %dma_start3A_104 = tpu.memref_slice %arg7[%arg0, %run_scoped3A_81, %add3A_80, %dma_start3A_103] : memref<2x2x10112x128xf32, #tpu.memory_space<hbm>> -> memref<1x1x96x128xf32, #tpu.memory_space<hbm>>
      %dma_start3A_105 = tpu.memref_squeeze %dma_start3A_104 : memref<1x1x96x128xf32, #tpu.memory_space<hbm>> -> memref<96x128xf32, #tpu.memory_space<hbm>>
      %dma_start3A_106 = arith.constant 0 : i32
      %dma_start3A_107 = arith.constant 0 : i32
      %dma_start3A_108 = tpu.memref_slice %arg10[%dma_start3A_106, %dma_start3A_107] : memref<125x128xf32, #tpu.memory_space<vmem>> -> memref<96x128xf32, #tpu.memory_space<vmem>>
      tpu.enqueue_dma source(%dma_start3A_108 : memref<96x128xf32, #tpu.memory_space<vmem>>) target(%dma_start3A_105 : memref<96x128xf32, #tpu.memory_space<hbm>>) target_semaphore(%run_scoped3A_97 : memref<!tpu.dma_semaphore, #tpu.memory_space<semaphore_mem>>)
      %dma_wait3A = arith.constant 0 : i32
      %dma_wait3A_109 = arith.constant 0 : i32
      %dma_wait3A_110 = tpu.memref_slice %arg10[%dma_wait3A, %dma_wait3A_109] : memref<125x128xf32, #tpu.memory_space<vmem>> -> memref<96x128xf32, #tpu.memory_space<vmem>>
      %dma_wait3A_111 = arith.constant 0 : i32
      %dma_wait3A_112 = tpu.memref_slice %arg7[%arg0, %run_scoped3A_81, %add3A_80, %dma_wait3A_111] : memref<2x2x10112x128xf32, #tpu.memory_space<hbm>> -> memref<1x1x96x128xf32, #tpu.memory_space<hbm>>
      %dma_wait3A_113 = tpu.memref_squeeze %dma_wait3A_112 : memref<1x1x96x128xf32, #tpu.memory_space<hbm>> -> memref<96x128xf32, #tpu.memory_space<hbm>>
      %dma_wait3A_114 = arith.constant 0 : i32
      %dma_wait3A_115 = tpu.memref_slice %arg7[%arg0, %run_scoped3A_81, %add3A_80, %dma_wait3A_114] : memref<2x2x10112x128xf32, #tpu.memory_space<hbm>> -> memref<1x1x96x128xf32, #tpu.memory_space<hbm>>
      %dma_wait3A_116 = tpu.memref_squeeze %dma_wait3A_115 : memref<1x1x96x128xf32, #tpu.memory_space<hbm>> -> memref<96x128xf32, #tpu.memory_space<hbm>>
      %dma_wait3A_117 = arith.constant 0 : i32
      %dma_wait3A_118 = arith.constant 0 : i32
      %dma_wait3A_119 = tpu.memref_slice %arg10[%dma_wait3A_117, %dma_wait3A_118] : memref<125x128xf32, #tpu.memory_space<vmem>> -> memref<96x128xf32, #tpu.memory_space<vmem>>
      tpu.wait_dma2 semaphore(%run_scoped3A_97 : memref<!tpu.dma_semaphore, #tpu.memory_space<semaphore_mem>>) src(%dma_wait3A_119 : memref<96x128xf32, #tpu.memory_space<vmem>>) dst(%dma_wait3A_116 : memref<96x128xf32, #tpu.memory_space<hbm>>)
      tpu.yield
    }) : () -> ()
    %add3A_82 = arith.constant 384 : i32
    %add3A_83 = arith.addi %mul3A_0, %add3A_82 : i32
    "tpu.region"() ({
      %run_scoped3A_97 = tpu.sem_alloc : memref<!tpu.dma_semaphore, #tpu.memory_space<semaphore_mem>>
      %dma_start3A = arith.constant 0 : i32
      %dma_start3A_98 = arith.constant 0 : i32
      %dma_start3A_99 = tpu.memref_slice %arg10[%dma_start3A, %dma_start3A_98] : memref<125x128xf32, #tpu.memory_space<vmem>> -> memref<96x128xf32, #tpu.memory_space<vmem>>
      %dma_start3A_100 = arith.constant 0 : i32
      %dma_start3A_101 = tpu.memref_slice %arg12[%add3A_83, %dma_start3A_100] : memref<10112x128xf32, #tpu.memory_space<vmem_shared>> -> memref<96x128xf32, #tpu.memory_space<vmem_shared>>
      %dma_start3A_102 = arith.constant 0 : i32
      %dma_start3A_103 = arith.constant 0 : i32
      %dma_start3A_104 = tpu.memref_slice %arg10[%dma_start3A_102, %dma_start3A_103] : memref<125x128xf32, #tpu.memory_space<vmem>> -> memref<96x128xf32, #tpu.memory_space<vmem>>
      %dma_start3A_105 = arith.constant 0 : i32
      %dma_start3A_106 = tpu.memref_slice %arg12[%add3A_83, %dma_start3A_105] : memref<10112x128xf32, #tpu.memory_space<vmem_shared>> -> memref<96x128xf32, #tpu.memory_space<vmem_shared>>
      tpu.enqueue_dma source(%dma_start3A_106 : memref<96x128xf32, #tpu.memory_space<vmem_shared>>) target(%dma_start3A_104 : memref<96x128xf32, #tpu.memory_space<vmem>>) target_semaphore(%run_scoped3A_97 : memref<!tpu.dma_semaphore, #tpu.memory_space<semaphore_mem>>)
      %dma_wait3A = arith.constant 0 : i32
      %dma_wait3A_107 = arith.constant 0 : i32
      %dma_wait3A_108 = tpu.memref_slice %arg10[%dma_wait3A, %dma_wait3A_107] : memref<125x128xf32, #tpu.memory_space<vmem>> -> memref<96x128xf32, #tpu.memory_space<vmem>>
      %dma_wait3A_109 = arith.constant 0 : i32
      %dma_wait3A_110 = tpu.memref_slice %arg12[%add3A_83, %dma_wait3A_109] : memref<10112x128xf32, #tpu.memory_space<vmem_shared>> -> memref<96x128xf32, #tpu.memory_space<vmem_shared>>
      %dma_wait3A_111 = arith.constant 0 : i32
      %dma_wait3A_112 = arith.constant 0 : i32
      %dma_wait3A_113 = tpu.memref_slice %arg10[%dma_wait3A_111, %dma_wait3A_112] : memref<125x128xf32, #tpu.memory_space<vmem>> -> memref<96x128xf32, #tpu.memory_space<vmem>>
      %dma_wait3A_114 = arith.constant 0 : i32
      %dma_wait3A_115 = tpu.memref_slice %arg12[%add3A_83, %dma_wait3A_114] : memref<10112x128xf32, #tpu.memory_space<vmem_shared>> -> memref<96x128xf32, #tpu.memory_space<vmem_shared>>
      tpu.wait_dma2 semaphore(%run_scoped3A_97 : memref<!tpu.dma_semaphore, #tpu.memory_space<semaphore_mem>>) src(%dma_wait3A_115 : memref<96x128xf32, #tpu.memory_space<vmem_shared>>) dst(%dma_wait3A_113 : memref<96x128xf32, #tpu.memory_space<vmem>>)
      tpu.yield
    }) : () -> ()
    %add3A_84 = arith.constant 384 : i32
    %add3A_85 = arith.addi %mul3A_0, %add3A_84 : i32
    %run_scoped3A_86 = arith.constant 1 : i32
    "tpu.region"() ({
      %run_scoped3A_97 = tpu.sem_alloc : memref<!tpu.dma_semaphore, #tpu.memory_space<semaphore_mem>>
      %dma_start3A = arith.constant 0 : i32
      %dma_start3A_98 = arith.constant 0 : i32
      %dma_start3A_99 = tpu.memref_slice %arg10[%dma_start3A, %dma_start3A_98] : memref<125x128xf32, #tpu.memory_space<vmem>> -> memref<96x128xf32, #tpu.memory_space<vmem>>
      %dma_start3A_100 = arith.constant 0 : i32
      %dma_start3A_101 = tpu.memref_slice %arg7[%arg0, %run_scoped3A_86, %add3A_85, %dma_start3A_100] : memref<2x2x10112x128xf32, #tpu.memory_space<hbm>> -> memref<1x1x96x128xf32, #tpu.memory_space<hbm>>
      %dma_start3A_102 = tpu.memref_squeeze %dma_start3A_101 : memref<1x1x96x128xf32, #tpu.memory_space<hbm>> -> memref<96x128xf32, #tpu.memory_space<hbm>>
      %dma_start3A_103 = arith.constant 0 : i32
      %dma_start3A_104 = tpu.memref_slice %arg7[%arg0, %run_scoped3A_86, %add3A_85, %dma_start3A_103] : memref<2x2x10112x128xf32, #tpu.memory_space<hbm>> -> memref<1x1x96x128xf32, #tpu.memory_space<hbm>>
      %dma_start3A_105 = tpu.memref_squeeze %dma_start3A_104 : memref<1x1x96x128xf32, #tpu.memory_space<hbm>> -> memref<96x128xf32, #tpu.memory_space<hbm>>
      %dma_start3A_106 = arith.constant 0 : i32
      %dma_start3A_107 = arith.constant 0 : i32
      %dma_start3A_108 = tpu.memref_slice %arg10[%dma_start3A_106, %dma_start3A_107] : memref<125x128xf32, #tpu.memory_space<vmem>> -> memref<96x128xf32, #tpu.memory_space<vmem>>
      tpu.enqueue_dma source(%dma_start3A_108 : memref<96x128xf32, #tpu.memory_space<vmem>>) target(%dma_start3A_105 : memref<96x128xf32, #tpu.memory_space<hbm>>) target_semaphore(%run_scoped3A_97 : memref<!tpu.dma_semaphore, #tpu.memory_space<semaphore_mem>>)
      %dma_wait3A = arith.constant 0 : i32
      %dma_wait3A_109 = arith.constant 0 : i32
      %dma_wait3A_110 = tpu.memref_slice %arg10[%dma_wait3A, %dma_wait3A_109] : memref<125x128xf32, #tpu.memory_space<vmem>> -> memref<96x128xf32, #tpu.memory_space<vmem>>
      %dma_wait3A_111 = arith.constant 0 : i32
      %dma_wait3A_112 = tpu.memref_slice %arg7[%arg0, %run_scoped3A_86, %add3A_85, %dma_wait3A_111] : memref<2x2x10112x128xf32, #tpu.memory_space<hbm>> -> memref<1x1x96x128xf32, #tpu.memory_space<hbm>>
      %dma_wait3A_113 = tpu.memref_squeeze %dma_wait3A_112 : memref<1x1x96x128xf32, #tpu.memory_space<hbm>> -> memref<96x128xf32, #tpu.memory_space<hbm>>
      %dma_wait3A_114 = arith.constant 0 : i32
      %dma_wait3A_115 = tpu.memref_slice %arg7[%arg0, %run_scoped3A_86, %add3A_85, %dma_wait3A_114] : memref<2x2x10112x128xf32, #tpu.memory_space<hbm>> -> memref<1x1x96x128xf32, #tpu.memory_space<hbm>>
      %dma_wait3A_116 = tpu.memref_squeeze %dma_wait3A_115 : memref<1x1x96x128xf32, #tpu.memory_space<hbm>> -> memref<96x128xf32, #tpu.memory_space<hbm>>
      %dma_wait3A_117 = arith.constant 0 : i32
      %dma_wait3A_118 = arith.constant 0 : i32
      %dma_wait3A_119 = tpu.memref_slice %arg10[%dma_wait3A_117, %dma_wait3A_118] : memref<125x128xf32, #tpu.memory_space<vmem>> -> memref<96x128xf32, #tpu.memory_space<vmem>>
      tpu.wait_dma2 semaphore(%run_scoped3A_97 : memref<!tpu.dma_semaphore, #tpu.memory_space<semaphore_mem>>) src(%dma_wait3A_119 : memref<96x128xf32, #tpu.memory_space<vmem>>) dst(%dma_wait3A_116 : memref<96x128xf32, #tpu.memory_space<hbm>>)
      tpu.yield
    }) : () -> ()
    %add3A_87 = arith.constant 480 : i32
    %add3A_88 = arith.addi %mul3A_0, %add3A_87 : i32
    "tpu.region"() ({
      %run_scoped3A_97 = tpu.sem_alloc : memref<!tpu.dma_semaphore, #tpu.memory_space<semaphore_mem>>
      %dma_start3A = arith.constant 0 : i32
      %dma_start3A_98 = arith.constant 0 : i32
      %dma_start3A_99 = tpu.memref_slice %arg10[%dma_start3A, %dma_start3A_98] : memref<125x128xf32, #tpu.memory_space<vmem>> -> memref<96x128xf32, #tpu.memory_space<vmem>>
      %dma_start3A_100 = arith.constant 0 : i32
      %dma_start3A_101 = tpu.memref_slice %arg12[%add3A_88, %dma_start3A_100] : memref<10112x128xf32, #tpu.memory_space<vmem_shared>> -> memref<96x128xf32, #tpu.memory_space<vmem_shared>>
      %dma_start3A_102 = arith.constant 0 : i32
      %dma_start3A_103 = arith.constant 0 : i32
      %dma_start3A_104 = tpu.memref_slice %arg10[%dma_start3A_102, %dma_start3A_103] : memref<125x128xf32, #tpu.memory_space<vmem>> -> memref<96x128xf32, #tpu.memory_space<vmem>>
      %dma_start3A_105 = arith.constant 0 : i32
      %dma_start3A_106 = tpu.memref_slice %arg12[%add3A_88, %dma_start3A_105] : memref<10112x128xf32, #tpu.memory_space<vmem_shared>> -> memref<96x128xf32, #tpu.memory_space<vmem_shared>>
      tpu.enqueue_dma source(%dma_start3A_106 : memref<96x128xf32, #tpu.memory_space<vmem_shared>>) target(%dma_start3A_104 : memref<96x128xf32, #tpu.memory_space<vmem>>) target_semaphore(%run_scoped3A_97 : memref<!tpu.dma_semaphore, #tpu.memory_space<semaphore_mem>>)
      %dma_wait3A = arith.constant 0 : i32
      %dma_wait3A_107 = arith.constant 0 : i32
      %dma_wait3A_108 = tpu.memref_slice %arg10[%dma_wait3A, %dma_wait3A_107] : memref<125x128xf32, #tpu.memory_space<vmem>> -> memref<96x128xf32, #tpu.memory_space<vmem>>
      %dma_wait3A_109 = arith.constant 0 : i32
      %dma_wait3A_110 = tpu.memref_slice %arg12[%add3A_88, %dma_wait3A_109] : memref<10112x128xf32, #tpu.memory_space<vmem_shared>> -> memref<96x128xf32, #tpu.memory_space<vmem_shared>>
      %dma_wait3A_111 = arith.constant 0 : i32
      %dma_wait3A_112 = arith.constant 0 : i32
      %dma_wait3A_113 = tpu.memref_slice %arg10[%dma_wait3A_111, %dma_wait3A_112] : memref<125x128xf32, #tpu.memory_space<vmem>> -> memref<96x128xf32, #tpu.memory_space<vmem>>
      %dma_wait3A_114 = arith.constant 0 : i32
      %dma_wait3A_115 = tpu.memref_slice %arg12[%add3A_88, %dma_wait3A_114] : memref<10112x128xf32, #tpu.memory_space<vmem_shared>> -> memref<96x128xf32, #tpu.memory_space<vmem_shared>>
      tpu.wait_dma2 semaphore(%run_scoped3A_97 : memref<!tpu.dma_semaphore, #tpu.memory_space<semaphore_mem>>) src(%dma_wait3A_115 : memref<96x128xf32, #tpu.memory_space<vmem_shared>>) dst(%dma_wait3A_113 : memref<96x128xf32, #tpu.memory_space<vmem>>)
      tpu.yield
    }) : () -> ()
    %add3A_89 = arith.constant 480 : i32
    %add3A_90 = arith.addi %mul3A_0, %add3A_89 : i32
    %run_scoped3A_91 = arith.constant 1 : i32
    "tpu.region"() ({
      %run_scoped3A_97 = tpu.sem_alloc : memref<!tpu.dma_semaphore, #tpu.memory_space<semaphore_mem>>
      %dma_start3A = arith.constant 0 : i32
      %dma_start3A_98 = arith.constant 0 : i32
      %dma_start3A_99 = tpu.memref_slice %arg10[%dma_start3A, %dma_start3A_98] : memref<125x128xf32, #tpu.memory_space<vmem>> -> memref<96x128xf32, #tpu.memory_space<vmem>>
      %dma_start3A_100 = arith.constant 0 : i32
      %dma_start3A_101 = tpu.memref_slice %arg7[%arg0, %run_scoped3A_91, %add3A_90, %dma_start3A_100] : memref<2x2x10112x128xf32, #tpu.memory_space<hbm>> -> memref<1x1x96x128xf32, #tpu.memory_space<hbm>>
      %dma_start3A_102 = tpu.memref_squeeze %dma_start3A_101 : memref<1x1x96x128xf32, #tpu.memory_space<hbm>> -> memref<96x128xf32, #tpu.memory_space<hbm>>
      %dma_start3A_103 = arith.constant 0 : i32
      %dma_start3A_104 = tpu.memref_slice %arg7[%arg0, %run_scoped3A_91, %add3A_90, %dma_start3A_103] : memref<2x2x10112x128xf32, #tpu.memory_space<hbm>> -> memref<1x1x96x128xf32, #tpu.memory_space<hbm>>
      %dma_start3A_105 = tpu.memref_squeeze %dma_start3A_104 : memref<1x1x96x128xf32, #tpu.memory_space<hbm>> -> memref<96x128xf32, #tpu.memory_space<hbm>>
      %dma_start3A_106 = arith.constant 0 : i32
      %dma_start3A_107 = arith.constant 0 : i32
      %dma_start3A_108 = tpu.memref_slice %arg10[%dma_start3A_106, %dma_start3A_107] : memref<125x128xf32, #tpu.memory_space<vmem>> -> memref<96x128xf32, #tpu.memory_space<vmem>>
      tpu.enqueue_dma source(%dma_start3A_108 : memref<96x128xf32, #tpu.memory_space<vmem>>) target(%dma_start3A_105 : memref<96x128xf32, #tpu.memory_space<hbm>>) target_semaphore(%run_scoped3A_97 : memref<!tpu.dma_semaphore, #tpu.memory_space<semaphore_mem>>)
      %dma_wait3A = arith.constant 0 : i32
      %dma_wait3A_109 = arith.constant 0 : i32
      %dma_wait3A_110 = tpu.memref_slice %arg10[%dma_wait3A, %dma_wait3A_109] : memref<125x128xf32, #tpu.memory_space<vmem>> -> memref<96x128xf32, #tpu.memory_space<vmem>>
      %dma_wait3A_111 = arith.constant 0 : i32
      %dma_wait3A_112 = tpu.memref_slice %arg7[%arg0, %run_scoped3A_91, %add3A_90, %dma_wait3A_111] : memref<2x2x10112x128xf32, #tpu.memory_space<hbm>> -> memref<1x1x96x128xf32, #tpu.memory_space<hbm>>
      %dma_wait3A_113 = tpu.memref_squeeze %dma_wait3A_112 : memref<1x1x96x128xf32, #tpu.memory_space<hbm>> -> memref<96x128xf32, #tpu.memory_space<hbm>>
      %dma_wait3A_114 = arith.constant 0 : i32
      %dma_wait3A_115 = tpu.memref_slice %arg7[%arg0, %run_scoped3A_91, %add3A_90, %dma_wait3A_114] : memref<2x2x10112x128xf32, #tpu.memory_space<hbm>> -> memref<1x1x96x128xf32, #tpu.memory_space<hbm>>
      %dma_wait3A_116 = tpu.memref_squeeze %dma_wait3A_115 : memref<1x1x96x128xf32, #tpu.memory_space<hbm>> -> memref<96x128xf32, #tpu.memory_space<hbm>>
      %dma_wait3A_117 = arith.constant 0 : i32
      %dma_wait3A_118 = arith.constant 0 : i32
      %dma_wait3A_119 = tpu.memref_slice %arg10[%dma_wait3A_117, %dma_wait3A_118] : memref<125x128xf32, #tpu.memory_space<vmem>> -> memref<96x128xf32, #tpu.memory_space<vmem>>
      tpu.wait_dma2 semaphore(%run_scoped3A_97 : memref<!tpu.dma_semaphore, #tpu.memory_space<semaphore_mem>>) src(%dma_wait3A_119 : memref<96x128xf32, #tpu.memory_space<vmem>>) dst(%dma_wait3A_116 : memref<96x128xf32, #tpu.memory_space<hbm>>)
      tpu.yield
    }) : () -> ()
    %add3A_92 = arith.constant 576 : i32
    %add3A_93 = arith.addi %mul3A_0, %add3A_92 : i32
    "tpu.region"() ({
      %run_scoped3A_97 = tpu.sem_alloc : memref<!tpu.dma_semaphore, #tpu.memory_space<semaphore_mem>>
      %dma_start3A = arith.constant 0 : i32
      %dma_start3A_98 = arith.constant 0 : i32
      %dma_start3A_99 = tpu.memref_slice %arg10[%dma_start3A, %dma_start3A_98] : memref<125x128xf32, #tpu.memory_space<vmem>> -> memref<56x128xf32, #tpu.memory_space<vmem>>
      %dma_start3A_100 = arith.constant 0 : i32
      %dma_start3A_101 = tpu.memref_slice %arg12[%add3A_93, %dma_start3A_100] : memref<10112x128xf32, #tpu.memory_space<vmem_shared>> -> memref<56x128xf32, #tpu.memory_space<vmem_shared>>
      %dma_start3A_102 = arith.constant 0 : i32
      %dma_start3A_103 = arith.constant 0 : i32
      %dma_start3A_104 = tpu.memref_slice %arg10[%dma_start3A_102, %dma_start3A_103] : memref<125x128xf32, #tpu.memory_space<vmem>> -> memref<56x128xf32, #tpu.memory_space<vmem>>
      %dma_start3A_105 = arith.constant 0 : i32
      %dma_start3A_106 = tpu.memref_slice %arg12[%add3A_93, %dma_start3A_105] : memref<10112x128xf32, #tpu.memory_space<vmem_shared>> -> memref<56x128xf32, #tpu.memory_space<vmem_shared>>
      tpu.enqueue_dma source(%dma_start3A_106 : memref<56x128xf32, #tpu.memory_space<vmem_shared>>) target(%dma_start3A_104 : memref<56x128xf32, #tpu.memory_space<vmem>>) target_semaphore(%run_scoped3A_97 : memref<!tpu.dma_semaphore, #tpu.memory_space<semaphore_mem>>)
      %dma_wait3A = arith.constant 0 : i32
      %dma_wait3A_107 = arith.constant 0 : i32
      %dma_wait3A_108 = tpu.memref_slice %arg10[%dma_wait3A, %dma_wait3A_107] : memref<125x128xf32, #tpu.memory_space<vmem>> -> memref<56x128xf32, #tpu.memory_space<vmem>>
      %dma_wait3A_109 = arith.constant 0 : i32
      %dma_wait3A_110 = tpu.memref_slice %arg12[%add3A_93, %dma_wait3A_109] : memref<10112x128xf32, #tpu.memory_space<vmem_shared>> -> memref<56x128xf32, #tpu.memory_space<vmem_shared>>
      %dma_wait3A_111 = arith.constant 0 : i32
      %dma_wait3A_112 = arith.constant 0 : i32
      %dma_wait3A_113 = tpu.memref_slice %arg10[%dma_wait3A_111, %dma_wait3A_112] : memref<125x128xf32, #tpu.memory_space<vmem>> -> memref<56x128xf32, #tpu.memory_space<vmem>>
      %dma_wait3A_114 = arith.constant 0 : i32
      %dma_wait3A_115 = tpu.memref_slice %arg12[%add3A_93, %dma_wait3A_114] : memref<10112x128xf32, #tpu.memory_space<vmem_shared>> -> memref<56x128xf32, #tpu.memory_space<vmem_shared>>
      tpu.wait_dma2 semaphore(%run_scoped3A_97 : memref<!tpu.dma_semaphore, #tpu.memory_space<semaphore_mem>>) src(%dma_wait3A_115 : memref<56x128xf32, #tpu.memory_space<vmem_shared>>) dst(%dma_wait3A_113 : memref<56x128xf32, #tpu.memory_space<vmem>>)
      tpu.yield
    }) : () -> ()
    %add3A_94 = arith.constant 576 : i32
    %add3A_95 = arith.addi %mul3A_0, %add3A_94 : i32
    %run_scoped3A_96 = arith.constant 1 : i32
    "tpu.region"() ({
      %run_scoped3A_97 = tpu.sem_alloc : memref<!tpu.dma_semaphore, #tpu.memory_space<semaphore_mem>>
      %dma_start3A = arith.constant 0 : i32
      %dma_start3A_98 = arith.constant 0 : i32
      %dma_start3A_99 = tpu.memref_slice %arg10[%dma_start3A, %dma_start3A_98] : memref<125x128xf32, #tpu.memory_space<vmem>> -> memref<56x128xf32, #tpu.memory_space<vmem>>
      %dma_start3A_100 = arith.constant 0 : i32
      %dma_start3A_101 = tpu.memref_slice %arg7[%arg0, %run_scoped3A_96, %add3A_95, %dma_start3A_100] : memref<2x2x10112x128xf32, #tpu.memory_space<hbm>> -> memref<1x1x56x128xf32, #tpu.memory_space<hbm>>
      %dma_start3A_102 = tpu.memref_squeeze %dma_start3A_101 : memref<1x1x56x128xf32, #tpu.memory_space<hbm>> -> memref<56x128xf32, #tpu.memory_space<hbm>>
      %dma_start3A_103 = arith.constant 0 : i32
      %dma_start3A_104 = tpu.memref_slice %arg7[%arg0, %run_scoped3A_96, %add3A_95, %dma_start3A_103] : memref<2x2x10112x128xf32, #tpu.memory_space<hbm>> -> memref<1x1x56x128xf32, #tpu.memory_space<hbm>>
      %dma_start3A_105 = tpu.memref_squeeze %dma_start3A_104 : memref<1x1x56x128xf32, #tpu.memory_space<hbm>> -> memref<56x128xf32, #tpu.memory_space<hbm>>
      %dma_start3A_106 = arith.constant 0 : i32
      %dma_start3A_107 = arith.constant 0 : i32
      %dma_start3A_108 = tpu.memref_slice %arg10[%dma_start3A_106, %dma_start3A_107] : memref<125x128xf32, #tpu.memory_space<vmem>> -> memref<56x128xf32, #tpu.memory_space<vmem>>
      tpu.enqueue_dma source(%dma_start3A_108 : memref<56x128xf32, #tpu.memory_space<vmem>>) target(%dma_start3A_105 : memref<56x128xf32, #tpu.memory_space<hbm>>) target_semaphore(%run_scoped3A_97 : memref<!tpu.dma_semaphore, #tpu.memory_space<semaphore_mem>>)
      %dma_wait3A = arith.constant 0 : i32
      %dma_wait3A_109 = arith.constant 0 : i32
      %dma_wait3A_110 = tpu.memref_slice %arg10[%dma_wait3A, %dma_wait3A_109] : memref<125x128xf32, #tpu.memory_space<vmem>> -> memref<56x128xf32, #tpu.memory_space<vmem>>
      %dma_wait3A_111 = arith.constant 0 : i32
      %dma_wait3A_112 = tpu.memref_slice %arg7[%arg0, %run_scoped3A_96, %add3A_95, %dma_wait3A_111] : memref<2x2x10112x128xf32, #tpu.memory_space<hbm>> -> memref<1x1x56x128xf32, #tpu.memory_space<hbm>>
      %dma_wait3A_113 = tpu.memref_squeeze %dma_wait3A_112 : memref<1x1x56x128xf32, #tpu.memory_space<hbm>> -> memref<56x128xf32, #tpu.memory_space<hbm>>
      %dma_wait3A_114 = arith.constant 0 : i32
      %dma_wait3A_115 = tpu.memref_slice %arg7[%arg0, %run_scoped3A_96, %add3A_95, %dma_wait3A_114] : memref<2x2x10112x128xf32, #tpu.memory_space<hbm>> -> memref<1x1x56x128xf32, #tpu.memory_space<hbm>>
      %dma_wait3A_116 = tpu.memref_squeeze %dma_wait3A_115 : memref<1x1x56x128xf32, #tpu.memory_space<hbm>> -> memref<56x128xf32, #tpu.memory_space<hbm>>
      %dma_wait3A_117 = arith.constant 0 : i32
      %dma_wait3A_118 = arith.constant 0 : i32
      %dma_wait3A_119 = tpu.memref_slice %arg10[%dma_wait3A_117, %dma_wait3A_118] : memref<125x128xf32, #tpu.memory_space<vmem>> -> memref<56x128xf32, #tpu.memory_space<vmem>>
      tpu.wait_dma2 semaphore(%run_scoped3A_97 : memref<!tpu.dma_semaphore, #tpu.memory_space<semaphore_mem>>) src(%dma_wait3A_119 : memref<56x128xf32, #tpu.memory_space<vmem>>) dst(%dma_wait3A_116 : memref<56x128xf32, #tpu.memory_space<hbm>>)
      tpu.yield
    }) : () -> ()
    return
  }
}

module attributes {stable_mosaic.version = 14 : i64} {
  func.func @_dense_body(%arg0: i32, %arg1: i32, %arg2: memref<1x2x400x128xf32, #tpu.memory_space<vmem>>, %arg3: memref<1x128x128xf32, #tpu.memory_space<vmem>>, %arg4: memref<1x1x128xf32, #tpu.memory_space<vmem>>, %arg5: memref<1x128x64xf32, #tpu.memory_space<vmem>>, %arg6: memref<1x1x64xf32, #tpu.memory_space<vmem>>, %arg7: memref<1x128x64xf32, #tpu.memory_space<vmem>>, %arg8: memref<1x1x64xf32, #tpu.memory_space<vmem>>, %arg9: memref<1x64x128xf32, #tpu.memory_space<vmem>>, %arg10: memref<1x64x128xf32, #tpu.memory_space<vmem>>, %arg11: memref<1x1x128xf32, #tpu.memory_space<vmem>>, %arg12: memref<1x128x128xf32, #tpu.memory_space<vmem>>, %arg13: memref<1x1x128xf32, #tpu.memory_space<vmem>>, %arg14: memref<1x128x128xf32, #tpu.memory_space<vmem>>, %arg15: memref<1x1x128xf32, #tpu.memory_space<vmem>>, %arg16: memref<1x400x64xf32, #tpu.memory_space<vmem>>, %arg17: memref<1x400x64xf32, #tpu.memory_space<vmem>>, %arg18: memref<1x400x128xf32, #tpu.memory_space<vmem>>) attributes {dimension_semantics = [#tpu.dimension_semantics<arbitrary>, #tpu.dimension_semantics<arbitrary>], iteration_bounds = array<i64: 2, 25>, scalar_prefetch = 0 : i64, scratch_operands = 0 : i64, tpu.core_type = #tpu.core_type<tc>, window_params = [{transform_indices = @transform_0, window_bounds = array<i64: 1, 2, 400, 128>}, {transform_indices = @transform_1, window_bounds = array<i64: 1, 128, 128>}, {transform_indices = @transform_2, window_bounds = array<i64: 1, 1, 128>}, {transform_indices = @transform_3, window_bounds = array<i64: 1, 128, 64>}, {transform_indices = @transform_4, window_bounds = array<i64: 1, 1, 64>}, {transform_indices = @transform_5, window_bounds = array<i64: 1, 128, 64>}, {transform_indices = @transform_6, window_bounds = array<i64: 1, 1, 64>}, {transform_indices = @transform_7, window_bounds = array<i64: 1, 64, 128>}, {transform_indices = @transform_8, window_bounds = array<i64: 1, 64, 128>}, {transform_indices = @transform_9, window_bounds = array<i64: 1, 1, 128>}, {transform_indices = @transform_10, window_bounds = array<i64: 1, 128, 128>}, {transform_indices = @transform_11, window_bounds = array<i64: 1, 1, 128>}, {transform_indices = @transform_12, window_bounds = array<i64: 1, 128, 128>}, {transform_indices = @transform_13, window_bounds = array<i64: 1, 1, 128>}, {transform_indices = @transform_14, window_bounds = array<i64: 1, 400, 64>}, {transform_indices = @transform_15, window_bounds = array<i64: 1, 400, 64>}, {transform_indices = @transform_16, window_bounds = array<i64: 1, 400, 128>}]} {
    %get3A = arith.constant 0 : index
    %get3A_0 = arith.constant 1 : index
    %get3A_1 = arith.constant 0 : index
    %get3A_2 = arith.constant 0 : index
    %get3A_3 = vector.load %arg2[%get3A, %get3A_0, %get3A_1, %get3A_2] : memref<1x2x400x128xf32, #tpu.memory_space<vmem>>, vector<1x1x400x1xf32>
    %get3A_4 = vector.shape_cast %get3A_3 : vector<1x1x400x1xf32> to vector<400x1xf32>
    %get3A_5 = arith.constant 0 : index
    %get3A_6 = arith.constant 0 : index
    %get3A_7 = arith.constant 0 : index
    %get3A_8 = arith.constant 0 : index
    %get3A_9 = vector.load %arg2[%get3A_5, %get3A_6, %get3A_7, %get3A_8] : memref<1x2x400x128xf32, #tpu.memory_space<vmem>>, vector<1x1x400x1xf32>
    %get3A_10 = vector.shape_cast %get3A_9 : vector<1x1x400x1xf32> to vector<400x1xf32>
    %sub3A = arith.subf %get3A_4, %get3A_10 : vector<400x1xf32>
    %max3A = arith.constant 1.000000e+00 : f32
    %max3A_11 = vector.broadcast %max3A : f32 to vector<400x1xf32>
    %max3A_12 = arith.maximumf %sub3A, %max3A_11 : vector<400x1xf32>
    %get3A_13 = arith.constant 0 : index
    %get3A_14 = arith.constant 0 : index
    %get3A_15 = arith.constant 0 : index
    %get3A_16 = arith.constant 0 : index
    %get3A_17 = vector.load %arg2[%get3A_13, %get3A_14, %get3A_15, %get3A_16] : memref<1x2x400x128xf32, #tpu.memory_space<vmem>>, vector<1x1x400x128xf32>
    %get3A_18 = vector.shape_cast %get3A_17 : vector<1x1x400x128xf32> to vector<400x128xf32>
    %div3A = vector.broadcast %max3A_12 : vector<400x1xf32> to vector<400x128xf32>
    %div3A_19 = arith.divf %get3A_18, %div3A : vector<400x128xf32>
    %get3A_20 = arith.constant 0 : index
    %get3A_21 = arith.constant 0 : index
    %get3A_22 = arith.constant 0 : index
    %get3A_23 = vector.load %arg3[%get3A_20, %get3A_21, %get3A_22] : memref<1x128x128xf32, #tpu.memory_space<vmem>>, vector<1x128x128xf32>
    %get3A_24 = vector.shape_cast %get3A_23 : vector<1x128x128xf32> to vector<128x128xf32>
    %dot_general3A = arith.constant dense<0.000000e+00> : vector<400x128xf32>
    %dot_general3A_25 = tpu.matmul %div3A_19, %get3A_24, %dot_general3A {dimension_numbers = #tpu.dot_dimension_numbers<[1], [0], [0], [1], [0, 0, 1, 1], [], []>, transpose_lhs_hint = false} : vector<400x128xf32>, vector<128x128xf32>, vector<400x128xf32> -> vector<400x128xf32>
    %get3A_26 = arith.constant 0 : index
    %get3A_27 = arith.constant 0 : index
    %get3A_28 = arith.constant 0 : index
    %get3A_29 = vector.load %arg4[%get3A_26, %get3A_27, %get3A_28] : memref<1x1x128xf32, #tpu.memory_space<vmem>>, vector<1x1x128xf32>
    %get3A_30 = vector.shape_cast %get3A_29 : vector<1x1x128xf32> to vector<1x128xf32>
    %add3A = vector.broadcast %get3A_30 : vector<1x128xf32> to vector<400x128xf32>
    %add3A_31 = arith.addf %dot_general3A_25, %add3A : vector<400x128xf32>
    %max3A_32 = arith.constant 0.000000e+00 : f32
    %max3A_33 = vector.broadcast %max3A_32 : f32 to vector<400x128xf32>
    %max3A_34 = arith.maximumf %add3A_31, %max3A_33 : vector<400x128xf32>
    %get3A_35 = arith.constant 0 : index
    %get3A_36 = arith.constant 0 : index
    %get3A_37 = arith.constant 0 : index
    %get3A_38 = vector.load %arg5[%get3A_35, %get3A_36, %get3A_37] : memref<1x128x64xf32, #tpu.memory_space<vmem>>, vector<1x128x64xf32>
    %get3A_39 = vector.shape_cast %get3A_38 : vector<1x128x64xf32> to vector<128x64xf32>
    %dot_general3A_40 = arith.constant dense<0.000000e+00> : vector<400x64xf32>
    %dot_general3A_41 = tpu.matmul %max3A_34, %get3A_39, %dot_general3A_40 {dimension_numbers = #tpu.dot_dimension_numbers<[1], [0], [0], [1], [0, 0, 1, 1], [], []>, transpose_lhs_hint = false} : vector<400x128xf32>, vector<128x64xf32>, vector<400x64xf32> -> vector<400x64xf32>
    %get3A_42 = arith.constant 0 : index
    %get3A_43 = arith.constant 0 : index
    %get3A_44 = arith.constant 0 : index
    %get3A_45 = vector.load %arg6[%get3A_42, %get3A_43, %get3A_44] : memref<1x1x64xf32, #tpu.memory_space<vmem>>, vector<1x1x64xf32>
    %get3A_46 = vector.shape_cast %get3A_45 : vector<1x1x64xf32> to vector<1x64xf32>
    %add3A_47 = vector.broadcast %get3A_46 : vector<1x64xf32> to vector<400x64xf32>
    %add3A_48 = arith.addf %dot_general3A_41, %add3A_47 : vector<400x64xf32>
    %get3A_49 = arith.constant 0 : index
    %get3A_50 = arith.constant 0 : index
    %get3A_51 = arith.constant 0 : index
    %get3A_52 = vector.load %arg7[%get3A_49, %get3A_50, %get3A_51] : memref<1x128x64xf32, #tpu.memory_space<vmem>>, vector<1x128x64xf32>
    %get3A_53 = vector.shape_cast %get3A_52 : vector<1x128x64xf32> to vector<128x64xf32>
    %dot_general3A_54 = arith.constant dense<0.000000e+00> : vector<400x64xf32>
    %dot_general3A_55 = tpu.matmul %max3A_34, %get3A_53, %dot_general3A_54 {dimension_numbers = #tpu.dot_dimension_numbers<[1], [0], [0], [1], [0, 0, 1, 1], [], []>, transpose_lhs_hint = false} : vector<400x128xf32>, vector<128x64xf32>, vector<400x64xf32> -> vector<400x64xf32>
    %get3A_56 = arith.constant 0 : index
    %get3A_57 = arith.constant 0 : index
    %get3A_58 = arith.constant 0 : index
    %get3A_59 = vector.load %arg8[%get3A_56, %get3A_57, %get3A_58] : memref<1x1x64xf32, #tpu.memory_space<vmem>>, vector<1x1x64xf32>
    %get3A_60 = vector.shape_cast %get3A_59 : vector<1x1x64xf32> to vector<1x64xf32>
    %add3A_61 = vector.broadcast %get3A_60 : vector<1x64xf32> to vector<400x64xf32>
    %add3A_62 = arith.addf %dot_general3A_55, %add3A_61 : vector<400x64xf32>
    %get3A_63 = arith.constant 0 : index
    %get3A_64 = arith.constant 0 : index
    %get3A_65 = arith.constant 0 : index
    %get3A_66 = vector.load %arg9[%get3A_63, %get3A_64, %get3A_65] : memref<1x64x128xf32, #tpu.memory_space<vmem>>, vector<1x64x128xf32>
    %get3A_67 = vector.shape_cast %get3A_66 : vector<1x64x128xf32> to vector<64x128xf32>
    %dot_general3A_68 = arith.constant dense<0.000000e+00> : vector<400x128xf32>
    %dot_general3A_69 = tpu.matmul %add3A_48, %get3A_67, %dot_general3A_68 {dimension_numbers = #tpu.dot_dimension_numbers<[1], [0], [0], [1], [0, 0, 1, 1], [], []>, transpose_lhs_hint = false} : vector<400x64xf32>, vector<64x128xf32>, vector<400x128xf32> -> vector<400x128xf32>
    %get3A_70 = arith.constant 0 : index
    %get3A_71 = arith.constant 0 : index
    %get3A_72 = arith.constant 0 : index
    %get3A_73 = vector.load %arg10[%get3A_70, %get3A_71, %get3A_72] : memref<1x64x128xf32, #tpu.memory_space<vmem>>, vector<1x64x128xf32>
    %get3A_74 = vector.shape_cast %get3A_73 : vector<1x64x128xf32> to vector<64x128xf32>
    %dot_general3A_75 = arith.constant dense<0.000000e+00> : vector<400x128xf32>
    %dot_general3A_76 = tpu.matmul %add3A_62, %get3A_74, %dot_general3A_75 {dimension_numbers = #tpu.dot_dimension_numbers<[1], [0], [0], [1], [0, 0, 1, 1], [], []>, transpose_lhs_hint = false} : vector<400x64xf32>, vector<64x128xf32>, vector<400x128xf32> -> vector<400x128xf32>
    %add3A_77 = arith.addf %dot_general3A_69, %dot_general3A_76 : vector<400x128xf32>
    %get3A_78 = arith.constant 0 : index
    %get3A_79 = arith.constant 0 : index
    %get3A_80 = arith.constant 0 : index
    %get3A_81 = vector.load %arg11[%get3A_78, %get3A_79, %get3A_80] : memref<1x1x128xf32, #tpu.memory_space<vmem>>, vector<1x1x128xf32>
    %get3A_82 = vector.shape_cast %get3A_81 : vector<1x1x128xf32> to vector<1x128xf32>
    %add3A_83 = vector.broadcast %get3A_82 : vector<1x128xf32> to vector<400x128xf32>
    %add3A_84 = arith.addf %add3A_77, %add3A_83 : vector<400x128xf32>
    %max3A_85 = arith.constant 0.000000e+00 : f32
    %max3A_86 = vector.broadcast %max3A_85 : f32 to vector<400x128xf32>
    %max3A_87 = arith.maximumf %add3A_84, %max3A_86 : vector<400x128xf32>
    %get3A_88 = arith.constant 0 : index
    %get3A_89 = arith.constant 0 : index
    %get3A_90 = arith.constant 0 : index
    %get3A_91 = vector.load %arg12[%get3A_88, %get3A_89, %get3A_90] : memref<1x128x128xf32, #tpu.memory_space<vmem>>, vector<1x128x128xf32>
    %get3A_92 = vector.shape_cast %get3A_91 : vector<1x128x128xf32> to vector<128x128xf32>
    %dot_general3A_93 = arith.constant dense<0.000000e+00> : vector<400x128xf32>
    %dot_general3A_94 = tpu.matmul %max3A_87, %get3A_92, %dot_general3A_93 {dimension_numbers = #tpu.dot_dimension_numbers<[1], [0], [0], [1], [0, 0, 1, 1], [], []>, transpose_lhs_hint = false} : vector<400x128xf32>, vector<128x128xf32>, vector<400x128xf32> -> vector<400x128xf32>
    %get3A_95 = arith.constant 0 : index
    %get3A_96 = arith.constant 0 : index
    %get3A_97 = arith.constant 0 : index
    %get3A_98 = vector.load %arg13[%get3A_95, %get3A_96, %get3A_97] : memref<1x1x128xf32, #tpu.memory_space<vmem>>, vector<1x1x128xf32>
    %get3A_99 = vector.shape_cast %get3A_98 : vector<1x1x128xf32> to vector<1x128xf32>
    %add3A_100 = vector.broadcast %get3A_99 : vector<1x128xf32> to vector<400x128xf32>
    %add3A_101 = arith.addf %dot_general3A_94, %add3A_100 : vector<400x128xf32>
    %max3A_102 = arith.constant 0.000000e+00 : f32
    %max3A_103 = vector.broadcast %max3A_102 : f32 to vector<400x128xf32>
    %max3A_104 = arith.maximumf %add3A_101, %max3A_103 : vector<400x128xf32>
    %get3A_105 = arith.constant 0 : index
    %get3A_106 = arith.constant 0 : index
    %get3A_107 = arith.constant 0 : index
    %get3A_108 = vector.load %arg14[%get3A_105, %get3A_106, %get3A_107] : memref<1x128x128xf32, #tpu.memory_space<vmem>>, vector<1x128x128xf32>
    %get3A_109 = vector.shape_cast %get3A_108 : vector<1x128x128xf32> to vector<128x128xf32>
    %dot_general3A_110 = arith.constant dense<0.000000e+00> : vector<400x128xf32>
    %dot_general3A_111 = tpu.matmul %max3A_104, %get3A_109, %dot_general3A_110 {dimension_numbers = #tpu.dot_dimension_numbers<[1], [0], [0], [1], [0, 0, 1, 1], [], []>, transpose_lhs_hint = false} : vector<400x128xf32>, vector<128x128xf32>, vector<400x128xf32> -> vector<400x128xf32>
    %get3A_112 = arith.constant 0 : index
    %get3A_113 = arith.constant 0 : index
    %get3A_114 = arith.constant 0 : index
    %get3A_115 = vector.load %arg15[%get3A_112, %get3A_113, %get3A_114] : memref<1x1x128xf32, #tpu.memory_space<vmem>>, vector<1x1x128xf32>
    %get3A_116 = vector.shape_cast %get3A_115 : vector<1x1x128xf32> to vector<1x128xf32>
    %add3A_117 = vector.broadcast %get3A_116 : vector<1x128xf32> to vector<400x128xf32>
    %add3A_118 = arith.addf %dot_general3A_111, %add3A_117 : vector<400x128xf32>
    %swap3A = arith.constant 0 : index
    %swap3A_119 = arith.constant 0 : index
    %swap3A_120 = arith.constant 0 : index
    %swap3A_121 = vector.load %arg16[%swap3A, %swap3A_119, %swap3A_120] : memref<1x400x64xf32, #tpu.memory_space<vmem>>, vector<1x400x64xf32>
    %swap3A_122 = vector.shape_cast %swap3A_121 : vector<1x400x64xf32> to vector<400x64xf32>
    %swap3A_123 = vector.shape_cast %add3A_48 : vector<400x64xf32> to vector<1x400x64xf32>
    tpu.vector_store %arg16[%swap3A, %swap3A_119, %swap3A_120], %swap3A_123 {strides = array<i32>} : memref<1x400x64xf32, #tpu.memory_space<vmem>>, vector<1x400x64xf32>,
    %swap3A_124 = arith.constant 0 : index
    %swap3A_125 = arith.constant 0 : index
    %swap3A_126 = arith.constant 0 : index
    %swap3A_127 = vector.load %arg17[%swap3A_124, %swap3A_125, %swap3A_126] : memref<1x400x64xf32, #tpu.memory_space<vmem>>, vector<1x400x64xf32>
    %swap3A_128 = vector.shape_cast %swap3A_127 : vector<1x400x64xf32> to vector<400x64xf32>
    %swap3A_129 = vector.shape_cast %add3A_62 : vector<400x64xf32> to vector<1x400x64xf32>
    tpu.vector_store %arg17[%swap3A_124, %swap3A_125, %swap3A_126], %swap3A_129 {strides = array<i32>} : memref<1x400x64xf32, #tpu.memory_space<vmem>>, vector<1x400x64xf32>,
    %swap3A_130 = arith.constant 0 : index
    %swap3A_131 = arith.constant 0 : index
    %swap3A_132 = arith.constant 0 : index
    %swap3A_133 = vector.load %arg18[%swap3A_130, %swap3A_131, %swap3A_132] : memref<1x400x128xf32, #tpu.memory_space<vmem>>, vector<1x400x128xf32>
    %swap3A_134 = vector.shape_cast %swap3A_133 : vector<1x400x128xf32> to vector<400x128xf32>
    %swap3A_135 = vector.shape_cast %add3A_118 : vector<400x128xf32> to vector<1x400x128xf32>
    tpu.vector_store %arg18[%swap3A_130, %swap3A_131, %swap3A_132], %swap3A_135 {strides = array<i32>} : memref<1x400x128xf32, #tpu.memory_space<vmem>>, vector<1x400x128xf32>,
    return
  }
  func.func @transform_0(%arg0: i32, %arg1: i32) -> (i32, i32, i32, i32) {
    %c0_i32 = arith.constant 0 : i32
    %c0_i32_0 = arith.constant 0 : i32
    %c0_i32_1 = arith.constant 0 : i32
    return %arg0, %c0_i32, %arg1, %c0_i32_0 : i32, i32, i32, i32
  }
  func.func @transform_1(%arg0: i32, %arg1: i32) -> (i32, i32, i32) {
    %c0_i32 = arith.constant 0 : i32
    %c0_i32_0 = arith.constant 0 : i32
    %c0_i32_1 = arith.constant 0 : i32
    return %arg0, %c0_i32, %c0_i32_0 : i32, i32, i32
  }
  func.func @transform_2(%arg0: i32, %arg1: i32) -> (i32, i32, i32) {
    %c0_i32 = arith.constant 0 : i32
    %c0_i32_0 = arith.constant 0 : i32
    %c0_i32_1 = arith.constant 0 : i32
    return %arg0, %c0_i32, %c0_i32_0 : i32, i32, i32
  }
  func.func @transform_3(%arg0: i32, %arg1: i32) -> (i32, i32, i32) {
    %c0_i32 = arith.constant 0 : i32
    %c0_i32_0 = arith.constant 0 : i32
    %c0_i32_1 = arith.constant 0 : i32
    return %arg0, %c0_i32, %c0_i32_0 : i32, i32, i32
  }
  func.func @transform_4(%arg0: i32, %arg1: i32) -> (i32, i32, i32) {
    %c0_i32 = arith.constant 0 : i32
    %c0_i32_0 = arith.constant 0 : i32
    %c0_i32_1 = arith.constant 0 : i32
    return %arg0, %c0_i32, %c0_i32_0 : i32, i32, i32
  }
  func.func @transform_5(%arg0: i32, %arg1: i32) -> (i32, i32, i32) {
    %c0_i32 = arith.constant 0 : i32
    %c0_i32_0 = arith.constant 0 : i32
    %c0_i32_1 = arith.constant 0 : i32
    return %arg0, %c0_i32, %c0_i32_0 : i32, i32, i32
  }
  func.func @transform_6(%arg0: i32, %arg1: i32) -> (i32, i32, i32) {
    %c0_i32 = arith.constant 0 : i32
    %c0_i32_0 = arith.constant 0 : i32
    %c0_i32_1 = arith.constant 0 : i32
    return %arg0, %c0_i32, %c0_i32_0 : i32, i32, i32
  }
  func.func @transform_7(%arg0: i32, %arg1: i32) -> (i32, i32, i32) {
    %c0_i32 = arith.constant 0 : i32
    %c0_i32_0 = arith.constant 0 : i32
    %c0_i32_1 = arith.constant 0 : i32
    return %arg0, %c0_i32, %c0_i32_0 : i32, i32, i32
  }
  func.func @transform_8(%arg0: i32, %arg1: i32) -> (i32, i32, i32) {
    %c0_i32 = arith.constant 0 : i32
    %c0_i32_0 = arith.constant 0 : i32
    %c0_i32_1 = arith.constant 0 : i32
    return %arg0, %c0_i32, %c0_i32_0 : i32, i32, i32
  }
  func.func @transform_9(%arg0: i32, %arg1: i32) -> (i32, i32, i32) {
    %c0_i32 = arith.constant 0 : i32
    %c0_i32_0 = arith.constant 0 : i32
    %c0_i32_1 = arith.constant 0 : i32
    return %arg0, %c0_i32, %c0_i32_0 : i32, i32, i32
  }
  func.func @transform_10(%arg0: i32, %arg1: i32) -> (i32, i32, i32) {
    %c0_i32 = arith.constant 0 : i32
    %c0_i32_0 = arith.constant 0 : i32
    %c0_i32_1 = arith.constant 0 : i32
    return %arg0, %c0_i32, %c0_i32_0 : i32, i32, i32
  }
  func.func @transform_11(%arg0: i32, %arg1: i32) -> (i32, i32, i32) {
    %c0_i32 = arith.constant 0 : i32
    %c0_i32_0 = arith.constant 0 : i32
    %c0_i32_1 = arith.constant 0 : i32
    return %arg0, %c0_i32, %c0_i32_0 : i32, i32, i32
  }
  func.func @transform_12(%arg0: i32, %arg1: i32) -> (i32, i32, i32) {
    %c0_i32 = arith.constant 0 : i32
    %c0_i32_0 = arith.constant 0 : i32
    %c0_i32_1 = arith.constant 0 : i32
    return %arg0, %c0_i32, %c0_i32_0 : i32, i32, i32
  }
  func.func @transform_13(%arg0: i32, %arg1: i32) -> (i32, i32, i32) {
    %c0_i32 = arith.constant 0 : i32
    %c0_i32_0 = arith.constant 0 : i32
    %c0_i32_1 = arith.constant 0 : i32
    return %arg0, %c0_i32, %c0_i32_0 : i32, i32, i32
  }
  func.func @transform_14(%arg0: i32, %arg1: i32) -> (i32, i32, i32) {
    %c0_i32 = arith.constant 0 : i32
    %c0_i32_0 = arith.constant 0 : i32
    return %arg0, %arg1, %c0_i32 : i32, i32, i32
  }
  func.func @transform_15(%arg0: i32, %arg1: i32) -> (i32, i32, i32) {
    %c0_i32 = arith.constant 0 : i32
    %c0_i32_0 = arith.constant 0 : i32
    return %arg0, %arg1, %c0_i32 : i32, i32, i32
  }
  func.func @transform_16(%arg0: i32, %arg1: i32) -> (i32, i32, i32) {
    %c0_i32 = arith.constant 0 : i32
    %c0_i32_0 = arith.constant 0 : i32
    return %arg0, %arg1, %c0_i32 : i32, i32, i32
  }
}

</mosaic_0001>

<sc_bundles>
// kernel: kernel.4.cloned.1.call-start
scs
__scs_entry_jumppad:
0x0: {  	(pc) =	sbr.rel $0x88, $3  }
0x1: {  	(tag) =	ssettag $0x0;
	lr =	simm.s32 $0x1  }
0x2: {  	[smem:$0x3F93] =	sst lr;
	_ =	strace $0xD0000000  }
0x3: {  	_ = 	snop  }
0x4: {  	_ = 	snop  }
0x5: {  	_ = 	snop  }
0x6: {  	_ = 	snop  }
0x7: {  	_ = 	snop  }
__scs_overlays_trampoline_lowered:
0x8: {  	[smem:$0x3FA2] =	sst s0  }
0x9: {  	[smem:$0x3FA3] =	sst s1  }
0xa: {  	[smem:$0x3FA4] =	sst s2  }
0xb: {  	[smem:$0x3FA5] =	sst s3  }
0xc: {  	[smem:$0x3FA6] =	sst s4  }
0xd: {  	[smem:$0x3FA7] =	sst s5  }
0xe: {  	[smem:$0x3FA8] =	sst s6  }
0xf: {  	[smem:$0x3FA9] =	sst s7  }
0x10: {  	[smem:$0x3FAA] =	sst s8  }
0x11: {  	[smem:$0x3FAB] =	sst s9;
	s0 =	simm.s32 @!p0 $0x0  }
0x12: {  	s1 =	sld [smem:$0x3F91];
	s0 =	simm.s32 @p0 $0x1  }
0x13: {  	[smem:$0x3FAC] =	sst s0;
	s0 =	simm.s32 @!p1 $0x0  }
0x14: {  	s2 =	sld [smem:$0x3F90];
	s0 =	simm.s32 @p1 $0x1  }
0x15: {  	[smem:$0x3FAD] =	sst s0;
	s0 =	simm.s32 @!p2 $0x0  }
0x16: {  	s3 =	sld [smem:$0x3FDB];
	s0 =	simm.s32 @p2 $0x1  }
0x17: {  	s4 =	simm.s32 $0x1BF5;
	[smem:$0x3FAF] =	sst s0  }
0x18: {  	s0 =	sld [smem:$0x3F92];
	_ =	swait.ge [sflag:s4], $0x0  }
0x19: {  	s7 =	sld [smem:$0x3F93]  }
0x1a: {  	s8 =	sadd.s32 $0xFFFFE003, lr  }
0x1b: {  	s9 =	sadd.s32 $0xFFFFFEF7, lr;
	s5 =	simm.s32 $0xFFFFFFFF;
	p2 =	slt.u32 s8, $0xFFFFF086  }
0x1c: {  	p1 =	slt.u32 s9, $0xF7A;
	s5 =	simm.s32 @!p2 $0x0  }
0x1d: {  	s5 =	simm.s32 @p1 $0x1;
	p0 =	seq.s32 s7, s2  }
0x1e: {  	s7 =	smul.u32 @!p0 $0xF7A, s2;
	p2 =	seq.s32 @!p0 s5, $0x0  }
0x1f: {  	s9 =	smul.u32 $0xF7A, s1;
	s8 =	simm.s32 @!p0 $0x1BF5;
	p2 =	por !p2, p0  }
0x20: {  	[sflag:s8] =	ssyncset.s32 @!p0 $0xFFFFF086;
	s6 =	sadd.s32 @!p0 s3, s7;
	s7 =	simm.s32 @!p0 $0x108  }
0x21: {  	s3 =	sadd.s32 s3, s9;
	s6 =	sadd.s32 @!p0 $0x88, s6;
	s7 =	simm.s32 @p2 $0x1082  }
0x22: {  	[simem:s7], [sflag:s8] =	dma.local @!p0 [hbm:s6], $0xF7A  }
0x23: {  	s9 =	sor.u32 $0xD0000000, s2;
	s6 =	simm.s32 $0x108;
	_ =	swait.ge @!p0 [sflag:s8], $0x0  }
0x24: {  	s3 =	sadd.s32 $0x88, s3;
	s6 =	simm.s32 @!p1 $0x1082;
	[sflag:s4] =	ssyncset.s32 $0xFFFFF086  }
0x25: {  	[simem:s6], [sflag:s4] =	dma.local [hbm:s3], $0xF7A  }
0x26: {  	[smem:$0x3F93] =	sst s1;
	(tag) =	ssettag s2;
	_ =	strace s9  }
0x27: {  	s1 =	sld [smem:$0x3FA3]  }
0x28: {  	s2 =	sld [smem:$0x3FA4]  }
0x29: {  	s4 =	sld [smem:$0x3FA6]  }
0x2a: {  	p0 =	seq.s32 s5, $0x0;
	s5 =	sld [smem:$0x3FA7]  }
0x2b: {  	s6 =	sld [smem:$0x3FA8]  }
0x2c: {  	s7 =	sld [smem:$0x3FA9]  }
0x2d: {  	s3 =	simm.s32 $0x108;
	s8 =	sld [smem:$0x3FAA]  }
0x2e: {  	s3 =	simm.s32 @!p0 $0x1082;
	s9 =	sld [smem:$0x3FAB]  }
0x2f: {  	lr =	sadd.s32 s0, s3;
	s0 =	sld [smem:$0x3FA2]  }
0x30: {  	s3 =	sld [smem:$0x3FA5]  }
0x31: {  	[smem:$0x3FAE] =	sst s10  }
0x32: {  	s10 =	sld [smem:$0x3FAC];
	_ =	sdelay $0x3  }
0x33: {  	p0 =	seq.s32 s10, $0x1;
	s10 =	sld [smem:$0x3FAE];
	_ =	sdelay $0x3  }
0x34: {  	[smem:$0x3FAE] =	sst s10  }
0x35: {  	s10 =	sld [smem:$0x3FAD];
	_ =	sdelay $0x3  }
0x36: {  	p1 =	seq.s32 s10, $0x1;
	s10 =	sld [smem:$0x3FAE];
	_ =	sdelay $0x3  }
0x37: {  	[smem:$0x3FAE] =	sst s10  }
0x38: {  	s10 =	sld [smem:$0x3FAF]  }
0x39: {  	_ = 	snop;
	(pc) =	sbr.ind lr, $3  }
0x3a: {  	_ = 	snop  }
0x3b: {  	_ = 	snop  }
0x3c: {  	p2 =	seq.s32 s10, $0x1;
	s10 =	sld [smem:$0x3FAE]  }
0x3d: {  	_ =	shalt  }
0x3e: {  	_ =	shalt  }
0x3f: {  	_ =	shalt  }
0x40: {  	_ =	shalt  }
0x41: {  	_ =	shalt  }
0x42: {  	_ =	shalt  }
0x43: {  	_ =	shalt  }
0x44: {  	_ =	shalt  }
0x45: {  	_ =	shalt  }
0x46: {  	_ =	shalt  }
0x47: {  	_ =	shalt  }
0x48: {  	_ =	shalt  }
0x49: {  	_ =	shalt  }
0x4a: {  	_ =	shalt  }
0x4b: {  	_ =	shalt  }
0x4c: {  	_ =	shalt  }
0x4d: {  	_ =	shalt  }
0x4e: {  	_ =	shalt  }
0x4f: {  	_ =	shalt  }
0x50: {  	_ =	shalt  }
0x51: {  	_ =	shalt  }
0x52: {  	_ =	shalt  }
0x53: {  	_ =	shalt  }
0x54: {  	_ =	shalt  }
0x55: {  	_ =	shalt  }
0x56: {  	_ =	shalt  }
0x57: {  	_ =	shalt  }
0x58: {  	_ =	shalt  }
0x59: {  	_ =	shalt  }
0x5a: {  	_ =	shalt  }
0x5b: {  	_ =	shalt  }
0x5c: {  	_ =	shalt  }
0x5d: {  	_ =	shalt  }
0x5e: {  	_ =	shalt  }
0x5f: {  	_ =	shalt  }
0x60: {  	_ =	shalt  }
0x61: {  	_ =	shalt  }
0x62: {  	_ =	shalt  }
0x63: {  	_ =	shalt  }
0x64: {  	_ =	shalt  }
0x65: {  	_ =	shalt  }
0x66: {  	_ =	shalt  }
0x67: {  	_ =	shalt  }
0x68: {  	_ =	shalt  }
0x69: {  	_ =	shalt  }
0x6a: {  	_ =	shalt  }
0x6b: {  	_ =	shalt  }
0x6c: {  	_ =	shalt  }
0x6d: {  	_ =	shalt  }
0x6e: {  	_ =	shalt  }
0x6f: {  	_ =	shalt  }
0x70: {  	_ =	shalt  }
0x71: {  	_ =	shalt  }
0x72: {  	_ =	shalt  }
0x73: {  	_ =	shalt  }
0x74: {  	_ =	shalt  }
0x75: {  	_ =	shalt  }
0x76: {  	_ =	shalt  }
0x77: {  	_ =	shalt  }
0x78: {  	_ =	shalt  }
0x79: {  	_ =	shalt  }
0x7a: {  	_ =	shalt  }
0x7b: {  	_ =	shalt  }
0x7c: {  	_ =	shalt  }
0x7d: {  	_ =	shalt  }
0x7e: {  	_ =	shalt  }
0x7f: {  	_ =	shalt  }
0x80: {  	_ =	shalt  }
0x81: {  	_ =	shalt  }
0x82: {  	_ =	shalt  }
0x83: {  	_ =	shalt  }
0x84: {  	_ =	shalt  }
0x85: {  	_ =	shalt  }
0x86: {  	_ =	shalt  }
0x87: {  	_ =	shalt  }
.Lfunc_end0:
.L_simem_size_0:
called_computation_lowered:
.L_overlay_start_0:
0x88: {  	s2 =	sld [smem:$0x3FD9]  }
0x89: {  	s3 =	sld [smem:$0x3FFE];
	_ =	sdelay $0x1  }
0x8a: {  	s1 =	srdreg.scid  }
0x8b: {  	s0 =	sand.u32 $0x1, s1  }
0x8c: {  	s14 =	sshll.u32 s0, $0xA;
	s2 =	sadd.s32 s3, s2  }
0x8d: {  	s2 =	sadd.s32 s2, s14  }
0x8e: {  	[smem:$0x3FBA] =	sst s2  }
0x8f: {  	_ = 	snop  }
0x90: {  	s2 =	sld [smem:$0x3FD0];
	_ =	sdelay $0x2  }
0x91: {  	s4 =	simm.s32 $0xA;
	s5 =	simm.s32 $0x10;
	s15 =	sld [smem:$0x3FC9]  }
0x92: {  	[smem:s5], [sflag:s4] =	dma.local [hbm:s2], $0x1  }
0x93: {  	_ =	swait.eq [sflag:s4], $0x1  }
0x94: {  	s16 =	sld [smem:$0x10];
	[sflag:s4] =	ssyncset.done $0x0  }
0x95: {  	s17 =	sld [smem:$0x11];
	[sflag:s4] =	ssyncadd.s32 $0xFFFFFFFF  }
0x96: {  	s18 =	sld [smem:$0x12];
	(tm) =	ssettm $0x1  }
0x97: {  	s6 =	sld [smem:$0x3FFB];
	_ =	sdelay $0x3  }
0x98: {  	_ =	strace s6  }
0x99: {  	s6 =	sld [smem:$0x3FFC];
	_ =	sdelay $0x3  }
0x9a: {  	_ =	strace s6  }
0x9b: {  	s6 =	sld [smem:$0x3FFD];
	_ =	sdelay $0x3  }
0x9c: {  	_ =	strace s6  }
0x9d: {  	_ =	strace $0x8FFFFFFF  }
0x9e: {  	s19 =	sld [smem:$0x3FDB];
	_ =	sdelay $0x1  }
0x9f: {  	s7 =	simm.s32 $_scs_section_size  }
0xa0: {  	s8 =	simm.s32 $_size__tile_overlayer_lowered;
	s9 =	simm.s32 $_tile_overlayer_lowered  }
0xa1: {  	s22 =	simm.s32 $0x1BFF;
	s21 =	sshll.u32 s9, $0x1;
	s6 =	sadd.s32 s7, s19  }
0xa2: {  	s10 =	simm.s32 $0x0;
	s20 =	sshll.u32 s8, $0x1;
	s8 =	sadd.s32 s21, s6  }
0xa3: {  	[timem:s10], [sflag:s22] =	dma.local [hbm:s8], s20  }
0xa4: {  	_ =	swait.ge [sflag:s22], s20  }
0xa5: {  	s7 =	ssub.s32 $0x0, s20;
	[sflag:s22] =	ssyncset.done $0x0  }
0xa6: {  	[sflag:s22] =	ssyncadd.s32 s7;
	_ =	sdelay $0x1  }
0xa7: {  	s23 =	simm.s32 $0x1B8B  }
0xa8: {  	_ =	swait.ge [sflag:s23], $0x1  }
0xa9: {  	[sflag:s23] =	ssyncset.done $0x0  }
0xaa: {  	s25 =	simm.s32 $0x1B8E;
	s24 =	sld [smem:$0x3FFE];
	[sflag:s23] =	ssyncadd.s32 $0xFFFFFFFF  }
0xab: {  	s26 =	simm.s32 $execute0_lowered;
	[smem:$0x3FD2] =	sst s25  }
0xac: {  	s8 =	sshll.u32 s26, $0x1;
	_ =	strace $0x80000046;
	[dreg:$0x1] =	wrdreg $0xFFFFFFFF  }
0xad: {  	s28 =	simm.s32 $_size_execute0_lowered;
	s6 =	sadd.s32 s6, s8;
	[dreg:$0x0] =	wrdreg $0x0  }
0xae: {  	s8 =	sshll.u32 s28, $0x1;
	[dreg:$0x2] =	wrdreg s6  }
0xaf: {  	[dreg:$0x3] =	wrdreg s8  }
0xb0: {  	[dreg:$0x4] =	wrdreg $0xC0  }
0xb1: {  	_ =	task [dreg:s10], $0x5FFFF  }
0xb2: {  	[dreg:$0x1] =	wrdreg $0xFFFFFFFF  }
0xb3: {  	[dreg:$0x0] =	wrdreg $0x60  }
0xb4: {  	[dreg:$0x2] =	wrdreg s15  }
0xb5: {  	[dreg:$0x3] =	wrdreg s17  }
0xb6: {  	[dreg:$0x4] =	wrdreg s16  }
0xb7: {  	[dreg:$0x5] =	wrdreg s18  }
0xb8: {  	[dreg:$0x6] =	wrdreg s24  }
0xb9: {  	[dreg:$0x7] =	wrdreg $0x88000  }
0xba: {  	[dreg:$0x8] =	wrdreg $0x9  }
0xbb: {  	_ =	task.clear_ibuf [dreg:s10], $0x9FFFF;
	_ =	strace $0x90000046  }
0xbc: {  	s29 =	simm.s32 $0x9;
	_ =	strace $0x80000048  }
0xbd: {  	_ =	swait.ge [sflag:s29], $0x1  }
0xbe: {  	[sflag:s29] =	ssyncadd.s32 $0xFFFFFFFF  }
0xbf: {  	_ =	strace $0x90000048  }
0xc0: {  	_ =	sfence  }
0xc1: {  	s30 =	sld [smem:$0x0];
	_ =	sdelay $0x2  }
0xc2: {  	s31 =	sshll.u32 s1, $0xD;
	s1 =	sshrl.u32 s1, $0x2  }
0xc3: {  	s3 =	sand.u32 $0x4000, s31;
	s1 =	sadd.s32 s1, s30  }
0xc4: {  	s0 =	sor.u32 s3, s0;
	s1 =	sshll.u32 s1, $0x11  }
0xc5: {  	s0 =	sor.u32 s1, s0  }
0xc6: {  	s0 =	sadd.s32 $0x8F2B, s0  }
0xc7: {  	[sflag:s0] =	ssyncadd.remote.s32 $0x1  }
0xc8: {  	_ =	sfence.sel $0xFFFF  }
0xc9: {  	[dreg:$0x0] =	wrdreg $0xFFFFFFFF;
	(pc) =	sbr.abs _section_cstart, $3  }
0xca: {  	[dreg:$0x1] =	wrdreg $0xFFFFFFFF  }
0xcb: {  	_ =	task.clear_ibuf [dreg:s10], $0x2FFFF;
	_ =	strace $0x9FFFFFFF  }
0xcc: {  	(tm) =	ssettm $0x7FFFFFFF  }
0xcd: {  	_ =	shalt  }
tec
execute0_lowered:
.L_overlay_start_1:
0x0: {  	(tag) =	ssettag $0x1  }
0x1: {  	s1 =	rddreg [dreg:$0x0]  }
0x2: {  	s0 =	rddreg [dreg:$0x1]  }
0x3: {  	s2 =	rddreg [dreg:$0x2]  }
0x4: {  	s4 =	rddreg [dreg:$0x4]  }
0x5: {  	s3 =	rddreg [dreg:$0x5];
	s5 =	simm.s32 $0x0;
	s6 =	srdreg.scid  }
0x6: {  	s13 =	stileid.u32;
	s31 =	simm.s32 $0x800;
	s28 =	simm.s32 $0x4  }
0x7: {  	s29 =	simm.s32 $0x580;
	s30 =	simm.s32 $0x200;
	s7 =	smul.u32 $0x4F000, s13  }
0x8: {  	[smem:$0x7FF] =	sst s5;
	s6 =	sand.u32 $0x1, s6;
	s9 =	smul.u32 $0x13C00, s13  }
0x9: {  	s8 =	sadd.s32 $0x1800, s4;
	s4 =	sadd.s32 $0x2000, s4;
	s13 =	smul.u32 $0x5000, s13  }
0xa: {  	_ =	strace $0x80000047;
	s23 =	ssub.s32 $0x2, s6;
	s11 =	smul.u32 $0x50000, s6  }
0xb: {  	[dreg:$0x8] =	wrdreg s8;
	s6 =	smul.u32 $0x278000, s6;
	s10 =	sshrl.u32 s23, $0x1  }
0xc: {  	s7 =	sshrl.u32 s7, $0x2;
	s24 =	sadd.s32 $0x3000, s9;
	s25 =	sadd.s32 $0x6000, s9  }
0xd: {  	s16 =	sadd.s32 $0x9000, s9;
	s26 =	sadd.s32 $0xC000, s9;
	s15 =	sadd.s32 $0xF000, s9  }
0xe: {  	s8 =	ssub.s32 s23, s10;
	s12 =	sadd.s32 s7, s3;
	s17 =	sadd.s32 s24, s3  }
0xf: {  	s14 =	sadd.s32 s25, s3;
	s19 =	sadd.s32 s16, s3;
	s18 =	sadd.s32 s26, s3  }
0x10: {  	s11 =	sadd.s32 s13, s11;
	s7 =	sadd.s32 s6, s24;
	[dreg:$0xb] =	wrdreg s14  }
0x11: {  	s10 =	sadd.s32 s6, s25;
	s16 =	sadd.s32 s6, s16;
	[dreg:$0xc] =	wrdreg s19  }
0x12: {  	[dreg:$0xd] =	wrdreg s18;
	s18 =	sadd.s32 s15, s3;
	s19 =	sadd.s32 $0x12000, s9  }
0x13: {  	s9 =	sadd.s32 s9, s6;
	s14 =	sadd.s32 s6, s26;
	s15 =	sadd.s32 s6, s15  }
0x14: {  	s7 =	sshrl.u32 s7, $0x3;
	s23 =	sshrl.u32 s10, $0x3;
	s24 =	sshrl.u32 s16, $0x3  }
0x15: {  	s16 =	sshrl.u32 s11, $0x3;
	s11 =	smov.u32 s17;
	[dreg:$0x9] =	wrdreg s12  }
0x16: {  	s17 =	simm.s32 $0x600;
	[dreg:$0xe] =	wrdreg s18;
	s6 =	sadd.s32 s6, s19  }
0x17: {  	s13 =	sadd.s32 s19, s3;
	s21 =	sadd.s32 s4, s7;
	[dreg:$0xa] =	wrdreg s11  }
0x18: {  	s9 =	sshrl.u32 s9, $0x3;
	s0 =	sadd.s32 s16, s0;
	[dreg:$0x11] =	wrdreg s21  }
0x19: {  	s10 =	sadd.s32 s4, s23;
	s25 =	sshrl.u32 s14, $0x3;
	[dreg:$0x7] =	wrdreg s0  }
0x1a: {  	s26 =	sadd.s32 s4, s24;
	s15 =	sshrl.u32 s15, $0x3;
	[dreg:$0x12] =	wrdreg s10  }
0x1b: {  	s22 =	sadd.s32 s16, s2;
	s2 =	simm.s32 $0x7D;
	[dreg:$0x13] =	wrdreg s26  }
0x1c: {  	s14 =	simm.s32 $0x480;
	s20 =	sadd.s32 s4, s9;
	[dreg:$0xf] =	wrdreg s13  }
0x1d: {  	s16 =	simm.s32 $0x180;
	s19 =	sadd.s32 $0x27800, s21;
	[dreg:$0x10] =	wrdreg s20  }
0x1e: {  	s7 =	simm.s32 $0x700;
	s21 =	smax.u32 s8, $0x1;
	[dreg:$0x18] =	wrdreg s19  }
0x1f: {  	s9 =	sadd.s32 s4, s25;
	s23 =	sadd.s32 $0x27800, s26;
	[dreg:$0x1a] =	wrdreg s21  }
0x20: {  	s15 =	sadd.s32 s4, s15;
	s6 =	sshrl.u32 s6, $0x3;
	[dreg:$0x1b] =	wrdreg s23  }
0x21: {  	s0 =	simm.s32 $0x5;
	s8 =	simm.s32 $0x380;
	[dreg:$0x14] =	wrdreg s9  }
0x22: {  	s4 =	sadd.s32 s4, s6;
	s18 =	sadd.s32 $0x27800, s20;
	[dreg:$0x15] =	wrdreg s15  }
0x23: {  	s20 =	sadd.s32 $0x27800, s10;
	s24 =	sadd.s32 $0x27800, s9;
	[dreg:$0x17] =	wrdreg s18  }
0x24: {  	s25 =	sadd.s32 $0x27800, s15;
	s6 =	simm.s32 $0x1;
	[dreg:$0x19] =	wrdreg s20  }
0x25: {  	s21 =	simm.s32 $0x80;
	s23 =	simm.s32 $0x4800;
	[dreg:$0x1c] =	wrdreg s24  }
0x26: {  	s15 =	simm.s32 $0x100;
	s19 =	simm.s32 $0x680;
	[dreg:$0x1d] =	wrdreg s25  }
0x27: {  	s9 =	simm.s32 $0x780;
	s10 =	simm.s32 $0x0;
	[dreg:$0x16] =	wrdreg s4  }
0x28: {  	s26 =	sadd.s32 $0x27800, s4;
	s4 =	simm.s32 $0x400;
	s24 =	simm.s32 $0x2  }
0x29: {  	s25 =	simm.s32 $0x3;
	s18 =	simm.s32 $0x280;
	[dreg:$0x1f] =	wrdreg s10  }
0x2a: {  	s20 =	simm.s32 $0x300;
	[dreg:$0x1e] =	wrdreg s26;
	s26 =	simm.s32 $0x500  }
.LBB2_1:
0x2b: {  	s10 =	rddreg [dreg:$0x3]  }
0x2c: {  	[tilespmem:s31], [sflag:$0x5] =	stream.linear.gather [hbm4b:s10+s5], $0x3E80, $0x38;
	[tilespmem:$0x1C400] =	vst v63  }
0x2d: {  	_ =	swait.ge [sflag:s0], $0x3E80  }
0x2e: {  	[sflag:s0] =	ssyncset.done $0x0  }
0x2f: {  	[sflag:s0] =	ssyncadd.s32 $0xFFFFC180  }
0x30: {  	[spmem:s12] =	stream.linear.scatter [tilespmem:s31], [sflag:$0x5], $0x3000, $0x38;
	[tilespmem:$0x1C400] =	vst v63  }
0x31: {  	_ =	swait.ge [sflag:s0], $0x3000  }
0x32: {  	[sflag:s0] =	ssyncset.done $0x0  }
0x33: {  	[sflag:s0] =	ssyncadd.s32 $0xFFFFD000  }
0x34: {  	[spmem:s11] =	stream.linear.scatter [tilespmem:s31], [sflag:$0x5], $0x3000, $0x38;
	[tilespmem:$0x1C400] =	vst v63  }
0x35: {  	_ =	swait.ge [sflag:s0], $0x3000  }
0x36: {  	[sflag:s0] =	ssyncset.done $0x0  }
0x37: {  	s11 =	rddreg [dreg:$0xb];
	[sflag:s0] =	ssyncadd.s32 $0xFFFFD000  }
0x38: {  	[spmem:s11] =	stream.linear.scatter [tilespmem:s31], [sflag:$0x5], $0x3000, $0x38;
	[tilespmem:$0x1C400] =	vst v63  }
0x39: {  	_ =	swait.ge [sflag:s0], $0x3000  }
0x3a: {  	[sflag:s0] =	ssyncset.done $0x0  }
0x3b: {  	s11 =	rddreg [dreg:$0xc];
	[sflag:s0] =	ssyncadd.s32 $0xFFFFD000  }
0x3c: {  	[spmem:s11] =	stream.linear.scatter [tilespmem:s31], [sflag:$0x5], $0x3000, $0x38;
	[tilespmem:$0x1C400] =	vst v63  }
0x3d: {  	_ =	swait.ge [sflag:s0], $0x3000  }
0x3e: {  	[sflag:s0] =	ssyncset.done $0x0  }
0x3f: {  	s11 =	rddreg [dreg:$0xd];
	[sflag:s0] =	ssyncadd.s32 $0xFFFFD000  }
0x40: {  	[spmem:s11] =	stream.linear.scatter [tilespmem:s31], [sflag:$0x5], $0x3000, $0x38;
	[tilespmem:$0x1C400] =	vst v63  }
0x41: {  	_ =	swait.ge [sflag:s0], $0x3000  }
0x42: {  	[sflag:s0] =	ssyncset.done $0x0  }
0x43: {  	s11 =	rddreg [dreg:$0xe];
	[sflag:s0] =	ssyncadd.s32 $0xFFFFD000  }
0x44: {  	[spmem:s11] =	stream.linear.scatter [tilespmem:s31], [sflag:$0x5], $0x3000, $0x38;
	[tilespmem:$0x1C400] =	vst v63  }
0x45: {  	_ =	swait.ge [sflag:s0], $0x3000  }
0x46: {  	[sflag:s0] =	ssyncset.done $0x0  }
0x47: {  	[sflag:s0] =	ssyncadd.s32 $0xFFFFD000  }
0x48: {  	[spmem:s13] =	stream.linear.scatter [tilespmem:s31], [sflag:$0x5], $0x1C00, $0x38;
	[tilespmem:$0x1C400] =	vst v63  }
0x49: {  	_ =	swait.ge [sflag:s0], $0x1C00  }
0x4a: {  	[sflag:s0] =	ssyncset.done $0x0  }
0x4b: {  	[sflag:s0] =	ssyncadd.s32 $0xFFFFE400  }
0x4c: {  	[bflag:$0x0] =	sbarrier.arrive $0xFFFF  }
0x4d: {  	s10 =	rddreg [dreg:$0x7]  }
0x4e: {  	s11 =	sadd.s32 $0x0, s10  }
0x4f: {  	[tilespmem:s5], [sflag:$0x5] =	stream.linear.gather [hbm4b:s11+s5], $0x400, $0x38;
	[tilespmem:$0x1C400] =	vst v63  }
0x50: {  	_ =	swait.ge [sflag:s0], $0x400  }
0x51: {  	[sflag:s0] =	ssyncset.done $0x0  }
0x52: {  	s13 =	sadd.s32 $0x0, s22;
	[sflag:s0] =	ssyncadd.s32 $0xFFFFFC00  }
0x53: {  	[tilespmem:s4], [sflag:$0x5] =	stream.linear.gather [hbm4b:s13+s5], $0x400, $0x38;
	[tilespmem:$0x1C400] =	vst v63  }
0x54: {  	_ =	swait.ge [sflag:s0], $0x400  }
0x55: {  	[sflag:s0] =	ssyncset.done $0x0  }
0x56: {  	[sflag:s0] =	ssyncadd.s32 $0xFFFFFC00  }
0x57: {  	[tilespmem:s31], [sflag:$0x1] =	stream.indirect.gather [hbm4b:s1+s2], $0x80, s5, s2, $0xb8;
	[tilespmem:$0x1C400] =	vst v63  }
0x58: {  	_ =	swait.ge [sflag:s6], $0x3E80  }
0x59: {  	[sflag:s6] =	ssyncset.done $0x0  }
0x5a: {  	[sflag:s6] =	ssyncadd.s32 $0xFFFFC180  }
0x5b: {  	[spmem:s3] =	stream.indirect.scatter.add.f32 [tilespmem:s31], [sflag:$0x3], $0x80, s4, s2, $0xb8;
	[tilespmem:$0x1C400] =	vst v63  }
0x5c: {  	_ = 	snop  }
0x5d: {  	[tilespmem:s23], [sflag:$0x2] =	stream.indirect.gather [hbm4b:s1+s2], $0x80, s21, s2, $0xb8;
	[tilespmem:$0x1C400] =	vst v63  }
0x5e: {  	_ =	swait.ge [sflag:s24], $0x3E80  }
0x5f: {  	[sflag:s24] =	ssyncset.done $0x0  }
0x60: {  	[sflag:s24] =	ssyncadd.s32 $0xFFFFC180  }
0x61: {  	[spmem:s3] =	stream.indirect.scatter.add.f32 [tilespmem:s23], [sflag:$0x4], $0x80, s14, s2, $0xb8;
	[tilespmem:$0x1C400] =	vst v63  }
0x62: {  	_ =	swait.ge [sflag:s25], $0x3E80  }
0x63: {  	[sflag:s25] =	ssyncset.done $0x0  }
0x64: {  	[sflag:s25] =	ssyncadd.s32 $0xFFFFC180  }
0x65: {  	[tilespmem:s31], [sflag:$0x1] =	stream.indirect.gather [hbm4b:s1+s2], $0x80, s15, s2, $0xb8;
	[tilespmem:$0x1C400] =	vst v63  }
0x66: {  	_ =	swait.ge [sflag:s6], $0x3E80  }
0x67: {  	[sflag:s6] =	ssyncset.done $0x0  }
0x68: {  	[sflag:s6] =	ssyncadd.s32 $0xFFFFC180  }
0x69: {  	[spmem:s3] =	stream.indirect.scatter.add.f32 [tilespmem:s31], [sflag:$0x3], $0x80, s26, s2, $0xb8;
	[tilespmem:$0x1C400] =	vst v63  }
0x6a: {  	_ =	swait.ge [sflag:s28], $0x3E80  }
0x6b: {  	[sflag:s28] =	ssyncset.done $0x0  }
0x6c: {  	[sflag:s28] =	ssyncadd.s32 $0xFFFFC180  }
0x6d: {  	[tilespmem:s23], [sflag:$0x2] =	stream.indirect.gather [hbm4b:s1+s2], $0x80, s16, s2, $0xb8;
	[tilespmem:$0x1C400] =	vst v63  }
0x6e: {  	_ =	swait.ge [sflag:s24], $0x3E80  }
0x6f: {  	[sflag:s24] =	ssyncset.done $0x0  }
0x70: {  	[sflag:s24] =	ssyncadd.s32 $0xFFFFC180  }
0x71: {  	[spmem:s3] =	stream.indirect.scatter.add.f32 [tilespmem:s23], [sflag:$0x4], $0x80, s29, s2, $0xb8;
	[tilespmem:$0x1C400] =	vst v63  }
0x72: {  	_ =	swait.ge [sflag:s25], $0x3E80  }
0x73: {  	[sflag:s25] =	ssyncset.done $0x0  }
0x74: {  	[sflag:s25] =	ssyncadd.s32 $0xFFFFC180  }
0x75: {  	[tilespmem:s31], [sflag:$0x1] =	stream.indirect.gather [hbm4b:s1+s2], $0x80, s30, s2, $0xb8;
	[tilespmem:$0x1C400] =	vst v63  }
0x76: {  	_ =	swait.ge [sflag:s6], $0x3E80  }
0x77: {  	[sflag:s6] =	ssyncset.done $0x0  }
0x78: {  	[sflag:s6] =	ssyncadd.s32 $0xFFFFC180  }
0x79: {  	[spmem:s3] =	stream.indirect.scatter.add.f32 [tilespmem:s31], [sflag:$0x3], $0x80, s17, s2, $0xb8;
	[tilespmem:$0x1C400] =	vst v63  }
0x7a: {  	_ =	swait.ge [sflag:s28], $0x3E80  }
0x7b: {  	[sflag:s28] =	ssyncset.done $0x0  }
0x7c: {  	[sflag:s28] =	ssyncadd.s32 $0xFFFFC180  }
0x7d: {  	[tilespmem:s23], [sflag:$0x2] =	stream.indirect.gather [hbm4b:s1+s2], $0x80, s18, s2, $0xb8;
	[tilespmem:$0x1C400] =	vst v63  }
0x7e: {  	_ =	swait.ge [sflag:s24], $0x3E80  }
0x7f: {  	[sflag:s24] =	ssyncset.done $0x0  }
0x80: {  	[sflag:s24] =	ssyncadd.s32 $0xFFFFC180  }
0x81: {  	[spmem:s3] =	stream.indirect.scatter.add.f32 [tilespmem:s23], [sflag:$0x4], $0x80, s19, s2, $0xb8;
	[tilespmem:$0x1C400] =	vst v63  }
0x82: {  	_ =	swait.ge [sflag:s25], $0x3E80  }
0x83: {  	[sflag:s25] =	ssyncset.done $0x0  }
0x84: {  	[sflag:s25] =	ssyncadd.s32 $0xFFFFC180  }
0x85: {  	[tilespmem:s31], [sflag:$0x1] =	stream.indirect.gather [hbm4b:s1+s2], $0x80, s20, s2, $0xb8;
	[tilespmem:$0x1C400] =	vst v63  }
0x86: {  	_ =	swait.ge [sflag:s6], $0x3E80  }
0x87: {  	[sflag:s6] =	ssyncset.done $0x0  }
0x88: {  	[sflag:s6] =	ssyncadd.s32 $0xFFFFC180  }
0x89: {  	[spmem:s3] =	stream.indirect.scatter.add.f32 [tilespmem:s31], [sflag:$0x3], $0x80, s7, s2, $0xb8;
	[tilespmem:$0x1C400] =	vst v63  }
0x8a: {  	_ =	swait.ge [sflag:s28], $0x3E80  }
0x8b: {  	[sflag:s28] =	ssyncset.done $0x0  }
0x8c: {  	[sflag:s28] =	ssyncadd.s32 $0xFFFFC180  }
0x8d: {  	[tilespmem:s23], [sflag:$0x2] =	stream.indirect.gather [hbm4b:s1+s2], $0x80, s8, s2, $0xb8;
	[tilespmem:$0x1C400] =	vst v63  }
0x8e: {  	_ =	swait.ge [sflag:s24], $0x3E80  }
0x8f: {  	[sflag:s24] =	ssyncset.done $0x0  }
0x90: {  	[sflag:s24] =	ssyncadd.s32 $0xFFFFC180  }
0x91: {  	[spmem:s3] =	stream.indirect.scatter.add.f32 [tilespmem:s23], [sflag:$0x4], $0x80, s9, s2, $0xb8;
	[tilespmem:$0x1C400] =	vst v63  }
0x92: {  	_ =	swait.ge [sflag:s28], $0x3E80  }
0x93: {  	[sflag:s28] =	ssyncset.done $0x0  }
0x94: {  	[sflag:s28] =	ssyncadd.s32 $0xFFFFC180  }
0x95: {  	_ =	swait.ge [sflag:s25], $0x3E80  }
0x96: {  	s10 =	smov.u32 s12;
	s11 =	simm.s32 $0x80;
	[sflag:s25] =	ssyncset.done $0x0  }
.LBB2_2:
0x97: {  	s12 =	rddreg [dreg:$0x7];
	s13 =	smov.u32 s11  }
0x98: {  	[sflag:s25] =	ssyncadd.s32 $0xFFFFC180;
	s12 =	sadd.s32 s13, s12  }
0x99: {  	[tilespmem:s5], [sflag:$0x5] =	stream.linear.gather [hbm4b:s12+s5], $0x400, $0x38;
	[tilespmem:$0x1C400] =	vst v63  }
0x9a: {  	_ =	swait.ge [sflag:s0], $0x400  }
0x9b: {  	[sflag:s0] =	ssyncset.done $0x0  }
0x9c: {  	s13 =	sadd.s32 s13, s22;
	[sflag:s0] =	ssyncadd.s32 $0xFFFFFC00  }
0x9d: {  	[tilespmem:s4], [sflag:$0x5] =	stream.linear.gather [hbm4b:s13+s5], $0x400, $0x38;
	[tilespmem:$0x1C400] =	vst v63  }
0x9e: {  	_ =	swait.ge [sflag:s0], $0x400  }
0x9f: {  	[sflag:s0] =	ssyncset.done $0x0  }
0xa0: {  	[sflag:s0] =	ssyncadd.s32 $0xFFFFFC00  }
0xa1: {  	[tilespmem:s31], [sflag:$0x1] =	stream.indirect.gather [hbm4b:s1+s2], $0x80, s5, s2, $0xb8;
	[tilespmem:$0x1C400] =	vst v63  }
0xa2: {  	_ =	swait.ge [sflag:s6], $0x3E80  }
0xa3: {  	[sflag:s6] =	ssyncset.done $0x0  }
0xa4: {  	[sflag:s6] =	ssyncadd.s32 $0xFFFFC180  }
0xa5: {  	[spmem:s3] =	stream.indirect.scatter.add.f32 [tilespmem:s31], [sflag:$0x3], $0x80, s4, s2, $0xb8;
	[tilespmem:$0x1C400] =	vst v63  }
0xa6: {  	_ = 	snop  }
0xa7: {  	[tilespmem:s23], [sflag:$0x2] =	stream.indirect.gather [hbm4b:s1+s2], $0x80, s21, s2, $0xb8;
	[tilespmem:$0x1C400] =	vst v63  }
0xa8: {  	_ =	swait.ge [sflag:s24], $0x3E80  }
0xa9: {  	[sflag:s24] =	ssyncset.done $0x0  }
0xaa: {  	[sflag:s24] =	ssyncadd.s32 $0xFFFFC180  }
0xab: {  	[spmem:s3] =	stream.indirect.scatter.add.f32 [tilespmem:s23], [sflag:$0x4], $0x80, s14, s2, $0xb8;
	[tilespmem:$0x1C400] =	vst v63  }
0xac: {  	_ =	swait.ge [sflag:s25], $0x3E80  }
0xad: {  	[sflag:s25] =	ssyncset.done $0x0  }
0xae: {  	[sflag:s25] =	ssyncadd.s32 $0xFFFFC180  }
0xaf: {  	[tilespmem:s31], [sflag:$0x1] =	stream.indirect.gather [hbm4b:s1+s2], $0x80, s15, s2, $0xb8;
	[tilespmem:$0x1C400] =	vst v63  }
0xb0: {  	_ =	swait.ge [sflag:s6], $0x3E80  }
0xb1: {  	[sflag:s6] =	ssyncset.done $0x0  }
0xb2: {  	[sflag:s6] =	ssyncadd.s32 $0xFFFFC180  }
0xb3: {  	[spmem:s3] =	stream.indirect.scatter.add.f32 [tilespmem:s31], [sflag:$0x3], $0x80, s26, s2, $0xb8;
	[tilespmem:$0x1C400] =	vst v63  }
0xb4: {  	_ =	swait.ge [sflag:s28], $0x3E80  }
0xb5: {  	[sflag:s28] =	ssyncset.done $0x0  }
0xb6: {  	[sflag:s28] =	ssyncadd.s32 $0xFFFFC180  }
0xb7: {  	[tilespmem:s23], [sflag:$0x2] =	stream.indirect.gather [hbm4b:s1+s2], $0x80, s16, s2, $0xb8;
	[tilespmem:$0x1C400] =	vst v63  }
0xb8: {  	_ =	swait.ge [sflag:s24], $0x3E80  }
0xb9: {  	[sflag:s24] =	ssyncset.done $0x0  }
0xba: {  	[sflag:s24] =	ssyncadd.s32 $0xFFFFC180  }
0xbb: {  	[spmem:s3] =	stream.indirect.scatter.add.f32 [tilespmem:s23], [sflag:$0x4], $0x80, s29, s2, $0xb8;
	[tilespmem:$0x1C400] =	vst v63  }
0xbc: {  	_ =	swait.ge [sflag:s25], $0x3E80  }
0xbd: {  	[sflag:s25] =	ssyncset.done $0x0  }
0xbe: {  	[sflag:s25] =	ssyncadd.s32 $0xFFFFC180  }
0xbf: {  	[tilespmem:s31], [sflag:$0x1] =	stream.indirect.gather [hbm4b:s1+s2], $0x80, s30, s2, $0xb8;
	[tilespmem:$0x1C400] =	vst v63  }
0xc0: {  	_ =	swait.ge [sflag:s6], $0x3E80  }
0xc1: {  	[sflag:s6] =	ssyncset.done $0x0  }
0xc2: {  	[sflag:s6] =	ssyncadd.s32 $0xFFFFC180  }
0xc3: {  	[spmem:s3] =	stream.indirect.scatter.add.f32 [tilespmem:s31], [sflag:$0x3], $0x80, s17, s2, $0xb8;
	[tilespmem:$0x1C400] =	vst v63  }
0xc4: {  	_ =	swait.ge [sflag:s28], $0x3E80  }
0xc5: {  	[sflag:s28] =	ssyncset.done $0x0  }
0xc6: {  	[sflag:s28] =	ssyncadd.s32 $0xFFFFC180  }
0xc7: {  	[tilespmem:s23], [sflag:$0x2] =	stream.indirect.gather [hbm4b:s1+s2], $0x80, s18, s2, $0xb8;
	[tilespmem:$0x1C400] =	vst v63  }
0xc8: {  	_ =	swait.ge [sflag:s24], $0x3E80  }
0xc9: {  	[sflag:s24] =	ssyncset.done $0x0  }
0xca: {  	[sflag:s24] =	ssyncadd.s32 $0xFFFFC180  }
0xcb: {  	[spmem:s3] =	stream.indirect.scatter.add.f32 [tilespmem:s23], [sflag:$0x4], $0x80, s19, s2, $0xb8;
	[tilespmem:$0x1C400] =	vst v63  }
0xcc: {  	_ =	swait.ge [sflag:s25], $0x3E80  }
0xcd: {  	[sflag:s25] =	ssyncset.done $0x0  }
0xce: {  	[sflag:s25] =	ssyncadd.s32 $0xFFFFC180  }
0xcf: {  	[tilespmem:s31], [sflag:$0x1] =	stream.indirect.gather [hbm4b:s1+s2], $0x80, s20, s2, $0xb8;
	[tilespmem:$0x1C400] =	vst v63  }
0xd0: {  	_ =	swait.ge [sflag:s6], $0x3E80  }
0xd1: {  	[sflag:s6] =	ssyncset.done $0x0  }
0xd2: {  	[sflag:s6] =	ssyncadd.s32 $0xFFFFC180  }
0xd3: {  	[spmem:s3] =	stream.indirect.scatter.add.f32 [tilespmem:s31], [sflag:$0x3], $0x80, s7, s2, $0xb8;
	[tilespmem:$0x1C400] =	vst v63  }
0xd4: {  	_ =	swait.ge [sflag:s28], $0x3E80  }
0xd5: {  	[sflag:s28] =	ssyncset.done $0x0  }
0xd6: {  	[sflag:s28] =	ssyncadd.s32 $0xFFFFC180  }
0xd7: {  	[tilespmem:s23], [sflag:$0x2] =	stream.indirect.gather [hbm4b:s1+s2], $0x80, s8, s2, $0xb8;
	[tilespmem:$0x1C400] =	vst v63  }
0xd8: {  	_ =	swait.ge [sflag:s24], $0x3E80  }
0xd9: {  	[sflag:s24] =	ssyncset.done $0x0  }
0xda: {  	p0 =	sne.s32 s11, $0x980;
	[sflag:s24] =	ssyncadd.s32 $0xFFFFC180  }
0xdb: {  	[spmem:s3] =	stream.indirect.scatter.add.f32 [tilespmem:s23], [sflag:$0x4], $0x80, s9, s2, $0xb8;
	[tilespmem:$0x1C400] =	vst v63  }
.Ltmp0:
0xdc: {  	_ =	swait.ge [sflag:s28], $0x3E80;
	(pc) =	sbr.rel @p0 .LBB2_2-.Ltmp0, $4  }
0xdd: {  	[sflag:s28] =	ssyncset.done $0x0  }
0xde: {  	[sflag:s28] =	ssyncadd.s32 $0xFFFFC180  }
0xdf: {  	_ =	swait.ge [sflag:s25], $0x3E80  }
0xe0: {  	s11 =	sadd.s32 $0x80, s11;
	[sflag:s25] =	ssyncset.done $0x0  }
0xe1: {  	[sflag:s25] =	ssyncadd.s32 $0xFFFFC180  }
0xe2: {  	[bflag:$0x0] =	sbarrier.arrive $0xFFFF  }
0xe3: {  	[tilespmem:s31], [sflag:$0x5] =	stream.linear.gather [spmem:s10], $0x3000, $0x38;
	[tilespmem:$0x1C400] =	vst v63  }
0xe4: {  	_ =	swait.ge [sflag:s0], $0x3000  }
0xe5: {  	[sflag:s0] =	ssyncset.done $0x0  }
0xe6: {  	s11 =	simm.s32 $0x0;
	s13 =	rddreg [dreg:$0x10];
	[sflag:s0] =	ssyncadd.s32 $0xFFFFD000  }
0xe7: {  	[hbm4b:s13+s11] =	stream.linear.scatter [tilespmem:s31], [sflag:$0x5], $0x3000, $0x38;
	[tilespmem:$0x1C400] =	vst v63  }
0xe8: {  	_ =	swait.ge [sflag:s0], $0x3000  }
0xe9: {  	[sflag:s0] =	ssyncset.done $0x0  }
0xea: {  	s12 =	rddreg [dreg:$0xa];
	[sflag:s0] =	ssyncadd.s32 $0xFFFFD000  }
0xeb: {  	[tilespmem:s31], [sflag:$0x5] =	stream.linear.gather [spmem:s12], $0x3000, $0x38;
	[tilespmem:$0x1C400] =	vst v63  }
0xec: {  	_ =	swait.ge [sflag:s0], $0x3000  }
0xed: {  	[sflag:s0] =	ssyncset.done $0x0  }
0xee: {  	s13 =	rddreg [dreg:$0x11];
	[sflag:s0] =	ssyncadd.s32 $0xFFFFD000  }
0xef: {  	[hbm4b:s13+s11] =	stream.linear.scatter [tilespmem:s31], [sflag:$0x5], $0x3000, $0x38;
	[tilespmem:$0x1C400] =	vst v63  }
0xf0: {  	_ =	swait.ge [sflag:s0], $0x3000  }
0xf1: {  	[sflag:s0] =	ssyncset.done $0x0  }
0xf2: {  	s12 =	rddreg [dreg:$0xb];
	[sflag:s0] =	ssyncadd.s32 $0xFFFFD000  }
0xf3: {  	[tilespmem:s31], [sflag:$0x5] =	stream.linear.gather [spmem:s12], $0x3000, $0x38;
	[tilespmem:$0x1C400] =	vst v63  }
0xf4: {  	_ =	swait.ge [sflag:s0], $0x3000  }
0xf5: {  	[sflag:s0] =	ssyncset.done $0x0  }
0xf6: {  	s13 =	rddreg [dreg:$0x12];
	[sflag:s0] =	ssyncadd.s32 $0xFFFFD000  }
0xf7: {  	[hbm4b:s13+s11] =	stream.linear.scatter [tilespmem:s31], [sflag:$0x5], $0x3000, $0x38;
	[tilespmem:$0x1C400] =	vst v63  }
0xf8: {  	_ =	swait.ge [sflag:s0], $0x3000  }
0xf9: {  	[sflag:s0] =	ssyncset.done $0x0  }
0xfa: {  	s12 =	rddreg [dreg:$0xc];
	[sflag:s0] =	ssyncadd.s32 $0xFFFFD000  }
0xfb: {  	[tilespmem:s31], [sflag:$0x5] =	stream.linear.gather [spmem:s12], $0x3000, $0x38;
	[tilespmem:$0x1C400] =	vst v63  }
0xfc: {  	_ =	swait.ge [sflag:s0], $0x3000  }
0xfd: {  	[sflag:s0] =	ssyncset.done $0x0  }
0xfe: {  	s13 =	rddreg [dreg:$0x13];
	[sflag:s0] =	ssyncadd.s32 $0xFFFFD000  }
0xff: {  	[hbm4b:s13+s11] =	stream.linear.scatter [tilespmem:s31], [sflag:$0x5], $0x3000, $0x38;
	[tilespmem:$0x1C400] =	vst v63  }
0x100: {  	_ =	swait.ge [sflag:s0], $0x3000  }
0x101: {  	[sflag:s0] =	ssyncset.done $0x0  }
0x102: {  	s12 =	rddreg [dreg:$0xd];
	[sflag:s0] =	ssyncadd.s32 $0xFFFFD000  }
0x103: {  	[tilespmem:s31], [sflag:$0x5] =	stream.linear.gather [spmem:s12], $0x3000, $0x38;
	[tilespmem:$0x1C400] =	vst v63  }
0x104: {  	_ =	swait.ge [sflag:s0], $0x3000  }
0x105: {  	[sflag:s0] =	ssyncset.done $0x0  }
0x106: {  	s13 =	rddreg [dreg:$0x14];
	[sflag:s0] =	ssyncadd.s32 $0xFFFFD000  }
0x107: {  	[hbm4b:s13+s11] =	stream.linear.scatter [tilespmem:s31], [sflag:$0x5], $0x3000, $0x38;
	[tilespmem:$0x1C400] =	vst v63  }
0x108: {  	_ =	swait.ge [sflag:s0], $0x3000  }
0x109: {  	[sflag:s0] =	ssyncset.done $0x0  }
0x10a: {  	s12 =	rddreg [dreg:$0xe];
	[sflag:s0] =	ssyncadd.s32 $0xFFFFD000  }
0x10b: {  	[tilespmem:s31], [sflag:$0x5] =	stream.linear.gather [spmem:s12], $0x3000, $0x38;
	[tilespmem:$0x1C400] =	vst v63  }
0x10c: {  	_ =	swait.ge [sflag:s0], $0x3000  }
0x10d: {  	[sflag:s0] =	ssyncset.done $0x0  }
0x10e: {  	s13 =	rddreg [dreg:$0x15];
	[sflag:s0] =	ssyncadd.s32 $0xFFFFD000  }
0x10f: {  	[hbm4b:s13+s11] =	stream.linear.scatter [tilespmem:s31], [sflag:$0x5], $0x3000, $0x38;
	[tilespmem:$0x1C400] =	vst v63  }
0x110: {  	_ =	swait.ge [sflag:s0], $0x3000  }
0x111: {  	[sflag:s0] =	ssyncset.done $0x0  }
0x112: {  	s12 =	rddreg [dreg:$0xf];
	[sflag:s0] =	ssyncadd.s32 $0xFFFFD000  }
0x113: {  	[tilespmem:s31], [sflag:$0x5] =	stream.linear.gather [spmem:s12], $0x1C00, $0x38;
	[tilespmem:$0x1C400] =	vst v63  }
0x114: {  	_ =	swait.ge [sflag:s0], $0x1C00  }
0x115: {  	[sflag:s0] =	ssyncset.done $0x0  }
0x116: {  	s13 =	rddreg [dreg:$0x16];
	[sflag:s0] =	ssyncadd.s32 $0xFFFFE400  }
0x117: {  	[hbm4b:s13+s11] =	stream.linear.scatter [tilespmem:s31], [sflag:$0x5], $0x1C00, $0x38;
	[tilespmem:$0x1C400] =	vst v63  }
0x118: {  	_ =	swait.ge [sflag:s0], $0x1C00  }
0x119: {  	[sflag:s0] =	ssyncset.done $0x0  }
0x11a: {  	s12 =	rddreg [dreg:$0x8];
	[sflag:s0] =	ssyncadd.s32 $0xFFFFE400  }
0x11b: {  	[tilespmem:s23], [sflag:$0x5] =	stream.linear.gather [hbm4b:s12+s11], $0x3E80, $0x38;
	[tilespmem:$0x1C400] =	vst v63  }
0x11c: {  	_ =	swait.ge [sflag:s0], $0x3E80  }
0x11d: {  	[sflag:s0] =	ssyncset.done $0x0  }
0x11e: {  	[sflag:s0] =	ssyncadd.s32 $0xFFFFC180  }
0x11f: {  	s13 =	sadd.s32 $0x0, s22;
	[bflag:$0x0] =	sbarrier.arrive $0xFFFF  }
0x120: {  	[tilespmem:s4], [sflag:$0x5] =	stream.linear.gather [hbm4b:s13+s5], $0x400, $0x38;
	[tilespmem:$0x1C400] =	vst v63  }
0x121: {  	_ =	swait.ge [sflag:s0], $0x400  }
0x122: {  	[sflag:s0] =	ssyncset.done $0x0  }
0x123: {  	[sflag:s0] =	ssyncadd.s32 $0xFFFFFC00  }
0x124: {  	[spmem:s3] =	stream.indirect.scatter.add.f32 [tilespmem:s23], [sflag:$0x3], $0x80, s4, s2, $0xb8;
	[tilespmem:$0x1C400] =	vst v63  }
0x125: {  	_ = 	snop  }
0x126: {  	[spmem:s3] =	stream.indirect.scatter.add.f32 [tilespmem:s23], [sflag:$0x3], $0x80, s14, s2, $0xb8;
	[tilespmem:$0x1C400] =	vst v63  }
0x127: {  	_ = 	snop  }
0x128: {  	[spmem:s3] =	stream.indirect.scatter.add.f32 [tilespmem:s23], [sflag:$0x3], $0x80, s26, s2, $0xb8;
	[tilespmem:$0x1C400] =	vst v63  }
0x129: {  	_ = 	snop  }
0x12a: {  	[spmem:s3] =	stream.indirect.scatter.add.f32 [tilespmem:s23], [sflag:$0x3], $0x80, s29, s2, $0xb8;
	[tilespmem:$0x1C400] =	vst v63  }
0x12b: {  	_ = 	snop  }
0x12c: {  	[spmem:s3] =	stream.indirect.scatter.add.f32 [tilespmem:s23], [sflag:$0x3], $0x80, s17, s2, $0xb8;
	[tilespmem:$0x1C400] =	vst v63  }
0x12d: {  	_ = 	snop  }
0x12e: {  	[spmem:s3] =	stream.indirect.scatter.add.f32 [tilespmem:s23], [sflag:$0x3], $0x80, s19, s2, $0xb8;
	[tilespmem:$0x1C400] =	vst v63  }
0x12f: {  	_ = 	snop  }
0x130: {  	[spmem:s3] =	stream.indirect.scatter.add.f32 [tilespmem:s23], [sflag:$0x3], $0x80, s7, s2, $0xb8;
	[tilespmem:$0x1C400] =	vst v63  }
0x131: {  	_ = 	snop  }
0x132: {  	[spmem:s3] =	stream.indirect.scatter.add.f32 [tilespmem:s23], [sflag:$0x3], $0x80, s9, s2, $0xb8;
	[tilespmem:$0x1C400] =	vst v63  }
0x133: {  	_ =	swait.ge [sflag:s25], $0x3E80  }
0x134: {  	[sflag:s25] =	ssyncset.done $0x0  }
0x135: {  	[sflag:s25] =	ssyncadd.s32 $0xFFFFC180  }
0x136: {  	_ =	swait.ge [sflag:s25], $0x3E80  }
0x137: {  	[sflag:s25] =	ssyncset.done $0x0  }
0x138: {  	[sflag:s25] =	ssyncadd.s32 $0xFFFFC180  }
0x139: {  	_ =	swait.ge [sflag:s25], $0x3E80  }
0x13a: {  	[sflag:s25] =	ssyncset.done $0x0  }
0x13b: {  	[sflag:s25] =	ssyncadd.s32 $0xFFFFC180  }
0x13c: {  	_ =	swait.ge [sflag:s25], $0x3E80  }
0x13d: {  	[sflag:s25] =	ssyncset.done $0x0  }
0x13e: {  	[sflag:s25] =	ssyncadd.s32 $0xFFFFC180  }
0x13f: {  	_ =	swait.ge [sflag:s25], $0x3E80  }
0x140: {  	[sflag:s25] =	ssyncset.done $0x0  }
0x141: {  	[sflag:s25] =	ssyncadd.s32 $0xFFFFC180  }
0x142: {  	_ =	swait.ge [sflag:s25], $0x3E80  }
0x143: {  	[sflag:s25] =	ssyncset.done $0x0  }
0x144: {  	[sflag:s25] =	ssyncadd.s32 $0xFFFFC180  }
0x145: {  	_ =	swait.ge [sflag:s25], $0x3E80  }
0x146: {  	[sflag:s25] =	ssyncset.done $0x0  }
0x147: {  	[sflag:s25] =	ssyncadd.s32 $0xFFFFC180  }
0x148: {  	_ =	swait.ge [sflag:s25], $0x3E80  }
0x149: {  	s11 =	simm.s32 $0x80;
	s12 =	simm.s32 $0x100;
	[sflag:s25] =	ssyncset.done $0x0  }
.LBB2_4:
0x14a: {  	s10 =	sadd.s32 s11, s22  }
0x14b: {  	[sflag:s25] =	ssyncadd.s32 $0xFFFFC180;
	s11 =	smov.u32 s12;
	s13 =	sadd.s32 $0x80, s12  }
0x14c: {  	[tilespmem:s4], [sflag:$0x5] =	stream.linear.gather [hbm4b:s10+s5], $0x400, $0x38;
	[tilespmem:$0x1C400] =	vst v63  }
0x14d: {  	p0 =	sne.s32 s12, $0x980;
	_ =	swait.ge [sflag:s0], $0x400  }
0x14e: {  	[sflag:s0] =	ssyncset.done $0x0  }
0x14f: {  	[sflag:s0] =	ssyncadd.s32 $0xFFFFFC00  }
0x150: {  	[spmem:s3] =	stream.indirect.scatter.add.f32 [tilespmem:s23], [sflag:$0x3], $0x80, s4, s2, $0xb8;
	[tilespmem:$0x1C400] =	vst v63  }
0x151: {  	_ = 	snop  }
0x152: {  	[spmem:s3] =	stream.indirect.scatter.add.f32 [tilespmem:s23], [sflag:$0x3], $0x80, s14, s2, $0xb8;
	[tilespmem:$0x1C400] =	vst v63  }
0x153: {  	_ = 	snop  }
0x154: {  	[spmem:s3] =	stream.indirect.scatter.add.f32 [tilespmem:s23], [sflag:$0x3], $0x80, s26, s2, $0xb8;
	[tilespmem:$0x1C400] =	vst v63  }
0x155: {  	_ = 	snop  }
0x156: {  	[spmem:s3] =	stream.indirect.scatter.add.f32 [tilespmem:s23], [sflag:$0x3], $0x80, s29, s2, $0xb8;
	[tilespmem:$0x1C400] =	vst v63  }
0x157: {  	_ = 	snop  }
0x158: {  	[spmem:s3] =	stream.indirect.scatter.add.f32 [tilespmem:s23], [sflag:$0x3], $0x80, s17, s2, $0xb8;
	[tilespmem:$0x1C400] =	vst v63  }
0x159: {  	_ = 	snop  }
0x15a: {  	[spmem:s3] =	stream.indirect.scatter.add.f32 [tilespmem:s23], [sflag:$0x3], $0x80, s19, s2, $0xb8;
	[tilespmem:$0x1C400] =	vst v63  }
0x15b: {  	_ = 	snop  }
0x15c: {  	[spmem:s3] =	stream.indirect.scatter.add.f32 [tilespmem:s23], [sflag:$0x3], $0x80, s7, s2, $0xb8;
	[tilespmem:$0x1C400] =	vst v63  }
0x15d: {  	_ = 	snop  }
0x15e: {  	[spmem:s3] =	stream.indirect.scatter.add.f32 [tilespmem:s23], [sflag:$0x3], $0x80, s9, s2, $0xb8;
	[tilespmem:$0x1C400] =	vst v63  }
0x15f: {  	_ =	swait.ge [sflag:s25], $0x3E80  }
0x160: {  	[sflag:s25] =	ssyncset.done $0x0  }
0x161: {  	[sflag:s25] =	ssyncadd.s32 $0xFFFFC180  }
0x162: {  	_ =	swait.ge [sflag:s25], $0x3E80  }
0x163: {  	[sflag:s25] =	ssyncset.done $0x0  }
0x164: {  	[sflag:s25] =	ssyncadd.s32 $0xFFFFC180  }
0x165: {  	_ =	swait.ge [sflag:s25], $0x3E80  }
0x166: {  	[sflag:s25] =	ssyncset.done $0x0  }
0x167: {  	[sflag:s25] =	ssyncadd.s32 $0xFFFFC180  }
0x168: {  	_ =	swait.ge [sflag:s25], $0x3E80  }
0x169: {  	[sflag:s25] =	ssyncset.done $0x0  }
0x16a: {  	[sflag:s25] =	ssyncadd.s32 $0xFFFFC180  }
0x16b: {  	_ =	swait.ge [sflag:s25], $0x3E80  }
0x16c: {  	[sflag:s25] =	ssyncset.done $0x0  }
0x16d: {  	[sflag:s25] =	ssyncadd.s32 $0xFFFFC180  }
0x16e: {  	_ =	swait.ge [sflag:s25], $0x3E80  }
0x16f: {  	[sflag:s25] =	ssyncset.done $0x0  }
0x170: {  	[sflag:s25] =	ssyncadd.s32 $0xFFFFC180  }
.Ltmp1:
0x171: {  	_ =	swait.ge [sflag:s25], $0x3E80;
	(pc) =	sbr.rel @p0 .LBB2_4-.Ltmp1, $4  }
0x172: {  	[sflag:s25] =	ssyncset.done $0x0  }
0x173: {  	[sflag:s25] =	ssyncadd.s32 $0xFFFFC180  }
0x174: {  	_ =	swait.ge [sflag:s25], $0x3E80  }
0x175: {  	s12 =	smov.u32 s13;
	[sflag:s25] =	ssyncset.done $0x0  }
0x176: {  	s10 =	sadd.s32 s11, s22;
	[sflag:s25] =	ssyncadd.s32 $0xFFFFC180  }
0x177: {  	[tilespmem:s4], [sflag:$0x5] =	stream.linear.gather [hbm4b:s10+s5], $0x400, $0x38;
	[tilespmem:$0x1C400] =	vst v63  }
0x178: {  	_ =	swait.ge [sflag:s0], $0x400  }
0x179: {  	[sflag:s0] =	ssyncset.done $0x0  }
0x17a: {  	[sflag:s0] =	ssyncadd.s32 $0xFFFFFC00  }
0x17b: {  	[spmem:s3] =	stream.indirect.scatter.add.f32 [tilespmem:s23], [sflag:$0x3], $0x80, s4, s2, $0xb8;
	[tilespmem:$0x1C400] =	vst v63  }
0x17c: {  	_ = 	snop  }
0x17d: {  	[spmem:s3] =	stream.indirect.scatter.add.f32 [tilespmem:s23], [sflag:$0x3], $0x80, s14, s2, $0xb8;
	[tilespmem:$0x1C400] =	vst v63  }
0x17e: {  	_ = 	snop  }
0x17f: {  	[spmem:s3] =	stream.indirect.scatter.add.f32 [tilespmem:s23], [sflag:$0x3], $0x80, s26, s2, $0xb8;
	[tilespmem:$0x1C400] =	vst v63  }
0x180: {  	_ = 	snop  }
0x181: {  	[spmem:s3] =	stream.indirect.scatter.add.f32 [tilespmem:s23], [sflag:$0x3], $0x80, s29, s2, $0xb8;
	[tilespmem:$0x1C400] =	vst v63  }
0x182: {  	_ = 	snop  }
0x183: {  	[spmem:s3] =	stream.indirect.scatter.add.f32 [tilespmem:s23], [sflag:$0x3], $0x80, s17, s2, $0xb8;
	[tilespmem:$0x1C400] =	vst v63  }
0x184: {  	_ = 	snop  }
0x185: {  	[spmem:s3] =	stream.indirect.scatter.add.f32 [tilespmem:s23], [sflag:$0x3], $0x80, s19, s2, $0xb8;
	[tilespmem:$0x1C400] =	vst v63  }
0x186: {  	_ = 	snop  }
0x187: {  	[spmem:s3] =	stream.indirect.scatter.add.f32 [tilespmem:s23], [sflag:$0x3], $0x80, s7, s2, $0xb8;
	[tilespmem:$0x1C400] =	vst v63  }
0x188: {  	_ = 	snop  }
0x189: {  	[spmem:s3] =	stream.indirect.scatter.add.f32 [tilespmem:s23], [sflag:$0x3], $0x80, s9, s2, $0xb8;
	[tilespmem:$0x1C400] =	vst v63  }
0x18a: {  	_ =	swait.ge [sflag:s25], $0x3E80  }
0x18b: {  	[sflag:s25] =	ssyncset.done $0x0  }
0x18c: {  	[sflag:s25] =	ssyncadd.s32 $0xFFFFC180  }
0x18d: {  	_ =	swait.ge [sflag:s25], $0x3E80  }
0x18e: {  	[sflag:s25] =	ssyncset.done $0x0  }
0x18f: {  	[sflag:s25] =	ssyncadd.s32 $0xFFFFC180  }
0x190: {  	_ =	swait.ge [sflag:s25], $0x3E80  }
0x191: {  	[sflag:s25] =	ssyncset.done $0x0  }
0x192: {  	[sflag:s25] =	ssyncadd.s32 $0xFFFFC180  }
0x193: {  	_ =	swait.ge [sflag:s25], $0x3E80  }
0x194: {  	[sflag:s25] =	ssyncset.done $0x0  }
0x195: {  	[sflag:s25] =	ssyncadd.s32 $0xFFFFC180  }
0x196: {  	_ =	swait.ge [sflag:s25], $0x3E80  }
0x197: {  	[sflag:s25] =	ssyncset.done $0x0  }
0x198: {  	[sflag:s25] =	ssyncadd.s32 $0xFFFFC180  }
0x199: {  	_ =	swait.ge [sflag:s25], $0x3E80  }
0x19a: {  	[sflag:s25] =	ssyncset.done $0x0  }
0x19b: {  	[sflag:s25] =	ssyncadd.s32 $0xFFFFC180  }
0x19c: {  	_ =	swait.ge [sflag:s25], $0x3E80  }
0x19d: {  	[sflag:s25] =	ssyncset.done $0x0  }
0x19e: {  	[sflag:s25] =	ssyncadd.s32 $0xFFFFC180  }
0x19f: {  	_ =	swait.ge [sflag:s25], $0x3E80  }
0x1a0: {  	[sflag:s25] =	ssyncset.done $0x0  }
0x1a1: {  	[sflag:s25] =	ssyncadd.s32 $0xFFFFC180  }
0x1a2: {  	[bflag:$0x0] =	sbarrier.arrive $0xFFFF  }
0x1a3: {  	s11 =	rddreg [dreg:$0x9]  }
0x1a4: {  	[tilespmem:s31], [sflag:$0x5] =	stream.linear.gather [spmem:s11], $0x3000, $0x38;
	[tilespmem:$0x1C400] =	vst v63  }
0x1a5: {  	_ =	swait.ge [sflag:s0], $0x3000  }
0x1a6: {  	[sflag:s0] =	ssyncset.done $0x0  }
0x1a7: {  	s12 =	rddreg [dreg:$0x17];
	[sflag:s0] =	ssyncadd.s32 $0xFFFFD000  }
0x1a8: {  	[hbm4b:s12+s5] =	stream.linear.scatter [tilespmem:s31], [sflag:$0x5], $0x3000, $0x38;
	[tilespmem:$0x1C400] =	vst v63  }
0x1a9: {  	_ =	swait.ge [sflag:s0], $0x3000  }
0x1aa: {  	[sflag:s0] =	ssyncset.done $0x0  }
0x1ab: {  	s11 =	rddreg [dreg:$0xa];
	[sflag:s0] =	ssyncadd.s32 $0xFFFFD000  }
0x1ac: {  	[tilespmem:s31], [sflag:$0x5] =	stream.linear.gather [spmem:s11], $0x3000, $0x38;
	[tilespmem:$0x1C400] =	vst v63  }
0x1ad: {  	_ =	swait.ge [sflag:s0], $0x3000  }
0x1ae: {  	[sflag:s0] =	ssyncset.done $0x0  }
0x1af: {  	s13 =	rddreg [dreg:$0x18];
	[sflag:s0] =	ssyncadd.s32 $0xFFFFD000  }
0x1b0: {  	[hbm4b:s13+s5] =	stream.linear.scatter [tilespmem:s31], [sflag:$0x5], $0x3000, $0x38;
	[tilespmem:$0x1C400] =	vst v63  }
0x1b1: {  	_ =	swait.ge [sflag:s0], $0x3000  }
0x1b2: {  	[sflag:s0] =	ssyncset.done $0x0  }
0x1b3: {  	s12 =	rddreg [dreg:$0xb];
	[sflag:s0] =	ssyncadd.s32 $0xFFFFD000  }
0x1b4: {  	[tilespmem:s31], [sflag:$0x5] =	stream.linear.gather [spmem:s12], $0x3000, $0x38;
	[tilespmem:$0x1C400] =	vst v63  }
0x1b5: {  	_ =	swait.ge [sflag:s0], $0x3000  }
0x1b6: {  	[sflag:s0] =	ssyncset.done $0x0  }
0x1b7: {  	s13 =	rddreg [dreg:$0x19];
	[sflag:s0] =	ssyncadd.s32 $0xFFFFD000  }
0x1b8: {  	[hbm4b:s13+s5] =	stream.linear.scatter [tilespmem:s31], [sflag:$0x5], $0x3000, $0x38;
	[tilespmem:$0x1C400] =	vst v63  }
0x1b9: {  	_ =	swait.ge [sflag:s0], $0x3000  }
0x1ba: {  	[sflag:s0] =	ssyncset.done $0x0  }
0x1bb: {  	s12 =	rddreg [dreg:$0xc];
	[sflag:s0] =	ssyncadd.s32 $0xFFFFD000  }
0x1bc: {  	[tilespmem:s31], [sflag:$0x5] =	stream.linear.gather [spmem:s12], $0x3000, $0x38;
	[tilespmem:$0x1C400] =	vst v63  }
0x1bd: {  	_ =	swait.ge [sflag:s0], $0x3000  }
0x1be: {  	[sflag:s0] =	ssyncset.done $0x0  }
0x1bf: {  	s13 =	rddreg [dreg:$0x1b];
	[sflag:s0] =	ssyncadd.s32 $0xFFFFD000  }
0x1c0: {  	[hbm4b:s13+s5] =	stream.linear.scatter [tilespmem:s31], [sflag:$0x5], $0x3000, $0x38;
	[tilespmem:$0x1C400] =	vst v63  }
0x1c1: {  	_ =	swait.ge [sflag:s0], $0x3000  }
0x1c2: {  	[sflag:s0] =	ssyncset.done $0x0  }
0x1c3: {  	s12 =	rddreg [dreg:$0xd];
	[sflag:s0] =	ssyncadd.s32 $0xFFFFD000  }
0x1c4: {  	[tilespmem:s31], [sflag:$0x5] =	stream.linear.gather [spmem:s12], $0x3000, $0x38;
	[tilespmem:$0x1C400] =	vst v63  }
0x1c5: {  	_ =	swait.ge [sflag:s0], $0x3000  }
0x1c6: {  	[sflag:s0] =	ssyncset.done $0x0  }
0x1c7: {  	s13 =	rddreg [dreg:$0x1c];
	[sflag:s0] =	ssyncadd.s32 $0xFFFFD000  }
0x1c8: {  	[hbm4b:s13+s5] =	stream.linear.scatter [tilespmem:s31], [sflag:$0x5], $0x3000, $0x38;
	[tilespmem:$0x1C400] =	vst v63  }
0x1c9: {  	_ =	swait.ge [sflag:s0], $0x3000  }
0x1ca: {  	[sflag:s0] =	ssyncset.done $0x0  }
0x1cb: {  	s12 =	rddreg [dreg:$0xe];
	[sflag:s0] =	ssyncadd.s32 $0xFFFFD000  }
0x1cc: {  	[tilespmem:s31], [sflag:$0x5] =	stream.linear.gather [spmem:s12], $0x3000, $0x38;
	[tilespmem:$0x1C400] =	vst v63  }
0x1cd: {  	_ =	swait.ge [sflag:s0], $0x3000  }
0x1ce: {  	[sflag:s0] =	ssyncset.done $0x0  }
0x1cf: {  	s13 =	rddreg [dreg:$0x1d];
	[sflag:s0] =	ssyncadd.s32 $0xFFFFD000  }
0x1d0: {  	[hbm4b:s13+s5] =	stream.linear.scatter [tilespmem:s31], [sflag:$0x5], $0x3000, $0x38;
	[tilespmem:$0x1C400] =	vst v63  }
0x1d1: {  	_ =	swait.ge [sflag:s0], $0x3000  }
0x1d2: {  	[sflag:s0] =	ssyncset.done $0x0  }
0x1d3: {  	s13 =	rddreg [dreg:$0xf];
	[sflag:s0] =	ssyncadd.s32 $0xFFFFD000  }
0x1d4: {  	[tilespmem:s31], [sflag:$0x5] =	stream.linear.gather [spmem:s13], $0x1C00, $0x38;
	[tilespmem:$0x1C400] =	vst v63  }
0x1d5: {  	_ =	swait.ge [sflag:s0], $0x1C00  }
0x1d6: {  	[sflag:s0] =	ssyncset.done $0x0  }
0x1d7: {  	s12 =	rddreg [dreg:$0x1e];
	[sflag:s0] =	ssyncadd.s32 $0xFFFFE400  }
0x1d8: {  	[hbm4b:s12+s5] =	stream.linear.scatter [tilespmem:s31], [sflag:$0x5], $0x1C00, $0x38;
	[tilespmem:$0x1C400] =	vst v63  }
0x1d9: {  	_ =	swait.ge [sflag:s0], $0x1C00  }
0x1da: {  	s12 =	rddreg [dreg:$0x1f]  }
0x1db: {  	s10 =	rddreg [dreg:$0x1a];
	s12 =	sadd.s32 $0x1, s12  }
0x1dc: {  	p0 =	sne.s32 s12, s10  }
.Ltmp2:
0x1dd: {  	_ = 	snop;
	(pc) =	sbr.rel @p0 .LBB2_1-.Ltmp2, $3  }
0x1de: {  	_ =	sdelay $0x1  }
0x1df: {  	[sflag:s0] =	ssyncset.done $0x0;
	[dreg:$0x1f] =	wrdreg s12  }
0x1e0: {  	[sflag:s0] =	ssyncadd.s32 $0xFFFFE400;
	s12 =	rddreg [dreg:$0x9]  }
0x1e1: {  	_ =	sfence.sel $0x180000  }
0x1e2: {  	[bflag:$0x0] =	sbarrier.arrive $0xFFFF  }
0x1e3: {  	_ =	strace $0x90000047  }
0x1e4: {  	s0 =	stileid.u32;
	[bflag:$0x2] =	sbarrier.arrive $0xFFFF  }
0x1e5: {  	p0 =	sne.s32 s0, $0x0;
	s0 =	rddreg [dreg:$0x6]  }
0x1e6: {  	s0 =	sadd.s32 @!p0 $0x100000, s0  }
0x1e7: {  	[sflag:s0] =	ssyncadd.tile.s32 @!p0 $0x1;
	_ =	shalt  }
.Lfunc_end2:
_tile_overlayer_lowered:
.L_overlay_start_2:
0x1e8: {  	(tag) =	ssettag $0x2  }
0x1e9: {  	s0 =	rddreg [dreg:$0x0];
	s2 =	stileid.u32  }
0x1ea: {  	s1 =	rddreg [dreg:$0x1];
	p0 =	sne.s32 s2, $0x0  }
0x1eb: {  	s3 =	rddreg [dreg:$0x2];
	[bflag:$0x3] =	sbarrier.arrive $0xFFFF;
	s2 =	simm.s32 @!p0 $0x1C05  }
0x1ec: {  	[timem:s3], [sflag:s2] =	dma.local @!p0 [hbm:s0], s1  }
0x1ed: {  	s0 =	simm.s32 @!p0 $0x5  }
0x1ee: {  	_ =	swait.ge @!p0 [sflag:s0], s1  }
0x1ef: {  	s1 =	ssub.s32 @!p0 $0x0, s1;
	[sflag:s0] =	ssyncset.done @!p0 $0x0  }
0x1f0: {  	[sflag:s0] =	ssyncadd.s32 @!p0 s1  }
0x1f1: {  	[bflag:$0x3] =	sbarrier.arrive $0xFFFF  }
0x1f2: {  	_ =	shalt  }

</sc_bundles>
